<compile_context>
chip_gen: v7x
topology: tpu7x:2x2x1
jax: 0.10.2.dev20260603
libtpu: 0.0.44.dev20260713+nightly
codegen_flags: <defaults>
</compile_context>

<pallas_src>
import functools

import jax
import jax.numpy as jnp
from jax import lax
from jax.experimental import pallas as pl
from jax.experimental.pallas import tpu as pltpu
from jax.experimental.pallas import tpu_sc as plsc

N = 10000
NPAD = 10240
S = 5000
SPAD = 5120
D = 128
H = 64
R_LIST = (0.2, 0.4)
K_LIST = (16, 32)
BLK = 256
SENT = NPAD - 1

_BIGI = 2 ** 30


def _fps_kernel(px_ref, py_ref, pz_ref, pcx_ref, pcy_ref, pcz_ref,
                idx_ref, cx_ref, cy_ref, cz_ref, dists_ref,
                sqa_ref, sqb_ref, sqc_ref):
    px = px_ref[...]
    py = py_ref[...]
    pz = pz_ref[...]
    row = lax.broadcasted_iota(jnp.int32, px.shape, 0)
    col = lax.broadcasted_iota(jnp.int32, px.shape, 1)
    flat = row * 128 + col
    pad = flat >= N

    def coords_at(j):
        vx = pcx_ref[j, 0]
        vy = pcy_ref[j, 0]
        vz = pcz_ref[j, 0]
        return vx, vy, vz

    def store(i, j, vx, vy, vz):
        idx_ref[pl.ds(i, 1), :] = jnp.full((1, 1), j, jnp.int32)
        cx_ref[pl.ds(i, 1), :] = jnp.full((1, 1), vx, jnp.float32)
        cy_ref[pl.ds(i, 1), :] = jnp.full((1, 1), vy, jnp.float32)
        cz_ref[pl.ds(i, 1), :] = jnp.full((1, 1), vz, jnp.float32)

    def dist_to(vx, vy, vz):
        sx = px - vx
        sy = py - vy
        sz = pz - vz
        return (sx * sx + sz * sz) + sy * sy

    vx0, vy0, vz0 = coords_at(jnp.int32(0))
    d0 = dist_to(vx0, vy0, vz0)
    dists_ref[...] = jnp.where(pad, -1.0, d0)
    store(0, jnp.int32(0), vx0, vy0, vz0)

    def body(i, _):
        dists = dists_ref[...]
        m = jnp.max(dists)
        nxt = jnp.min(jnp.where(dists == m, flat, _BIGI))
        vx, vy, vz = coords_at(nxt)
        d = dist_to(vx, vy, vz)
        dists_ref[...] = jnp.minimum(dists, d)
        store(i, nxt, vx, vy, vz)
        return 0

    lax.fori_loop(1, S, body, 0)


def _pre_kernel(x_ref, px_ref, py_ref, pz_ref,
                w0x_ref, w0p_ref, b0_ref, w1x_ref, w1p_ref, b1_ref,
                o_ref):
    x = x_ref[...]
    px = px_ref[...]
    py = py_ref[...]
    pz = pz_ref[...]

    def pre(wx_ref, wp_ref, b_ref):
        t = lax.dot_general(x, wx_ref[...], (((1,), (0,)), ((), ())),
                            preferred_element_type=jnp.float32)
        t = t + px * wp_ref[0:1, :] + py * wp_ref[1:2, :] + pz * wp_ref[2:3, :]
        return t + b_ref[...]

    o_ref[...] = jnp.concatenate(
        [pre(w0x_ref, w0p_ref, b0_ref), pre(w1x_ref, w1p_ref, b1_ref)],
        axis=1)


def _extract_kernel(cx_ref, cy_ref, cz_ref, prx_ref, pry_ref, prz_ref,
                    nbr_ref, d2_ref, *, r2, k):
    cx = cx_ref[...]
    cy = cy_ref[...]
    cz = cz_ref[...]
    sx = cx - prx_ref[...]
    sy = cy - pry_ref[...]
    sz = cz - prz_ref[...]
    d2 = (sx * sx + sz * sz) + sy * sy
    d2 = jnp.where(d2 <= r2, d2, jnp.inf)
    d2_ref[...] = d2
    incount = jnp.sum((d2 < jnp.inf).astype(jnp.int32), axis=1,
                      keepdims=True)
    col = lax.broadcasted_iota(jnp.int32, (BLK, NPAD), 1)
    def first_min(v):
        m = jnp.min(v, axis=1, keepdims=True)
        return jnp.min(jnp.where(v == m, col, _BIGI), axis=1, keepdims=True)

    amin0 = first_min(d2)
    nbr_ref[0] = jnp.where(0 < incount, amin0, SENT)

    def body(t, amin):
        upd = jnp.where(col == amin, jnp.inf, d2_ref[...])
        d2_ref[...] = upd
        amin = first_min(upd)
        nbr_ref[t] = jnp.where(t < incount, amin, SENT)
        return amin

    lax.fori_loop(1, k, body, amin0)


def _extract_call(cxp, cyp, czp, prx, pry, prz, *, r, k):
    blk_c = pl.BlockSpec((BLK, 1), lambda i: (i, 0))
    full_row = pl.BlockSpec((1, NPAD), lambda i: (0, 0))
    return pl.pallas_call(
        functools.partial(_extract_kernel, r2=r * r, k=k),
        grid=(SPAD // BLK,),
        in_specs=[blk_c, blk_c, blk_c, full_row, full_row, full_row],
        out_specs=pl.BlockSpec((k, BLK, 1), lambda i: (0, i, 0)),
        out_shape=jax.ShapeDtypeStruct((k, SPAD, 1), jnp.int32),
        scratch_shapes=[pltpu.VMEM((BLK, NPAD), jnp.float32)],
    )(cxp, cyp, czp, prx, pry, prz)


def _sc_gather(table, idx, k):
    info = plsc.get_sparse_core_info()
    nw = info.num_cores * info.num_subcores
    nrows = SPAD * k
    per_w = nrows // nw
    ch = 128
    nch = per_w // ch
    mesh = plsc.VectorSubcoreMesh(core_axis_name="c", subcore_axis_name="s")

    @functools.partial(
        pl.kernel, mesh=mesh,
        out_type=jax.ShapeDtypeStruct((nrows, D), jnp.float32),
        scratch_types=[
            pltpu.VMEM((ch,), jnp.int32),
            pltpu.VMEM((ch, D), jnp.float32),
            pltpu.SemaphoreType.DMA,
        ],
    )
    def gk(table_hbm, idx_hbm, out_hbm, idx_v, rows_v, sem):
        wid = lax.axis_index("s") * info.num_cores + lax.axis_index("c")
        base = wid * per_w

        def body(g, _):
            off = base + g * ch
            pltpu.sync_copy(idx_hbm.at[pl.ds(off, ch)], idx_v)
            pltpu.async_copy(table_hbm.at[idx_v], rows_v, sem).wait()
            pltpu.sync_copy(rows_v, out_hbm.at[pl.ds(off, ch)])
            return 0

        lax.fori_loop(0, nch, body, 0)

    return gk(table, idx)


def _mlp_kernel(g_ref, nbr_ref, cx_ref, cy_ref, cz_ref,
                wp_ref, w1_ref, b1_ref, out_ref, *, k, half):
    cx = cx_ref[...]
    cy = cy_ref[...]
    cz = cz_ref[...]
    cwr = (cx * wp_ref[0:1, :] + cy * wp_ref[1:2, :] + cz * wp_ref[2:3, :])
    w1 = w1_ref[...]
    b1 = b1_ref[...]
    acc = jnp.zeros((BLK, D), jnp.float32)
    for t in range(k):
        g_t = g_ref[t, :, half * H:(half + 1) * H]
        h1 = jnp.maximum(g_t - cwr, 0.0)
        h2 = lax.dot_general(h1, w1, (((1,), (0,)), ((), ())),
                             preferred_element_type=jnp.float32)
        h2 = jnp.maximum(h2 + b1, 0.0)
        valid = nbr_ref[t] != SENT
        acc = jnp.maximum(acc, jnp.where(valid, h2, 0.0))
    out_ref[...] = acc


def _mlp_call(g, nbr, cxp, cyp, czp, wp, w1, b1, *, k, half):
    blk_c = pl.BlockSpec((BLK, 1), lambda i: (i, 0))
    return pl.pallas_call(
        functools.partial(_mlp_kernel, k=k, half=half),
        grid=(SPAD // BLK,),
        in_specs=[
            pl.BlockSpec((k, BLK, D), lambda i: (0, i, 0)),
            pl.BlockSpec((k, BLK, 1), lambda i: (0, i, 0)),
            blk_c, blk_c, blk_c,
            pl.BlockSpec((3, H), lambda i: (0, 0)),
            pl.BlockSpec((H, D), lambda i: (0, 0)),
            pl.BlockSpec((1, D), lambda i: (0, 0)),
        ],
        out_specs=pl.BlockSpec((BLK, D), lambda i: (i, 0)),
        out_shape=jax.ShapeDtypeStruct((SPAD, D), jnp.float32),
    )(g, nbr, cxp, cyp, czp, wp, w1, b1)


def kernel(x, pos, batch, W0_0, b0_0, W0_1, b0_1, W1_0, b1_0, W1_1, b1_1):
    posp = jnp.pad(pos, ((0, NPAD - N), (0, 0)), constant_values=2.0)
    px = posp[:, 0].reshape(80, 128)
    py = posp[:, 1].reshape(80, 128)
    pz = posp[:, 2].reshape(80, 128)
    pcx = posp[:, 0].reshape(NPAD, 1)
    pcy = posp[:, 1].reshape(NPAD, 1)
    pcz = posp[:, 2].reshape(NPAD, 1)

    grid2d = pl.BlockSpec((80, 128), lambda: (0, 0))
    coln = pl.BlockSpec((NPAD, 1), lambda: (0, 0))
    col1 = pl.BlockSpec((S, 1), lambda: (0, 0))
    idx, cx, cy, cz = pl.pallas_call(
        _fps_kernel,
        grid=(),
        in_specs=[grid2d, grid2d, grid2d, coln, coln, coln],
        out_specs=[col1, col1, col1, col1],
        out_shape=[
            jax.ShapeDtypeStruct((S, 1), jnp.int32),
            jax.ShapeDtypeStruct((S, 1), jnp.float32),
            jax.ShapeDtypeStruct((S, 1), jnp.float32),
            jax.ShapeDtypeStruct((S, 1), jnp.float32),
        ],
        scratch_shapes=[pltpu.VMEM((80, 128), jnp.float32),
                        pltpu.VMEM((80, 128), jnp.float32),
                        pltpu.VMEM((80, 128), jnp.float32),
                        pltpu.VMEM((80, 128), jnp.float32)],
    )(px, py, pz, pcx, pcy, pcz)

    xp = jnp.pad(x, ((0, NPAD - N), (0, 0)))
    PB = 1024
    xpre = pl.pallas_call(
        _pre_kernel,
        grid=(NPAD // PB,),
        in_specs=[
            pl.BlockSpec((PB, D), lambda i: (i, 0)),
            pl.BlockSpec((PB, 1), lambda i: (i, 0)),
            pl.BlockSpec((PB, 1), lambda i: (i, 0)),
            pl.BlockSpec((PB, 1), lambda i: (i, 0)),
            pl.BlockSpec((D, H), lambda i: (0, 0)),
            pl.BlockSpec((3, H), lambda i: (0, 0)),
            pl.BlockSpec((1, H), lambda i: (0, 0)),
            pl.BlockSpec((D, H), lambda i: (0, 0)),
            pl.BlockSpec((3, H), lambda i: (0, 0)),
            pl.BlockSpec((1, H), lambda i: (0, 0)),
        ],
        out_specs=pl.BlockSpec((PB, D), lambda i: (i, 0)),
        out_shape=jax.ShapeDtypeStruct((NPAD, D), jnp.float32),
    )(xp, pcx, pcy, pcz,
      W0_0[:D], W0_0[D:], b0_0.reshape(1, H),
      W1_0[:D], W1_0[D:], b1_0.reshape(1, H))

    cpad = ((0, SPAD - S), (0, 0))
    cxp = jnp.pad(cx, cpad, constant_values=3.0)
    cyp = jnp.pad(cy, cpad, constant_values=3.0)
    czp = jnp.pad(cz, cpad, constant_values=3.0)
    prx = posp[:, 0].reshape(1, NPAD)
    pry = posp[:, 1].reshape(1, NPAD)
    prz = posp[:, 2].reshape(1, NPAD)

    outs = []
    for half, (r, kk, wfull, w1, b1) in enumerate((
            (R_LIST[0], K_LIST[0], W0_0, W0_1, b0_1),
            (R_LIST[1], K_LIST[1], W1_0, W1_1, b1_1))):
        nbr = _extract_call(cxp, cyp, czp, prx, pry, prz, r=r, k=kk)
        g = _sc_gather(xpre, nbr.reshape(-1), kk)
        out = _mlp_call(g.reshape(kk, SPAD, D), nbr, cxp, cyp, czp,
                        wfull[D:], w1, b1.reshape(1, D), k=kk, half=half)
        outs.append(out[:S])

    x_out = jnp.concatenate(outs, axis=1)
    centers = jnp.concatenate([cx, cy, cz], axis=1)
    return (x_out, centers, jnp.take(batch, idx[:, 0], axis=0))

# --- scband reference (transcript-rebuilt; emitter-appended) ---
"""Pipeline reference for scband-samodule-msg-43997644980918 (READ-ONLY COPY).

The authoritative reference and input builder live on the scoring server;
editing this copy changes nothing except your own understanding.
"""

import jax, jax.numpy as jnp
import numpy as np

N_NODES = 10000
D_FEAT = 128
RATIO = 0.5
R_LIST = [0.2, 0.4]
K_LIST = [16, 32]


def fps(pos, n_samples):
    # farthest point sampling, first point is index 0 (matches torch_geometric fps semantics)
    dists = jnp.sum((pos - pos[0]) ** 2, axis=1)
    idx = jnp.zeros((n_samples,), dtype=jnp.int32)

    def body(i, state):
        idx, dists = state
        nxt = jnp.argmax(dists).astype(jnp.int32)
        idx = idx.at[i].set(nxt)
        d = jnp.sum((pos - pos[nxt]) ** 2, axis=1)
        dists = jnp.minimum(dists, d)
        return (idx, dists)

    idx, _ = jax.lax.fori_loop(1, n_samples, body, (idx, dists))
    return idx


def mlp_apply(h, params):
    for W, b in params:
        h = jax.nn.relu(h @ W + b)
    return h


def point_conv(x, pos, centers, r, k, params):
    # radius graph capped at k neighbors (k nearest within radius r), then
    # PointConv message: mlp(concat(x_j, pos_j - pos_i)) with max aggregation
    d2 = jnp.sum((centers[:, None, :] - pos[None, :, :]) ** 2, axis=-1)  # [S, N]
    d2m = jnp.where(d2 <= r * r, d2, jnp.inf)
    neg_d, nbr = jax.lax.top_k(-d2m, k)  # k nearest within radius
    valid = jnp.isfinite(neg_d)  # [S, k]
    x_j = jnp.take(x, nbr, axis=0)  # gather [S, k, C]
    pos_j = jnp.take(pos, nbr, axis=0)  # gather [S, k, 3]
    rel = pos_j - centers[:, None, :]
    h = jnp.concatenate([x_j, rel], axis=-1)
    h = mlp_apply(h, params)
    h = jnp.where(valid[:, :, None], h, -jnp.inf)
    return jnp.max(h, axis=1)  # max aggregation per center


def setup_inputs(seed: int = 0):
    key = jax.random.key(seed)
    ks = jax.random.split(key, 10)
    x = jax.random.normal(ks[0], (N_NODES, D_FEAT), dtype=jnp.float32)
    pos = jax.random.uniform(ks[1], (N_NODES, 3), dtype=jnp.float32)
    batch = jnp.zeros((N_NODES,), dtype=jnp.int32)

    def lin(k, fan_in, fan_out):
        return jax.random.normal(k, (fan_in, fan_out), dtype=jnp.float32) * (1.0 / np.sqrt(fan_in))

    inp = {"x": x, "pos": pos, "batch": batch}
    inp["W0_0"] = lin(ks[2], D_FEAT + 3, 64)
    inp["b0_0"] = jnp.zeros((64,), jnp.float32)
    inp["W0_1"] = lin(ks[3], 64, 128)
    inp["b0_1"] = jnp.zeros((128,), jnp.float32)
    inp["W1_0"] = lin(ks[4], D_FEAT + 3, 64)
    inp["b1_0"] = jnp.zeros((64,), jnp.float32)
    inp["W1_1"] = lin(ks[5], 64, 128)
    inp["b1_1"] = jnp.zeros((128,), jnp.float32)
    return inp


def reference(x, pos, batch, W0_0, b0_0, W0_1, b0_1, W1_0, b1_0, W1_1, b1_1):
    n_samples = int(x.shape[0] * RATIO)
    idx = fps(pos, n_samples)
    centers = jnp.take(pos, idx, axis=0)
    params = [[(W0_0, b0_0), (W0_1, b0_1)], [(W1_0, b1_0), (W1_1, b1_1)]]
    outs = []
    for r, k, p in zip(R_LIST, K_LIST, params):
        outs.append(point_conv(x, pos, centers, r, k, p))
    x_out = jnp.concatenate(outs, axis=1)
    return (x_out, centers, jnp.take(batch, idx, axis=0))

if __name__ == "__main__":
    import jax
    _d = setup_inputs()
    print(jax.jit(kernel)(*tuple(_d.values())))

</pallas_src>

<mosaic_0001>
#map = affine_map<(d0, d1) -> (0, 0)>
#map1 = affine_map<(d0, d1) -> (0)>
module attributes {stable_mosaic.version = 14 : i64} {
  func.func @gk(%arg0: i32, %arg1: i32, %arg2: memref<10240x128xf32, #tpu.memory_space<hbm>>, %arg3: memref<81920xi32, #tpu.memory_space<hbm>>, %arg4: memref<81920x128xf32, #tpu.memory_space<hbm>>, %arg5: memref<128xi32, #tpu.memory_space<vmem>>, %arg6: memref<128x128xf32, #tpu.memory_space<vmem>>, %arg7: memref<!tpu.dma_semaphore, #tpu.memory_space<semaphore_mem>>) attributes {dimension_semantics = [#tpu.dimension_semantics<core_parallel>, #tpu.dimension_semantics<subcore_parallel>], iteration_bounds = array<i64: 2, 16>, scalar_prefetch = 0 : i64, scratch_operands = 3 : i64, tpu.core_type = #tpu.core_type<sc_vector_subcore>, window_params = [{transform_indices = #map}, {transform_indices = #map1}, {transform_indices = #map}]} {
    %mul3A = arith.constant 2 : i32
    %mul3A_0 = arith.muli %arg1, %mul3A : i32
    %add3A = arith.addi %mul3A_0, %arg0 : i32
    %mul3A_1 = arith.constant 2560 : i32
    %mul3A_2 = arith.muli %add3A, %mul3A_1 : i32
    %scan3A = arith.constant 0 : i32
    %scan3A_3 = arith.constant 0 : i32
    %scan3A_4 = arith.constant 20 : i32
    %scan3A_5 = arith.addi %scan3A_3, %scan3A_4 : i32
    %scan3A_6 = arith.constant 1 : i32
    %scan3A_7 = scf.for %scan3A_9 = %scan3A_3 to %scan3A_5 step %scan3A_6 iter_args(%scan3A_10 = %scan3A) -> (i32)  : i32 {
      %mul3A_11 = arith.constant 128 : i32
      %mul3A_12 = arith.muli %scan3A_9, %mul3A_11 : i32
      %add3A_13 = arith.addi %mul3A_2, %mul3A_12 : i32
      "tpu.region"() ({
        %run_scoped3A = tpu.sem_alloc : memref<!tpu.dma_semaphore, #tpu.memory_space<semaphore_mem>>
        %dma_start3A_19 = tpu.memref_slice %arg3[%add3A_13] : memref<81920xi32, #tpu.memory_space<hbm>> -> memref<128xi32, #tpu.memory_space<hbm>>
        %dma_start3A_20 = tpu.memref_slice %arg3[%add3A_13] : memref<81920xi32, #tpu.memory_space<hbm>> -> memref<128xi32, #tpu.memory_space<hbm>>
        tpu.enqueue_dma source(%dma_start3A_20 : memref<128xi32, #tpu.memory_space<hbm>>) target(%arg5 : memref<128xi32, #tpu.memory_space<vmem>>) target_semaphore(%run_scoped3A : memref<!tpu.dma_semaphore, #tpu.memory_space<semaphore_mem>>)
        %dma_wait3A_21 = tpu.memref_slice %arg3[%add3A_13] : memref<81920xi32, #tpu.memory_space<hbm>> -> memref<128xi32, #tpu.memory_space<hbm>>
        %dma_wait3A_22 = tpu.memref_slice %arg3[%add3A_13] : memref<81920xi32, #tpu.memory_space<hbm>> -> memref<128xi32, #tpu.memory_space<hbm>>
        tpu.wait_dma2 semaphore(%run_scoped3A : memref<!tpu.dma_semaphore, #tpu.memory_space<semaphore_mem>>) src(%dma_wait3A_22 : memref<128xi32, #tpu.memory_space<hbm>>) dst(%arg5 : memref<128xi32, #tpu.memory_space<vmem>>)
        tpu.yield
      }) : () -> ()
      %dma_start3A = arith.constant 0 : i32
      %dma_start3A_14 = arith.constant 0 : i32
      %dma_start3A_15 = tpu.memref_slice %arg2[%dma_start3A, %dma_start3A_14] : memref<10240x128xf32, #tpu.memory_space<hbm>> -> memref<10240x128xf32, #tpu.memory_space<hbm>>
      tpu.enqueue_indirect_dma source(%dma_start3A_15 : memref<10240x128xf32, #tpu.memory_space<hbm>>) target(%arg6 : memref<128x128xf32, #tpu.memory_space<vmem>>) offsets(%arg5 : memref<128xi32, #tpu.memory_space<vmem>>) semaphore(%arg7 : memref<!tpu.dma_semaphore, #tpu.memory_space<semaphore_mem>>)
      %dma_wait3A = arith.constant 0 : i32
      %dma_wait3A_16 = arith.constant 0 : i32
      %dma_wait3A_17 = tpu.memref_slice %arg2[%dma_wait3A, %dma_wait3A_16] : memref<10240x128xf32, #tpu.memory_space<hbm>> -> memref<10240x128xf32, #tpu.memory_space<hbm>>
      tpu.wait_indirect_dma semaphore(%arg7 : memref<!tpu.dma_semaphore, #tpu.memory_space<semaphore_mem>>) src(%dma_wait3A_17 : memref<10240x128xf32, #tpu.memory_space<hbm>>) dst(%arg6 : memref<128x128xf32, #tpu.memory_space<vmem>>)
      "tpu.region"() ({
        %run_scoped3A = tpu.sem_alloc : memref<!tpu.dma_semaphore, #tpu.memory_space<semaphore_mem>>
        %dma_start3A_19 = arith.constant 0 : i32
        %dma_start3A_20 = tpu.memref_slice %arg4[%add3A_13, %dma_start3A_19] : memref<81920x128xf32, #tpu.memory_space<hbm>> -> memref<128x128xf32, #tpu.memory_space<hbm>>
        %dma_start3A_21 = arith.constant 0 : i32
        %dma_start3A_22 = tpu.memref_slice %arg4[%add3A_13, %dma_start3A_21] : memref<81920x128xf32, #tpu.memory_space<hbm>> -> memref<128x128xf32, #tpu.memory_space<hbm>>
        tpu.enqueue_dma source(%arg6 : memref<128x128xf32, #tpu.memory_space<vmem>>) target(%dma_start3A_22 : memref<128x128xf32, #tpu.memory_space<hbm>>) target_semaphore(%run_scoped3A : memref<!tpu.dma_semaphore, #tpu.memory_space<semaphore_mem>>)
        %dma_wait3A_23 = arith.constant 0 : i32
        %dma_wait3A_24 = tpu.memref_slice %arg4[%add3A_13, %dma_wait3A_23] : memref<81920x128xf32, #tpu.memory_space<hbm>> -> memref<128x128xf32, #tpu.memory_space<hbm>>
        %dma_wait3A_25 = arith.constant 0 : i32
        %dma_wait3A_26 = tpu.memref_slice %arg4[%add3A_13, %dma_wait3A_25] : memref<81920x128xf32, #tpu.memory_space<hbm>> -> memref<128x128xf32, #tpu.memory_space<hbm>>
        tpu.wait_dma2 semaphore(%run_scoped3A : memref<!tpu.dma_semaphore, #tpu.memory_space<semaphore_mem>>) src(%arg6 : memref<128x128xf32, #tpu.memory_space<vmem>>) dst(%dma_wait3A_26 : memref<128x128xf32, #tpu.memory_space<hbm>>)
        tpu.yield
      }) : () -> ()
      %scan3A_18 = arith.constant 0 : i32
      scf.yield %scan3A_18 : i32
    }
    %scan3A_8 = arith.constant 20 : i32
    return
  }
}

#map = affine_map<(d0, d1) -> (0, 0)>
#map1 = affine_map<(d0, d1) -> (0)>
module attributes {stable_mosaic.version = 14 : i64} {
  func.func @gk(%arg0: i32, %arg1: i32, %arg2: memref<10240x128xf32, #tpu.memory_space<hbm>>, %arg3: memref<163840xi32, #tpu.memory_space<hbm>>, %arg4: memref<163840x128xf32, #tpu.memory_space<hbm>>, %arg5: memref<128xi32, #tpu.memory_space<vmem>>, %arg6: memref<128x128xf32, #tpu.memory_space<vmem>>, %arg7: memref<!tpu.dma_semaphore, #tpu.memory_space<semaphore_mem>>) attributes {dimension_semantics = [#tpu.dimension_semantics<core_parallel>, #tpu.dimension_semantics<subcore_parallel>], iteration_bounds = array<i64: 2, 16>, scalar_prefetch = 0 : i64, scratch_operands = 3 : i64, tpu.core_type = #tpu.core_type<sc_vector_subcore>, window_params = [{transform_indices = #map}, {transform_indices = #map1}, {transform_indices = #map}]} {
    %mul3A = arith.constant 2 : i32
    %mul3A_0 = arith.muli %arg1, %mul3A : i32
    %add3A = arith.addi %mul3A_0, %arg0 : i32
    %mul3A_1 = arith.constant 5120 : i32
    %mul3A_2 = arith.muli %add3A, %mul3A_1 : i32
    %scan3A = arith.constant 0 : i32
    %scan3A_3 = arith.constant 0 : i32
    %scan3A_4 = arith.constant 40 : i32
    %scan3A_5 = arith.addi %scan3A_3, %scan3A_4 : i32
    %scan3A_6 = arith.constant 1 : i32
    %scan3A_7 = scf.for %scan3A_9 = %scan3A_3 to %scan3A_5 step %scan3A_6 iter_args(%scan3A_10 = %scan3A) -> (i32)  : i32 {
      %mul3A_11 = arith.constant 128 : i32
      %mul3A_12 = arith.muli %scan3A_9, %mul3A_11 : i32
      %add3A_13 = arith.addi %mul3A_2, %mul3A_12 : i32
      "tpu.region"() ({
        %run_scoped3A = tpu.sem_alloc : memref<!tpu.dma_semaphore, #tpu.memory_space<semaphore_mem>>
        %dma_start3A_19 = tpu.memref_slice %arg3[%add3A_13] : memref<163840xi32, #tpu.memory_space<hbm>> -> memref<128xi32, #tpu.memory_space<hbm>>
        %dma_start3A_20 = tpu.memref_slice %arg3[%add3A_13] : memref<163840xi32, #tpu.memory_space<hbm>> -> memref<128xi32, #tpu.memory_space<hbm>>
        tpu.enqueue_dma source(%dma_start3A_20 : memref<128xi32, #tpu.memory_space<hbm>>) target(%arg5 : memref<128xi32, #tpu.memory_space<vmem>>) target_semaphore(%run_scoped3A : memref<!tpu.dma_semaphore, #tpu.memory_space<semaphore_mem>>)
        %dma_wait3A_21 = tpu.memref_slice %arg3[%add3A_13] : memref<163840xi32, #tpu.memory_space<hbm>> -> memref<128xi32, #tpu.memory_space<hbm>>
        %dma_wait3A_22 = tpu.memref_slice %arg3[%add3A_13] : memref<163840xi32, #tpu.memory_space<hbm>> -> memref<128xi32, #tpu.memory_space<hbm>>
        tpu.wait_dma2 semaphore(%run_scoped3A : memref<!tpu.dma_semaphore, #tpu.memory_space<semaphore_mem>>) src(%dma_wait3A_22 : memref<128xi32, #tpu.memory_space<hbm>>) dst(%arg5 : memref<128xi32, #tpu.memory_space<vmem>>)
        tpu.yield
      }) : () -> ()
      %dma_start3A = arith.constant 0 : i32
      %dma_start3A_14 = arith.constant 0 : i32
      %dma_start3A_15 = tpu.memref_slice %arg2[%dma_start3A, %dma_start3A_14] : memref<10240x128xf32, #tpu.memory_space<hbm>> -> memref<10240x128xf32, #tpu.memory_space<hbm>>
      tpu.enqueue_indirect_dma source(%dma_start3A_15 : memref<10240x128xf32, #tpu.memory_space<hbm>>) target(%arg6 : memref<128x128xf32, #tpu.memory_space<vmem>>) offsets(%arg5 : memref<128xi32, #tpu.memory_space<vmem>>) semaphore(%arg7 : memref<!tpu.dma_semaphore, #tpu.memory_space<semaphore_mem>>)
      %dma_wait3A = arith.constant 0 : i32
      %dma_wait3A_16 = arith.constant 0 : i32
      %dma_wait3A_17 = tpu.memref_slice %arg2[%dma_wait3A, %dma_wait3A_16] : memref<10240x128xf32, #tpu.memory_space<hbm>> -> memref<10240x128xf32, #tpu.memory_space<hbm>>
      tpu.wait_indirect_dma semaphore(%arg7 : memref<!tpu.dma_semaphore, #tpu.memory_space<semaphore_mem>>) src(%dma_wait3A_17 : memref<10240x128xf32, #tpu.memory_space<hbm>>) dst(%arg6 : memref<128x128xf32, #tpu.memory_space<vmem>>)
      "tpu.region"() ({
        %run_scoped3A = tpu.sem_alloc : memref<!tpu.dma_semaphore, #tpu.memory_space<semaphore_mem>>
        %dma_start3A_19 = arith.constant 0 : i32
        %dma_start3A_20 = tpu.memref_slice %arg4[%add3A_13, %dma_start3A_19] : memref<163840x128xf32, #tpu.memory_space<hbm>> -> memref<128x128xf32, #tpu.memory_space<hbm>>
        %dma_start3A_21 = arith.constant 0 : i32
        %dma_start3A_22 = tpu.memref_slice %arg4[%add3A_13, %dma_start3A_21] : memref<163840x128xf32, #tpu.memory_space<hbm>> -> memref<128x128xf32, #tpu.memory_space<hbm>>
        tpu.enqueue_dma source(%arg6 : memref<128x128xf32, #tpu.memory_space<vmem>>) target(%dma_start3A_22 : memref<128x128xf32, #tpu.memory_space<hbm>>) target_semaphore(%run_scoped3A : memref<!tpu.dma_semaphore, #tpu.memory_space<semaphore_mem>>)
        %dma_wait3A_23 = arith.constant 0 : i32
        %dma_wait3A_24 = tpu.memref_slice %arg4[%add3A_13, %dma_wait3A_23] : memref<163840x128xf32, #tpu.memory_space<hbm>> -> memref<128x128xf32, #tpu.memory_space<hbm>>
        %dma_wait3A_25 = arith.constant 0 : i32
        %dma_wait3A_26 = tpu.memref_slice %arg4[%add3A_13, %dma_wait3A_25] : memref<163840x128xf32, #tpu.memory_space<hbm>> -> memref<128x128xf32, #tpu.memory_space<hbm>>
        tpu.wait_dma2 semaphore(%run_scoped3A : memref<!tpu.dma_semaphore, #tpu.memory_space<semaphore_mem>>) src(%arg6 : memref<128x128xf32, #tpu.memory_space<vmem>>) dst(%dma_wait3A_26 : memref<128x128xf32, #tpu.memory_space<hbm>>)
        tpu.yield
      }) : () -> ()
      %scan3A_18 = arith.constant 0 : i32
      scf.yield %scan3A_18 : i32
    }
    %scan3A_8 = arith.constant 40 : i32
    return
  }
}

module attributes {stable_mosaic.version = 14 : i64} {
  func.func @_fps_kernel(%arg0: memref<80x128xf32, #tpu.memory_space<vmem>>, %arg1: memref<80x128xf32, #tpu.memory_space<vmem>>, %arg2: memref<80x128xf32, #tpu.memory_space<vmem>>, %arg3: memref<10240x1xf32, #tpu.memory_space<vmem>>, %arg4: memref<10240x1xf32, #tpu.memory_space<vmem>>, %arg5: memref<10240x1xf32, #tpu.memory_space<vmem>>, %arg6: memref<5000x1xi32, #tpu.memory_space<vmem>>, %arg7: memref<5000x1xf32, #tpu.memory_space<vmem>>, %arg8: memref<5000x1xf32, #tpu.memory_space<vmem>>, %arg9: memref<5000x1xf32, #tpu.memory_space<vmem>>, %arg10: memref<80x128xf32, #tpu.memory_space<vmem>>, %arg11: memref<80x128xf32, #tpu.memory_space<vmem>>, %arg12: memref<80x128xf32, #tpu.memory_space<vmem>>, %arg13: memref<80x128xf32, #tpu.memory_space<vmem>>) attributes {dimension_semantics = [], scalar_prefetch = 0 : i64, scratch_operands = 4 : i64, tpu.core_type = #tpu.core_type<tc>} {
    %get3A = arith.constant 0 : index
    %get3A_0 = arith.constant 0 : index
    %get3A_1 = vector.load %arg0[%get3A, %get3A_0] : memref<80x128xf32, #tpu.memory_space<vmem>>, vector<80x128xf32>
    %get3A_2 = arith.constant 0 : index
    %get3A_3 = arith.constant 0 : index
    %get3A_4 = vector.load %arg1[%get3A_2, %get3A_3] : memref<80x128xf32, #tpu.memory_space<vmem>>, vector<80x128xf32>
    %get3A_5 = arith.constant 0 : index
    %get3A_6 = arith.constant 0 : index
    %get3A_7 = vector.load %arg2[%get3A_5, %get3A_6] : memref<80x128xf32, #tpu.memory_space<vmem>>, vector<80x128xf32>
    %iota3A = tpu.iota {dimensions = array<i32: 0>} : vector<80x128xi32>
    %iota3A_8 = tpu.iota {dimensions = array<i32: 1>} : vector<80x128xi32>
    %mul3A = arith.constant 128 : i32
    %mul3A_9 = vector.broadcast %mul3A : i32 to vector<80x128xi32>
    %mul3A_10 = arith.muli %iota3A, %mul3A_9 : vector<80x128xi32>
    %add3A = arith.addi %mul3A_10, %iota3A_8 : vector<80x128xi32>
    %ge3A = arith.constant 10000 : i32
    %ge3A_11 = vector.broadcast %ge3A : i32 to vector<80x128xi32>
    %ge3A_12 = arith.cmpi sge, %add3A, %ge3A_11 : vector<80x128xi32>
    %get3A_13 = arith.constant 0 : index
    %get3A_14 = arith.constant 0 : index
    %get3A_15 = vector.load %arg3[%get3A_13, %get3A_14] : memref<10240x1xf32, #tpu.memory_space<vmem>>, vector<1x1xf32>
    %get3A_16 = vector.extract %get3A_15[0, 0] : f32 from vector<1x1xf32>
    %get3A_17 = arith.constant 0 : index
    %get3A_18 = arith.constant 0 : index
    %get3A_19 = vector.load %arg4[%get3A_17, %get3A_18] : memref<10240x1xf32, #tpu.memory_space<vmem>>, vector<1x1xf32>
    %get3A_20 = vector.extract %get3A_19[0, 0] : f32 from vector<1x1xf32>
    %get3A_21 = arith.constant 0 : index
    %get3A_22 = arith.constant 0 : index
    %get3A_23 = vector.load %arg5[%get3A_21, %get3A_22] : memref<10240x1xf32, #tpu.memory_space<vmem>>, vector<1x1xf32>
    %get3A_24 = vector.extract %get3A_23[0, 0] : f32 from vector<1x1xf32>
    %sub3A = vector.broadcast %get3A_16 : f32 to vector<80x128xf32>
    %sub3A_25 = arith.subf %get3A_1, %sub3A : vector<80x128xf32>
    %sub3A_26 = vector.broadcast %get3A_20 : f32 to vector<80x128xf32>
    %sub3A_27 = arith.subf %get3A_4, %sub3A_26 : vector<80x128xf32>
    %sub3A_28 = vector.broadcast %get3A_24 : f32 to vector<80x128xf32>
    %sub3A_29 = arith.subf %get3A_7, %sub3A_28 : vector<80x128xf32>
    %mul3A_30 = arith.mulf %sub3A_25, %sub3A_25 : vector<80x128xf32>
    %mul3A_31 = arith.mulf %sub3A_29, %sub3A_29 : vector<80x128xf32>
    %add3A_32 = arith.addf %mul3A_30, %mul3A_31 : vector<80x128xf32>
    %mul3A_33 = arith.mulf %sub3A_27, %sub3A_27 : vector<80x128xf32>
    %add3A_34 = arith.addf %add3A_32, %mul3A_33 : vector<80x128xf32>
    %jit3A = arith.constant -1.000000e+00 : f32
    %broadcast_in_dim3A = vector.broadcast %jit3A : f32 to vector<80x128xf32>
    %select_n3A = arith.select %ge3A_12, %broadcast_in_dim3A, %add3A_34 : vector<80x128xi1>, vector<80x128xf32>
    %swap3A = arith.constant 0 : index
    %swap3A_35 = arith.constant 0 : index
    %swap3A_36 = vector.load %arg10[%swap3A, %swap3A_35] : memref<80x128xf32, #tpu.memory_space<vmem>>, vector<80x128xf32>
    tpu.vector_store %arg10[%swap3A, %swap3A_35], %select_n3A {strides = array<i32>} : memref<80x128xf32, #tpu.memory_space<vmem>>, vector<80x128xf32>,
    %broadcast_in_dim3A_37 = arith.constant 0 : i32
    %broadcast_in_dim3A_38 = vector.broadcast %broadcast_in_dim3A_37 : i32 to vector<1x1xi32>
    %swap3A_39 = arith.constant 0 : index
    %swap3A_40 = arith.constant 0 : index
    %swap3A_41 = vector.load %arg6[%swap3A_39, %swap3A_40] : memref<5000x1xi32, #tpu.memory_space<vmem>>, vector<1x1xi32>
    tpu.vector_store %arg6[%swap3A_39, %swap3A_40], %broadcast_in_dim3A_38 {strides = array<i32>} : memref<5000x1xi32, #tpu.memory_space<vmem>>, vector<1x1xi32>,
    %broadcast_in_dim3A_42 = vector.broadcast %get3A_16 : f32 to vector<1x1xf32>
    %swap3A_43 = arith.constant 0 : index
    %swap3A_44 = arith.constant 0 : index
    %swap3A_45 = vector.load %arg7[%swap3A_43, %swap3A_44] : memref<5000x1xf32, #tpu.memory_space<vmem>>, vector<1x1xf32>
    tpu.vector_store %arg7[%swap3A_43, %swap3A_44], %broadcast_in_dim3A_42 {strides = array<i32>} : memref<5000x1xf32, #tpu.memory_space<vmem>>, vector<1x1xf32>,
    %broadcast_in_dim3A_46 = vector.broadcast %get3A_20 : f32 to vector<1x1xf32>
    %swap3A_47 = arith.constant 0 : index
    %swap3A_48 = arith.constant 0 : index
    %swap3A_49 = vector.load %arg8[%swap3A_47, %swap3A_48] : memref<5000x1xf32, #tpu.memory_space<vmem>>, vector<1x1xf32>
    tpu.vector_store %arg8[%swap3A_47, %swap3A_48], %broadcast_in_dim3A_46 {strides = array<i32>} : memref<5000x1xf32, #tpu.memory_space<vmem>>, vector<1x1xf32>,
    %broadcast_in_dim3A_50 = vector.broadcast %get3A_24 : f32 to vector<1x1xf32>
    %swap3A_51 = arith.constant 0 : index
    %swap3A_52 = arith.constant 0 : index
    %swap3A_53 = vector.load %arg9[%swap3A_51, %swap3A_52] : memref<5000x1xf32, #tpu.memory_space<vmem>>, vector<1x1xf32>
    tpu.vector_store %arg9[%swap3A_51, %swap3A_52], %broadcast_in_dim3A_50 {strides = array<i32>} : memref<5000x1xf32, #tpu.memory_space<vmem>>, vector<1x1xf32>,
    %scan3A = arith.constant 1 : i32
    %scan3A_54 = arith.constant 4999 : i32
    %scan3A_55 = arith.addi %scan3A, %scan3A_54 : i32
    %scan3A_56 = arith.constant 1 : i32
    scf.for %scan3A_58 = %scan3A to %scan3A_55 step %scan3A_56  : i32 {
      %get3A_59 = arith.constant 0 : index
      %get3A_60 = arith.constant 0 : index
      %get3A_61 = vector.load %arg10[%get3A_59, %get3A_60] : memref<80x128xf32, #tpu.memory_space<vmem>>, vector<80x128xf32>
      %reduce_max3A = vector.shape_cast %get3A_61 : vector<80x128xf32> to vector<1x80x128xf32>
      %reduce_max3A_62 = arith.constant dense<0xFF800000> : vector<1xf32>
      %reduce_max3A_63 = vector.multi_reduction <maximumf>, %reduce_max3A, %reduce_max3A_62 [1, 2] : vector<1x80x128xf32> to vector<1xf32>
      %reduce_max3A_64 = vector.shape_cast %reduce_max3A_63 : vector<1xf32> to vector<1x1x1xf32>
      %reduce_max3A_65 = vector.extract %reduce_max3A_64[0, 0, 0] : f32 from vector<1x1x1xf32>
      %eq3A = vector.broadcast %reduce_max3A_65 : f32 to vector<80x128xf32>
      %eq3A_66 = arith.cmpf oeq, %get3A_61, %eq3A : vector<80x128xf32>
      %jit3A_67 = arith.constant 1073741824 : i32
      %broadcast_in_dim3A_68 = vector.broadcast %jit3A_67 : i32 to vector<80x128xi32>
      %select_n3A_69 = arith.select %eq3A_66, %add3A, %broadcast_in_dim3A_68 : vector<80x128xi1>, vector<80x128xi32>
      %reduce_min3A = vector.shape_cast %select_n3A_69 : vector<80x128xi32> to vector<1x80x128xi32>
      %reduce_min3A_70 = arith.constant dense<2147483647> : vector<1xi32>
      %reduce_min3A_71 = vector.multi_reduction <minsi>, %reduce_min3A, %reduce_min3A_70 [1, 2] : vector<1x80x128xi32> to vector<1xi32>
      %reduce_min3A_72 = vector.shape_cast %reduce_min3A_71 : vector<1xi32> to vector<1x1x1xi32>
      %reduce_min3A_73 = vector.extract %reduce_min3A_72[0, 0, 0] : i32 from vector<1x1x1xi32>
      %get3A_74 = arith.index_cast %reduce_min3A_73 : i32 to index
      %get3A_75 = arith.constant 0 : index
      %get3A_76 = vector.load %arg3[%get3A_74, %get3A_75] : memref<10240x1xf32, #tpu.memory_space<vmem>>, vector<1x1xf32>
      %get3A_77 = vector.extract %get3A_76[0, 0] : f32 from vector<1x1xf32>
      %get3A_78 = arith.index_cast %reduce_min3A_73 : i32 to index
      %get3A_79 = arith.constant 0 : index
      %get3A_80 = vector.load %arg4[%get3A_78, %get3A_79] : memref<10240x1xf32, #tpu.memory_space<vmem>>, vector<1x1xf32>
      %get3A_81 = vector.extract %get3A_80[0, 0] : f32 from vector<1x1xf32>
      %get3A_82 = arith.index_cast %reduce_min3A_73 : i32 to index
      %get3A_83 = arith.constant 0 : index
      %get3A_84 = vector.load %arg5[%get3A_82, %get3A_83] : memref<10240x1xf32, #tpu.memory_space<vmem>>, vector<1x1xf32>
      %get3A_85 = vector.extract %get3A_84[0, 0] : f32 from vector<1x1xf32>
      %sub3A_86 = vector.broadcast %get3A_77 : f32 to vector<80x128xf32>
      %sub3A_87 = arith.subf %get3A_1, %sub3A_86 : vector<80x128xf32>
      %sub3A_88 = vector.broadcast %get3A_81 : f32 to vector<80x128xf32>
      %sub3A_89 = arith.subf %get3A_4, %sub3A_88 : vector<80x128xf32>
      %sub3A_90 = vector.broadcast %get3A_85 : f32 to vector<80x128xf32>
      %sub3A_91 = arith.subf %get3A_7, %sub3A_90 : vector<80x128xf32>
      %mul3A_92 = arith.mulf %sub3A_87, %sub3A_87 : vector<80x128xf32>
      %mul3A_93 = arith.mulf %sub3A_91, %sub3A_91 : vector<80x128xf32>
      %add3A_94 = arith.addf %mul3A_92, %mul3A_93 : vector<80x128xf32>
      %mul3A_95 = arith.mulf %sub3A_89, %sub3A_89 : vector<80x128xf32>
      %add3A_96 = arith.addf %add3A_94, %mul3A_95 : vector<80x128xf32>
      %min3A = arith.minimumf %get3A_61, %add3A_96 : vector<80x128xf32>
      %swap3A_97 = arith.constant 0 : index
      %swap3A_98 = arith.constant 0 : index
      %swap3A_99 = vector.load %arg10[%swap3A_97, %swap3A_98] : memref<80x128xf32, #tpu.memory_space<vmem>>, vector<80x128xf32>
      tpu.vector_store %arg10[%swap3A_97, %swap3A_98], %min3A {strides = array<i32>} : memref<80x128xf32, #tpu.memory_space<vmem>>, vector<80x128xf32>,
      %broadcast_in_dim3A_100 = vector.broadcast %reduce_min3A_73 : i32 to vector<1x1xi32>
      %swap3A_101 = arith.index_cast %scan3A_58 : i32 to index
      %swap3A_102 = arith.constant 0 : index
      %swap3A_103 = vector.load %arg6[%swap3A_101, %swap3A_102] : memref<5000x1xi32, #tpu.memory_space<vmem>>, vector<1x1xi32>
      tpu.vector_store %arg6[%swap3A_101, %swap3A_102], %broadcast_in_dim3A_100 {strides = array<i32>} : memref<5000x1xi32, #tpu.memory_space<vmem>>, vector<1x1xi32>,
      %broadcast_in_dim3A_104 = vector.broadcast %get3A_77 : f32 to vector<1x1xf32>
      %swap3A_105 = arith.index_cast %scan3A_58 : i32 to index
      %swap3A_106 = arith.constant 0 : index
      %swap3A_107 = vector.load %arg7[%swap3A_105, %swap3A_106] : memref<5000x1xf32, #tpu.memory_space<vmem>>, vector<1x1xf32>
      tpu.vector_store %arg7[%swap3A_105, %swap3A_106], %broadcast_in_dim3A_104 {strides = array<i32>} : memref<5000x1xf32, #tpu.memory_space<vmem>>, vector<1x1xf32>,
      %broadcast_in_dim3A_108 = vector.broadcast %get3A_81 : f32 to vector<1x1xf32>
      %swap3A_109 = arith.index_cast %scan3A_58 : i32 to index
      %swap3A_110 = arith.constant 0 : index
      %swap3A_111 = vector.load %arg8[%swap3A_109, %swap3A_110] : memref<5000x1xf32, #tpu.memory_space<vmem>>, vector<1x1xf32>
      tpu.vector_store %arg8[%swap3A_109, %swap3A_110], %broadcast_in_dim3A_108 {strides = array<i32>} : memref<5000x1xf32, #tpu.memory_space<vmem>>, vector<1x1xf32>,
      %broadcast_in_dim3A_112 = vector.broadcast %get3A_85 : f32 to vector<1x1xf32>
      %swap3A_113 = arith.index_cast %scan3A_58 : i32 to index
      %swap3A_114 = arith.constant 0 : index
      %swap3A_115 = vector.load %arg9[%swap3A_113, %swap3A_114] : memref<5000x1xf32, #tpu.memory_space<vmem>>, vector<1x1xf32>
      tpu.vector_store %arg9[%swap3A_113, %swap3A_114], %broadcast_in_dim3A_112 {strides = array<i32>} : memref<5000x1xf32, #tpu.memory_space<vmem>>, vector<1x1xf32>,
    }
    %scan3A_57 = arith.constant 4999 : i32
    return
  }
}

module attributes {stable_mosaic.version = 14 : i64} {
  func.func @_extract_kernel(%arg0: i32, %arg1: memref<256x1xf32, #tpu.memory_space<vmem>>, %arg2: memref<256x1xf32, #tpu.memory_space<vmem>>, %arg3: memref<256x1xf32, #tpu.memory_space<vmem>>, %arg4: memref<1x10240xf32, #tpu.memory_space<vmem>>, %arg5: memref<1x10240xf32, #tpu.memory_space<vmem>>, %arg6: memref<1x10240xf32, #tpu.memory_space<vmem>>, %arg7: memref<16x256x1xi32, #tpu.memory_space<vmem>>, %arg8: memref<256x10240xf32, #tpu.memory_space<vmem>>) attributes {dimension_semantics = [#tpu.dimension_semantics<arbitrary>], iteration_bounds = array<i64: 20>, scalar_prefetch = 0 : i64, scratch_operands = 1 : i64, tpu.core_type = #tpu.core_type<tc>, window_params = [{transform_indices = @transform_0, window_bounds = array<i64: 256, 1>}, {transform_indices = @transform_1, window_bounds = array<i64: 256, 1>}, {transform_indices = @transform_2, window_bounds = array<i64: 256, 1>}, {pipeline_mode = #tpu.pipeline_mode<synchronous>, transform_indices = @transform_3, window_bounds = array<i64: 1, 10240>}, {pipeline_mode = #tpu.pipeline_mode<synchronous>, transform_indices = @transform_4, window_bounds = array<i64: 1, 10240>}, {pipeline_mode = #tpu.pipeline_mode<synchronous>, transform_indices = @transform_5, window_bounds = array<i64: 1, 10240>}, {transform_indices = @transform_6, window_bounds = array<i64: 16, 256, 1>}]} {
    %get3A = arith.constant 0 : index
    %get3A_0 = arith.constant 0 : index
    %get3A_1 = vector.load %arg1[%get3A, %get3A_0] : memref<256x1xf32, #tpu.memory_space<vmem>>, vector<256x1xf32>
    %get3A_2 = arith.constant 0 : index
    %get3A_3 = arith.constant 0 : index
    %get3A_4 = vector.load %arg2[%get3A_2, %get3A_3] : memref<256x1xf32, #tpu.memory_space<vmem>>, vector<256x1xf32>
    %get3A_5 = arith.constant 0 : index
    %get3A_6 = arith.constant 0 : index
    %get3A_7 = vector.load %arg3[%get3A_5, %get3A_6] : memref<256x1xf32, #tpu.memory_space<vmem>>, vector<256x1xf32>
    %get3A_8 = arith.constant 0 : index
    %get3A_9 = arith.constant 0 : index
    %get3A_10 = vector.load %arg4[%get3A_8, %get3A_9] : memref<1x10240xf32, #tpu.memory_space<vmem>>, vector<1x10240xf32>
    %sub3A = vector.broadcast %get3A_1 : vector<256x1xf32> to vector<256x10240xf32>
    %sub3A_11 = vector.broadcast %get3A_10 : vector<1x10240xf32> to vector<256x10240xf32>
    %sub3A_12 = arith.subf %sub3A, %sub3A_11 : vector<256x10240xf32>
    %get3A_13 = arith.constant 0 : index
    %get3A_14 = arith.constant 0 : index
    %get3A_15 = vector.load %arg5[%get3A_13, %get3A_14] : memref<1x10240xf32, #tpu.memory_space<vmem>>, vector<1x10240xf32>
    %sub3A_16 = vector.broadcast %get3A_4 : vector<256x1xf32> to vector<256x10240xf32>
    %sub3A_17 = vector.broadcast %get3A_15 : vector<1x10240xf32> to vector<256x10240xf32>
    %sub3A_18 = arith.subf %sub3A_16, %sub3A_17 : vector<256x10240xf32>
    %get3A_19 = arith.constant 0 : index
    %get3A_20 = arith.constant 0 : index
    %get3A_21 = vector.load %arg6[%get3A_19, %get3A_20] : memref<1x10240xf32, #tpu.memory_space<vmem>>, vector<1x10240xf32>
    %sub3A_22 = vector.broadcast %get3A_7 : vector<256x1xf32> to vector<256x10240xf32>
    %sub3A_23 = vector.broadcast %get3A_21 : vector<1x10240xf32> to vector<256x10240xf32>
    %sub3A_24 = arith.subf %sub3A_22, %sub3A_23 : vector<256x10240xf32>
    %mul3A = arith.mulf %sub3A_12, %sub3A_12 : vector<256x10240xf32>
    %mul3A_25 = arith.mulf %sub3A_24, %sub3A_24 : vector<256x10240xf32>
    %add3A = arith.addf %mul3A, %mul3A_25 : vector<256x10240xf32>
    %mul3A_26 = arith.mulf %sub3A_18, %sub3A_18 : vector<256x10240xf32>
    %add3A_27 = arith.addf %add3A, %mul3A_26 : vector<256x10240xf32>
    %le3A = arith.constant 4.000000e-02 : f32
    %le3A_28 = vector.broadcast %le3A : f32 to vector<256x10240xf32>
    %le3A_29 = arith.cmpf ole, %add3A_27, %le3A_28 : vector<256x10240xf32>
    %jit3A = arith.constant 0x7F800000 : f32
    %broadcast_in_dim3A = vector.broadcast %jit3A : f32 to vector<256x10240xf32>
    %select_n3A = arith.select %le3A_29, %add3A_27, %broadcast_in_dim3A : vector<256x10240xi1>, vector<256x10240xf32>
    %swap3A = arith.constant 0 : index
    %swap3A_30 = arith.constant 0 : index
    %swap3A_31 = vector.load %arg8[%swap3A, %swap3A_30] : memref<256x10240xf32, #tpu.memory_space<vmem>>, vector<256x10240xf32>
    tpu.vector_store %arg8[%swap3A, %swap3A_30], %select_n3A {strides = array<i32>} : memref<256x10240xf32, #tpu.memory_space<vmem>>, vector<256x10240xf32>,
    %lt3A = arith.constant 0x7F800000 : f32
    %lt3A_32 = vector.broadcast %lt3A : f32 to vector<256x10240xf32>
    %lt3A_33 = arith.cmpf olt, %select_n3A, %lt3A_32 : vector<256x10240xf32>
    %convert_element_type3A = arith.extui %lt3A_33 : vector<256x10240xi1> to vector<256x10240xi32>
    %reduce_sum3A = arith.constant dense<0> : vector<256xi32>
    %reduce_sum3A_34 = vector.multi_reduction <add>, %convert_element_type3A, %reduce_sum3A [1] : vector<256x10240xi32> to vector<256xi32>
    %broadcast_in_dim3A_35 = vector.shape_cast %reduce_sum3A_34 : vector<256xi32> to vector<256x1xi32>
    %iota3A = tpu.iota {dimensions = array<i32: 1>} : vector<256x10240xi32>
    %reduce_min3A = arith.constant dense<0x7F800000> : vector<256xf32>
    %reduce_min3A_36 = vector.multi_reduction <minimumf>, %select_n3A, %reduce_min3A [1] : vector<256x10240xf32> to vector<256xf32>
    %broadcast_in_dim3A_37 = vector.shape_cast %reduce_min3A_36 : vector<256xf32> to vector<256x1xf32>
    %eq3A = vector.broadcast %broadcast_in_dim3A_37 : vector<256x1xf32> to vector<256x10240xf32>
    %eq3A_38 = arith.cmpf oeq, %select_n3A, %eq3A : vector<256x10240xf32>
    %jit3A_39 = arith.constant 1073741824 : i32
    %broadcast_in_dim3A_40 = vector.broadcast %jit3A_39 : i32 to vector<256x10240xi32>
    %select_n3A_41 = arith.select %eq3A_38, %iota3A, %broadcast_in_dim3A_40 : vector<256x10240xi1>, vector<256x10240xi32>
    %reduce_min3A_42 = arith.constant dense<2147483647> : vector<256xi32>
    %reduce_min3A_43 = vector.multi_reduction <minsi>, %select_n3A_41, %reduce_min3A_42 [1] : vector<256x10240xi32> to vector<256xi32>
    %broadcast_in_dim3A_44 = vector.shape_cast %reduce_min3A_43 : vector<256xi32> to vector<256x1xi32>
    %gt3A = arith.constant 0 : i32
    %gt3A_45 = vector.broadcast %gt3A : i32 to vector<256x1xi32>
    %gt3A_46 = arith.cmpi sgt, %broadcast_in_dim3A_35, %gt3A_45 : vector<256x1xi32>
    %jit3A_47 = arith.constant 10239 : i32
    %broadcast_in_dim3A_48 = vector.broadcast %jit3A_47 : i32 to vector<256x1xi32>
    %select_n3A_49 = arith.select %gt3A_46, %broadcast_in_dim3A_44, %broadcast_in_dim3A_48 : vector<256x1xi1>, vector<256x1xi32>
    %swap3A_50 = arith.constant 0 : index
    %swap3A_51 = arith.constant 0 : index
    %swap3A_52 = arith.constant 0 : index
    %swap3A_53 = vector.load %arg7[%swap3A_50, %swap3A_51, %swap3A_52] : memref<16x256x1xi32, #tpu.memory_space<vmem>>, vector<1x256x1xi32>
    %swap3A_54 = vector.shape_cast %swap3A_53 : vector<1x256x1xi32> to vector<256x1xi32>
    %swap3A_55 = vector.shape_cast %select_n3A_49 : vector<256x1xi32> to vector<1x256x1xi32>
    tpu.vector_store %arg7[%swap3A_50, %swap3A_51, %swap3A_52], %swap3A_55 {strides = array<i32>} : memref<16x256x1xi32, #tpu.memory_space<vmem>>, vector<1x256x1xi32>,
    %scan3A = arith.constant 1 : i32
    %scan3A_56 = arith.constant 15 : i32
    %scan3A_57 = arith.addi %scan3A, %scan3A_56 : i32
    %scan3A_58 = arith.constant 1 : i32
    %scan3A_59 = scf.for %scan3A_61 = %scan3A to %scan3A_57 step %scan3A_58 iter_args(%scan3A_62 = %broadcast_in_dim3A_44) -> (vector<256x1xi32>)  : i32 {
      %eq3A_63 = vector.broadcast %scan3A_62 : vector<256x1xi32> to vector<256x10240xi32>
      %eq3A_64 = arith.cmpi eq, %iota3A, %eq3A_63 : vector<256x10240xi32>
      %get3A_65 = arith.constant 0 : index
      %get3A_66 = arith.constant 0 : index
      %get3A_67 = vector.load %arg8[%get3A_65, %get3A_66] : memref<256x10240xf32, #tpu.memory_space<vmem>>, vector<256x10240xf32>
      %jit3A_68 = arith.constant 0x7F800000 : f32
      %broadcast_in_dim3A_69 = vector.broadcast %jit3A_68 : f32 to vector<256x10240xf32>
      %select_n3A_70 = arith.select %eq3A_64, %broadcast_in_dim3A_69, %get3A_67 : vector<256x10240xi1>, vector<256x10240xf32>
      %swap3A_71 = arith.constant 0 : index
      %swap3A_72 = arith.constant 0 : index
      %swap3A_73 = vector.load %arg8[%swap3A_71, %swap3A_72] : memref<256x10240xf32, #tpu.memory_space<vmem>>, vector<256x10240xf32>
      tpu.vector_store %arg8[%swap3A_71, %swap3A_72], %select_n3A_70 {strides = array<i32>} : memref<256x10240xf32, #tpu.memory_space<vmem>>, vector<256x10240xf32>,
      %reduce_min3A_74 = arith.constant dense<0x7F800000> : vector<256xf32>
      %reduce_min3A_75 = vector.multi_reduction <minimumf>, %select_n3A_70, %reduce_min3A_74 [1] : vector<256x10240xf32> to vector<256xf32>
      %broadcast_in_dim3A_76 = vector.shape_cast %reduce_min3A_75 : vector<256xf32> to vector<256x1xf32>
      %eq3A_77 = vector.broadcast %broadcast_in_dim3A_76 : vector<256x1xf32> to vector<256x10240xf32>
      %eq3A_78 = arith.cmpf oeq, %select_n3A_70, %eq3A_77 : vector<256x10240xf32>
      %jit3A_79 = arith.constant 1073741824 : i32
      %broadcast_in_dim3A_80 = vector.broadcast %jit3A_79 : i32 to vector<256x10240xi32>
      %select_n3A_81 = arith.select %eq3A_78, %iota3A, %broadcast_in_dim3A_80 : vector<256x10240xi1>, vector<256x10240xi32>
      %reduce_min3A_82 = arith.constant dense<2147483647> : vector<256xi32>
      %reduce_min3A_83 = vector.multi_reduction <minsi>, %select_n3A_81, %reduce_min3A_82 [1] : vector<256x10240xi32> to vector<256xi32>
      %broadcast_in_dim3A_84 = vector.shape_cast %reduce_min3A_83 : vector<256xi32> to vector<256x1xi32>
      %lt3A_85 = vector.broadcast %scan3A_61 : i32 to vector<256x1xi32>
      %lt3A_86 = arith.cmpi slt, %lt3A_85, %broadcast_in_dim3A_35 : vector<256x1xi32>
      %jit3A_87 = arith.constant 10239 : i32
      %broadcast_in_dim3A_88 = vector.broadcast %jit3A_87 : i32 to vector<256x1xi32>
      %select_n3A_89 = arith.select %lt3A_86, %broadcast_in_dim3A_84, %broadcast_in_dim3A_88 : vector<256x1xi1>, vector<256x1xi32>
      %swap3A_90 = arith.index_cast %scan3A_61 : i32 to index
      %swap3A_91 = arith.constant 0 : index
      %swap3A_92 = arith.constant 0 : index
      %swap3A_93 = vector.load %arg7[%swap3A_90, %swap3A_91, %swap3A_92] : memref<16x256x1xi32, #tpu.memory_space<vmem>>, vector<1x256x1xi32>
      %swap3A_94 = vector.shape_cast %swap3A_93 : vector<1x256x1xi32> to vector<256x1xi32>
      %swap3A_95 = vector.shape_cast %select_n3A_89 : vector<256x1xi32> to vector<1x256x1xi32>
      tpu.vector_store %arg7[%swap3A_90, %swap3A_91, %swap3A_92], %swap3A_95 {strides = array<i32>} : memref<16x256x1xi32, #tpu.memory_space<vmem>>, vector<1x256x1xi32>,
      scf.yield %broadcast_in_dim3A_84 : vector<256x1xi32>
    }
    %scan3A_60 = arith.constant 15 : i32
    return
  }
  func.func @transform_0(%arg0: i32) -> (i32, i32) {
    %c0_i32 = arith.constant 0 : i32
    %c0_i32_0 = arith.constant 0 : i32
    return %arg0, %c0_i32 : i32, i32
  }
  func.func @transform_1(%arg0: i32) -> (i32, i32) {
    %c0_i32 = arith.constant 0 : i32
    %c0_i32_0 = arith.constant 0 : i32
    return %arg0, %c0_i32 : i32, i32
  }
  func.func @transform_2(%arg0: i32) -> (i32, i32) {
    %c0_i32 = arith.constant 0 : i32
    %c0_i32_0 = arith.constant 0 : i32
    return %arg0, %c0_i32 : i32, i32
  }
  func.func @transform_3(%arg0: i32) -> (i32, i32) {
    %c0_i32 = arith.constant 0 : i32
    %c0_i32_0 = arith.constant 0 : i32
    %c0_i32_1 = arith.constant 0 : i32
    return %c0_i32, %c0_i32_0 : i32, i32
  }
  func.func @transform_4(%arg0: i32) -> (i32, i32) {
    %c0_i32 = arith.constant 0 : i32
    %c0_i32_0 = arith.constant 0 : i32
    %c0_i32_1 = arith.constant 0 : i32
    return %c0_i32, %c0_i32_0 : i32, i32
  }
  func.func @transform_5(%arg0: i32) -> (i32, i32) {
    %c0_i32 = arith.constant 0 : i32
    %c0_i32_0 = arith.constant 0 : i32
    %c0_i32_1 = arith.constant 0 : i32
    return %c0_i32, %c0_i32_0 : i32, i32
  }
  func.func @transform_6(%arg0: i32) -> (i32, i32, i32) {
    %c0_i32 = arith.constant 0 : i32
    %c0_i32_0 = arith.constant 0 : i32
    %c0_i32_1 = arith.constant 0 : i32
    return %c0_i32, %arg0, %c0_i32_0 : i32, i32, i32
  }
}

module attributes {stable_mosaic.version = 14 : i64} {
  func.func @_pre_kernel(%arg0: i32, %arg1: memref<1024x128xf32, #tpu.memory_space<vmem>>, %arg2: memref<1024x1xf32, #tpu.memory_space<vmem>>, %arg3: memref<1024x1xf32, #tpu.memory_space<vmem>>, %arg4: memref<1024x1xf32, #tpu.memory_space<vmem>>, %arg5: memref<128x64xf32, #tpu.memory_space<vmem>>, %arg6: memref<3x64xf32, #tpu.memory_space<vmem>>, %arg7: memref<1x64xf32, #tpu.memory_space<vmem>>, %arg8: memref<128x64xf32, #tpu.memory_space<vmem>>, %arg9: memref<3x64xf32, #tpu.memory_space<vmem>>, %arg10: memref<1x64xf32, #tpu.memory_space<vmem>>, %arg11: memref<1024x128xf32, #tpu.memory_space<vmem>>) attributes {dimension_semantics = [#tpu.dimension_semantics<arbitrary>], iteration_bounds = array<i64: 10>, scalar_prefetch = 0 : i64, scratch_operands = 0 : i64, tpu.core_type = #tpu.core_type<tc>, window_params = [{transform_indices = @transform_0, window_bounds = array<i64: 1024, 128>}, {transform_indices = @transform_1, window_bounds = array<i64: 1024, 1>}, {transform_indices = @transform_2, window_bounds = array<i64: 1024, 1>}, {transform_indices = @transform_3, window_bounds = array<i64: 1024, 1>}, {pipeline_mode = #tpu.pipeline_mode<synchronous>, transform_indices = @transform_4, window_bounds = array<i64: 128, 64>}, {pipeline_mode = #tpu.pipeline_mode<synchronous>, transform_indices = @transform_5, window_bounds = array<i64: 3, 64>}, {pipeline_mode = #tpu.pipeline_mode<synchronous>, transform_indices = @transform_6, window_bounds = array<i64: 1, 64>}, {pipeline_mode = #tpu.pipeline_mode<synchronous>, transform_indices = @transform_7, window_bounds = array<i64: 128, 64>}, {pipeline_mode = #tpu.pipeline_mode<synchronous>, transform_indices = @transform_8, window_bounds = array<i64: 3, 64>}, {pipeline_mode = #tpu.pipeline_mode<synchronous>, transform_indices = @transform_9, window_bounds = array<i64: 1, 64>}, {transform_indices = @transform_10, window_bounds = array<i64: 1024, 128>}]} {
    %get3A = arith.constant 0 : index
    %get3A_0 = arith.constant 0 : index
    %get3A_1 = vector.load %arg1[%get3A, %get3A_0] : memref<1024x128xf32, #tpu.memory_space<vmem>>, vector<1024x128xf32>
    %get3A_2 = arith.constant 0 : index
    %get3A_3 = arith.constant 0 : index
    %get3A_4 = vector.load %arg2[%get3A_2, %get3A_3] : memref<1024x1xf32, #tpu.memory_space<vmem>>, vector<1024x1xf32>
    %get3A_5 = arith.constant 0 : index
    %get3A_6 = arith.constant 0 : index
    %get3A_7 = vector.load %arg3[%get3A_5, %get3A_6] : memref<1024x1xf32, #tpu.memory_space<vmem>>, vector<1024x1xf32>
    %get3A_8 = arith.constant 0 : index
    %get3A_9 = arith.constant 0 : index
    %get3A_10 = vector.load %arg4[%get3A_8, %get3A_9] : memref<1024x1xf32, #tpu.memory_space<vmem>>, vector<1024x1xf32>
    %get3A_11 = arith.constant 0 : index
    %get3A_12 = arith.constant 0 : index
    %get3A_13 = vector.load %arg5[%get3A_11, %get3A_12] : memref<128x64xf32, #tpu.memory_space<vmem>>, vector<128x64xf32>
    %dot_general3A = arith.constant dense<0.000000e+00> : vector<1024x64xf32>
    %dot_general3A_14 = tpu.matmul %get3A_1, %get3A_13, %dot_general3A {dimension_numbers = #tpu.dot_dimension_numbers<[1], [0], [0], [1], [0, 0, 1, 1], [], []>, transpose_lhs_hint = false} : vector<1024x128xf32>, vector<128x64xf32>, vector<1024x64xf32> -> vector<1024x64xf32>
    %get3A_15 = arith.constant 0 : index
    %get3A_16 = arith.constant 0 : index
    %get3A_17 = vector.load %arg6[%get3A_15, %get3A_16] : memref<3x64xf32, #tpu.memory_space<vmem>>, vector<1x64xf32>
    %mul3A = vector.broadcast %get3A_4 : vector<1024x1xf32> to vector<1024x64xf32>
    %mul3A_18 = vector.broadcast %get3A_17 : vector<1x64xf32> to vector<1024x64xf32>
    %mul3A_19 = arith.mulf %mul3A, %mul3A_18 : vector<1024x64xf32>
    %add3A = arith.addf %dot_general3A_14, %mul3A_19 : vector<1024x64xf32>
    %get3A_20 = arith.constant 1 : index
    %get3A_21 = arith.constant 0 : index
    %get3A_22 = vector.load %arg6[%get3A_20, %get3A_21] : memref<3x64xf32, #tpu.memory_space<vmem>>, vector<1x64xf32>
    %mul3A_23 = vector.broadcast %get3A_7 : vector<1024x1xf32> to vector<1024x64xf32>
    %mul3A_24 = vector.broadcast %get3A_22 : vector<1x64xf32> to vector<1024x64xf32>
    %mul3A_25 = arith.mulf %mul3A_23, %mul3A_24 : vector<1024x64xf32>
    %add3A_26 = arith.addf %add3A, %mul3A_25 : vector<1024x64xf32>
    %get3A_27 = arith.constant 2 : index
    %get3A_28 = arith.constant 0 : index
    %get3A_29 = vector.load %arg6[%get3A_27, %get3A_28] : memref<3x64xf32, #tpu.memory_space<vmem>>, vector<1x64xf32>
    %mul3A_30 = vector.broadcast %get3A_10 : vector<1024x1xf32> to vector<1024x64xf32>
    %mul3A_31 = vector.broadcast %get3A_29 : vector<1x64xf32> to vector<1024x64xf32>
    %mul3A_32 = arith.mulf %mul3A_30, %mul3A_31 : vector<1024x64xf32>
    %add3A_33 = arith.addf %add3A_26, %mul3A_32 : vector<1024x64xf32>
    %get3A_34 = arith.constant 0 : index
    %get3A_35 = arith.constant 0 : index
    %get3A_36 = vector.load %arg7[%get3A_34, %get3A_35] : memref<1x64xf32, #tpu.memory_space<vmem>>, vector<1x64xf32>
    %add3A_37 = vector.broadcast %get3A_36 : vector<1x64xf32> to vector<1024x64xf32>
    %add3A_38 = arith.addf %add3A_33, %add3A_37 : vector<1024x64xf32>
    %get3A_39 = arith.constant 0 : index
    %get3A_40 = arith.constant 0 : index
    %get3A_41 = vector.load %arg8[%get3A_39, %get3A_40] : memref<128x64xf32, #tpu.memory_space<vmem>>, vector<128x64xf32>
    %dot_general3A_42 = arith.constant dense<0.000000e+00> : vector<1024x64xf32>
    %dot_general3A_43 = tpu.matmul %get3A_1, %get3A_41, %dot_general3A_42 {dimension_numbers = #tpu.dot_dimension_numbers<[1], [0], [0], [1], [0, 0, 1, 1], [], []>, transpose_lhs_hint = false} : vector<1024x128xf32>, vector<128x64xf32>, vector<1024x64xf32> -> vector<1024x64xf32>
    %get3A_44 = arith.constant 0 : index
    %get3A_45 = arith.constant 0 : index
    %get3A_46 = vector.load %arg9[%get3A_44, %get3A_45] : memref<3x64xf32, #tpu.memory_space<vmem>>, vector<1x64xf32>
    %mul3A_47 = vector.broadcast %get3A_4 : vector<1024x1xf32> to vector<1024x64xf32>
    %mul3A_48 = vector.broadcast %get3A_46 : vector<1x64xf32> to vector<1024x64xf32>
    %mul3A_49 = arith.mulf %mul3A_47, %mul3A_48 : vector<1024x64xf32>
    %add3A_50 = arith.addf %dot_general3A_43, %mul3A_49 : vector<1024x64xf32>
    %get3A_51 = arith.constant 1 : index
    %get3A_52 = arith.constant 0 : index
    %get3A_53 = vector.load %arg9[%get3A_51, %get3A_52] : memref<3x64xf32, #tpu.memory_space<vmem>>, vector<1x64xf32>
    %mul3A_54 = vector.broadcast %get3A_7 : vector<1024x1xf32> to vector<1024x64xf32>
    %mul3A_55 = vector.broadcast %get3A_53 : vector<1x64xf32> to vector<1024x64xf32>
    %mul3A_56 = arith.mulf %mul3A_54, %mul3A_55 : vector<1024x64xf32>
    %add3A_57 = arith.addf %add3A_50, %mul3A_56 : vector<1024x64xf32>
    %get3A_58 = arith.constant 2 : index
    %get3A_59 = arith.constant 0 : index
    %get3A_60 = vector.load %arg9[%get3A_58, %get3A_59] : memref<3x64xf32, #tpu.memory_space<vmem>>, vector<1x64xf32>
    %mul3A_61 = vector.broadcast %get3A_10 : vector<1024x1xf32> to vector<1024x64xf32>
    %mul3A_62 = vector.broadcast %get3A_60 : vector<1x64xf32> to vector<1024x64xf32>
    %mul3A_63 = arith.mulf %mul3A_61, %mul3A_62 : vector<1024x64xf32>
    %add3A_64 = arith.addf %add3A_57, %mul3A_63 : vector<1024x64xf32>
    %get3A_65 = arith.constant 0 : index
    %get3A_66 = arith.constant 0 : index
    %get3A_67 = vector.load %arg10[%get3A_65, %get3A_66] : memref<1x64xf32, #tpu.memory_space<vmem>>, vector<1x64xf32>
    %add3A_68 = vector.broadcast %get3A_67 : vector<1x64xf32> to vector<1024x64xf32>
    %add3A_69 = arith.addf %add3A_64, %add3A_68 : vector<1024x64xf32>
    %concatenate3A = tpu.concatenate %add3A_38, %add3A_69 in 1 : vector<1024x64xf32>, vector<1024x64xf32> -> vector<1024x128xf32>
    %swap3A = arith.constant 0 : index
    %swap3A_70 = arith.constant 0 : index
    %swap3A_71 = vector.load %arg11[%swap3A, %swap3A_70] : memref<1024x128xf32, #tpu.memory_space<vmem>>, vector<1024x128xf32>
    tpu.vector_store %arg11[%swap3A, %swap3A_70], %concatenate3A {strides = array<i32>} : memref<1024x128xf32, #tpu.memory_space<vmem>>, vector<1024x128xf32>,
    return
  }
  func.func @transform_0(%arg0: i32) -> (i32, i32) {
    %c0_i32 = arith.constant 0 : i32
    %c0_i32_0 = arith.constant 0 : i32
    return %arg0, %c0_i32 : i32, i32
  }
  func.func @transform_1(%arg0: i32) -> (i32, i32) {
    %c0_i32 = arith.constant 0 : i32
    %c0_i32_0 = arith.constant 0 : i32
    return %arg0, %c0_i32 : i32, i32
  }
  func.func @transform_2(%arg0: i32) -> (i32, i32) {
    %c0_i32 = arith.constant 0 : i32
    %c0_i32_0 = arith.constant 0 : i32
    return %arg0, %c0_i32 : i32, i32
  }
  func.func @transform_3(%arg0: i32) -> (i32, i32) {
    %c0_i32 = arith.constant 0 : i32
    %c0_i32_0 = arith.constant 0 : i32
    return %arg0, %c0_i32 : i32, i32
  }
  func.func @transform_4(%arg0: i32) -> (i32, i32) {
    %c0_i32 = arith.constant 0 : i32
    %c0_i32_0 = arith.constant 0 : i32
    %c0_i32_1 = arith.constant 0 : i32
    return %c0_i32, %c0_i32_0 : i32, i32
  }
  func.func @transform_5(%arg0: i32) -> (i32, i32) {
    %c0_i32 = arith.constant 0 : i32
    %c0_i32_0 = arith.constant 0 : i32
    %c0_i32_1 = arith.constant 0 : i32
    return %c0_i32, %c0_i32_0 : i32, i32
  }
  func.func @transform_6(%arg0: i32) -> (i32, i32) {
    %c0_i32 = arith.constant 0 : i32
    %c0_i32_0 = arith.constant 0 : i32
    %c0_i32_1 = arith.constant 0 : i32
    return %c0_i32, %c0_i32_0 : i32, i32
  }
  func.func @transform_7(%arg0: i32) -> (i32, i32) {
    %c0_i32 = arith.constant 0 : i32
    %c0_i32_0 = arith.constant 0 : i32
    %c0_i32_1 = arith.constant 0 : i32
    return %c0_i32, %c0_i32_0 : i32, i32
  }
  func.func @transform_8(%arg0: i32) -> (i32, i32) {
    %c0_i32 = arith.constant 0 : i32
    %c0_i32_0 = arith.constant 0 : i32
    %c0_i32_1 = arith.constant 0 : i32
    return %c0_i32, %c0_i32_0 : i32, i32
  }
  func.func @transform_9(%arg0: i32) -> (i32, i32) {
    %c0_i32 = arith.constant 0 : i32
    %c0_i32_0 = arith.constant 0 : i32
    %c0_i32_1 = arith.constant 0 : i32
    return %c0_i32, %c0_i32_0 : i32, i32
  }
  func.func @transform_10(%arg0: i32) -> (i32, i32) {
    %c0_i32 = arith.constant 0 : i32
    %c0_i32_0 = arith.constant 0 : i32
    return %arg0, %c0_i32 : i32, i32
  }
}

module attributes {stable_mosaic.version = 14 : i64} {
  func.func @_extract_kernel(%arg0: i32, %arg1: memref<256x1xf32, #tpu.memory_space<vmem>>, %arg2: memref<256x1xf32, #tpu.memory_space<vmem>>, %arg3: memref<256x1xf32, #tpu.memory_space<vmem>>, %arg4: memref<1x10240xf32, #tpu.memory_space<vmem>>, %arg5: memref<1x10240xf32, #tpu.memory_space<vmem>>, %arg6: memref<1x10240xf32, #tpu.memory_space<vmem>>, %arg7: memref<32x256x1xi32, #tpu.memory_space<vmem>>, %arg8: memref<256x10240xf32, #tpu.memory_space<vmem>>) attributes {dimension_semantics = [#tpu.dimension_semantics<arbitrary>], iteration_bounds = array<i64: 20>, scalar_prefetch = 0 : i64, scratch_operands = 1 : i64, tpu.core_type = #tpu.core_type<tc>, window_params = [{transform_indices = @transform_0, window_bounds = array<i64: 256, 1>}, {transform_indices = @transform_1, window_bounds = array<i64: 256, 1>}, {transform_indices = @transform_2, window_bounds = array<i64: 256, 1>}, {pipeline_mode = #tpu.pipeline_mode<synchronous>, transform_indices = @transform_3, window_bounds = array<i64: 1, 10240>}, {pipeline_mode = #tpu.pipeline_mode<synchronous>, transform_indices = @transform_4, window_bounds = array<i64: 1, 10240>}, {pipeline_mode = #tpu.pipeline_mode<synchronous>, transform_indices = @transform_5, window_bounds = array<i64: 1, 10240>}, {transform_indices = @transform_6, window_bounds = array<i64: 32, 256, 1>}]} {
    %get3A = arith.constant 0 : index
    %get3A_0 = arith.constant 0 : index
    %get3A_1 = vector.load %arg1[%get3A, %get3A_0] : memref<256x1xf32, #tpu.memory_space<vmem>>, vector<256x1xf32>
    %get3A_2 = arith.constant 0 : index
    %get3A_3 = arith.constant 0 : index
    %get3A_4 = vector.load %arg2[%get3A_2, %get3A_3] : memref<256x1xf32, #tpu.memory_space<vmem>>, vector<256x1xf32>
    %get3A_5 = arith.constant 0 : index
    %get3A_6 = arith.constant 0 : index
    %get3A_7 = vector.load %arg3[%get3A_5, %get3A_6] : memref<256x1xf32, #tpu.memory_space<vmem>>, vector<256x1xf32>
    %get3A_8 = arith.constant 0 : index
    %get3A_9 = arith.constant 0 : index
    %get3A_10 = vector.load %arg4[%get3A_8, %get3A_9] : memref<1x10240xf32, #tpu.memory_space<vmem>>, vector<1x10240xf32>
    %sub3A = vector.broadcast %get3A_1 : vector<256x1xf32> to vector<256x10240xf32>
    %sub3A_11 = vector.broadcast %get3A_10 : vector<1x10240xf32> to vector<256x10240xf32>
    %sub3A_12 = arith.subf %sub3A, %sub3A_11 : vector<256x10240xf32>
    %get3A_13 = arith.constant 0 : index
    %get3A_14 = arith.constant 0 : index
    %get3A_15 = vector.load %arg5[%get3A_13, %get3A_14] : memref<1x10240xf32, #tpu.memory_space<vmem>>, vector<1x10240xf32>
    %sub3A_16 = vector.broadcast %get3A_4 : vector<256x1xf32> to vector<256x10240xf32>
    %sub3A_17 = vector.broadcast %get3A_15 : vector<1x10240xf32> to vector<256x10240xf32>
    %sub3A_18 = arith.subf %sub3A_16, %sub3A_17 : vector<256x10240xf32>
    %get3A_19 = arith.constant 0 : index
    %get3A_20 = arith.constant 0 : index
    %get3A_21 = vector.load %arg6[%get3A_19, %get3A_20] : memref<1x10240xf32, #tpu.memory_space<vmem>>, vector<1x10240xf32>
    %sub3A_22 = vector.broadcast %get3A_7 : vector<256x1xf32> to vector<256x10240xf32>
    %sub3A_23 = vector.broadcast %get3A_21 : vector<1x10240xf32> to vector<256x10240xf32>
    %sub3A_24 = arith.subf %sub3A_22, %sub3A_23 : vector<256x10240xf32>
    %mul3A = arith.mulf %sub3A_12, %sub3A_12 : vector<256x10240xf32>
    %mul3A_25 = arith.mulf %sub3A_24, %sub3A_24 : vector<256x10240xf32>
    %add3A = arith.addf %mul3A, %mul3A_25 : vector<256x10240xf32>
    %mul3A_26 = arith.mulf %sub3A_18, %sub3A_18 : vector<256x10240xf32>
    %add3A_27 = arith.addf %add3A, %mul3A_26 : vector<256x10240xf32>
    %le3A = arith.constant 1.600000e-01 : f32
    %le3A_28 = vector.broadcast %le3A : f32 to vector<256x10240xf32>
    %le3A_29 = arith.cmpf ole, %add3A_27, %le3A_28 : vector<256x10240xf32>
    %jit3A = arith.constant 0x7F800000 : f32
    %broadcast_in_dim3A = vector.broadcast %jit3A : f32 to vector<256x10240xf32>
    %select_n3A = arith.select %le3A_29, %add3A_27, %broadcast_in_dim3A : vector<256x10240xi1>, vector<256x10240xf32>
    %swap3A = arith.constant 0 : index
    %swap3A_30 = arith.constant 0 : index
    %swap3A_31 = vector.load %arg8[%swap3A, %swap3A_30] : memref<256x10240xf32, #tpu.memory_space<vmem>>, vector<256x10240xf32>
    tpu.vector_store %arg8[%swap3A, %swap3A_30], %select_n3A {strides = array<i32>} : memref<256x10240xf32, #tpu.memory_space<vmem>>, vector<256x10240xf32>,
    %lt3A = arith.constant 0x7F800000 : f32
    %lt3A_32 = vector.broadcast %lt3A : f32 to vector<256x10240xf32>
    %lt3A_33 = arith.cmpf olt, %select_n3A, %lt3A_32 : vector<256x10240xf32>
    %convert_element_type3A = arith.extui %lt3A_33 : vector<256x10240xi1> to vector<256x10240xi32>
    %reduce_sum3A = arith.constant dense<0> : vector<256xi32>
    %reduce_sum3A_34 = vector.multi_reduction <add>, %convert_element_type3A, %reduce_sum3A [1] : vector<256x10240xi32> to vector<256xi32>
    %broadcast_in_dim3A_35 = vector.shape_cast %reduce_sum3A_34 : vector<256xi32> to vector<256x1xi32>
    %iota3A = tpu.iota {dimensions = array<i32: 1>} : vector<256x10240xi32>
    %reduce_min3A = arith.constant dense<0x7F800000> : vector<256xf32>
    %reduce_min3A_36 = vector.multi_reduction <minimumf>, %select_n3A, %reduce_min3A [1] : vector<256x10240xf32> to vector<256xf32>
    %broadcast_in_dim3A_37 = vector.shape_cast %reduce_min3A_36 : vector<256xf32> to vector<256x1xf32>
    %eq3A = vector.broadcast %broadcast_in_dim3A_37 : vector<256x1xf32> to vector<256x10240xf32>
    %eq3A_38 = arith.cmpf oeq, %select_n3A, %eq3A : vector<256x10240xf32>
    %jit3A_39 = arith.constant 1073741824 : i32
    %broadcast_in_dim3A_40 = vector.broadcast %jit3A_39 : i32 to vector<256x10240xi32>
    %select_n3A_41 = arith.select %eq3A_38, %iota3A, %broadcast_in_dim3A_40 : vector<256x10240xi1>, vector<256x10240xi32>
    %reduce_min3A_42 = arith.constant dense<2147483647> : vector<256xi32>
    %reduce_min3A_43 = vector.multi_reduction <minsi>, %select_n3A_41, %reduce_min3A_42 [1] : vector<256x10240xi32> to vector<256xi32>
    %broadcast_in_dim3A_44 = vector.shape_cast %reduce_min3A_43 : vector<256xi32> to vector<256x1xi32>
    %gt3A = arith.constant 0 : i32
    %gt3A_45 = vector.broadcast %gt3A : i32 to vector<256x1xi32>
    %gt3A_46 = arith.cmpi sgt, %broadcast_in_dim3A_35, %gt3A_45 : vector<256x1xi32>
    %jit3A_47 = arith.constant 10239 : i32
    %broadcast_in_dim3A_48 = vector.broadcast %jit3A_47 : i32 to vector<256x1xi32>
    %select_n3A_49 = arith.select %gt3A_46, %broadcast_in_dim3A_44, %broadcast_in_dim3A_48 : vector<256x1xi1>, vector<256x1xi32>
    %swap3A_50 = arith.constant 0 : index
    %swap3A_51 = arith.constant 0 : index
    %swap3A_52 = arith.constant 0 : index
    %swap3A_53 = vector.load %arg7[%swap3A_50, %swap3A_51, %swap3A_52] : memref<32x256x1xi32, #tpu.memory_space<vmem>>, vector<1x256x1xi32>
    %swap3A_54 = vector.shape_cast %swap3A_53 : vector<1x256x1xi32> to vector<256x1xi32>
    %swap3A_55 = vector.shape_cast %select_n3A_49 : vector<256x1xi32> to vector<1x256x1xi32>
    tpu.vector_store %arg7[%swap3A_50, %swap3A_51, %swap3A_52], %swap3A_55 {strides = array<i32>} : memref<32x256x1xi32, #tpu.memory_space<vmem>>, vector<1x256x1xi32>,
    %scan3A = arith.constant 1 : i32
    %scan3A_56 = arith.constant 31 : i32
    %scan3A_57 = arith.addi %scan3A, %scan3A_56 : i32
    %scan3A_58 = arith.constant 1 : i32
    %scan3A_59 = scf.for %scan3A_61 = %scan3A to %scan3A_57 step %scan3A_58 iter_args(%scan3A_62 = %broadcast_in_dim3A_44) -> (vector<256x1xi32>)  : i32 {
      %eq3A_63 = vector.broadcast %scan3A_62 : vector<256x1xi32> to vector<256x10240xi32>
      %eq3A_64 = arith.cmpi eq, %iota3A, %eq3A_63 : vector<256x10240xi32>
      %get3A_65 = arith.constant 0 : index
      %get3A_66 = arith.constant 0 : index
      %get3A_67 = vector.load %arg8[%get3A_65, %get3A_66] : memref<256x10240xf32, #tpu.memory_space<vmem>>, vector<256x10240xf32>
      %jit3A_68 = arith.constant 0x7F800000 : f32
      %broadcast_in_dim3A_69 = vector.broadcast %jit3A_68 : f32 to vector<256x10240xf32>
      %select_n3A_70 = arith.select %eq3A_64, %broadcast_in_dim3A_69, %get3A_67 : vector<256x10240xi1>, vector<256x10240xf32>
      %swap3A_71 = arith.constant 0 : index
      %swap3A_72 = arith.constant 0 : index
      %swap3A_73 = vector.load %arg8[%swap3A_71, %swap3A_72] : memref<256x10240xf32, #tpu.memory_space<vmem>>, vector<256x10240xf32>
      tpu.vector_store %arg8[%swap3A_71, %swap3A_72], %select_n3A_70 {strides = array<i32>} : memref<256x10240xf32, #tpu.memory_space<vmem>>, vector<256x10240xf32>,
      %reduce_min3A_74 = arith.constant dense<0x7F800000> : vector<256xf32>
      %reduce_min3A_75 = vector.multi_reduction <minimumf>, %select_n3A_70, %reduce_min3A_74 [1] : vector<256x10240xf32> to vector<256xf32>
      %broadcast_in_dim3A_76 = vector.shape_cast %reduce_min3A_75 : vector<256xf32> to vector<256x1xf32>
      %eq3A_77 = vector.broadcast %broadcast_in_dim3A_76 : vector<256x1xf32> to vector<256x10240xf32>
      %eq3A_78 = arith.cmpf oeq, %select_n3A_70, %eq3A_77 : vector<256x10240xf32>
      %jit3A_79 = arith.constant 1073741824 : i32
      %broadcast_in_dim3A_80 = vector.broadcast %jit3A_79 : i32 to vector<256x10240xi32>
      %select_n3A_81 = arith.select %eq3A_78, %iota3A, %broadcast_in_dim3A_80 : vector<256x10240xi1>, vector<256x10240xi32>
      %reduce_min3A_82 = arith.constant dense<2147483647> : vector<256xi32>
      %reduce_min3A_83 = vector.multi_reduction <minsi>, %select_n3A_81, %reduce_min3A_82 [1] : vector<256x10240xi32> to vector<256xi32>
      %broadcast_in_dim3A_84 = vector.shape_cast %reduce_min3A_83 : vector<256xi32> to vector<256x1xi32>
      %lt3A_85 = vector.broadcast %scan3A_61 : i32 to vector<256x1xi32>
      %lt3A_86 = arith.cmpi slt, %lt3A_85, %broadcast_in_dim3A_35 : vector<256x1xi32>
      %jit3A_87 = arith.constant 10239 : i32
      %broadcast_in_dim3A_88 = vector.broadcast %jit3A_87 : i32 to vector<256x1xi32>
      %select_n3A_89 = arith.select %lt3A_86, %broadcast_in_dim3A_84, %broadcast_in_dim3A_88 : vector<256x1xi1>, vector<256x1xi32>
      %swap3A_90 = arith.index_cast %scan3A_61 : i32 to index
      %swap3A_91 = arith.constant 0 : index
      %swap3A_92 = arith.constant 0 : index
      %swap3A_93 = vector.load %arg7[%swap3A_90, %swap3A_91, %swap3A_92] : memref<32x256x1xi32, #tpu.memory_space<vmem>>, vector<1x256x1xi32>
      %swap3A_94 = vector.shape_cast %swap3A_93 : vector<1x256x1xi32> to vector<256x1xi32>
      %swap3A_95 = vector.shape_cast %select_n3A_89 : vector<256x1xi32> to vector<1x256x1xi32>
      tpu.vector_store %arg7[%swap3A_90, %swap3A_91, %swap3A_92], %swap3A_95 {strides = array<i32>} : memref<32x256x1xi32, #tpu.memory_space<vmem>>, vector<1x256x1xi32>,
      scf.yield %broadcast_in_dim3A_84 : vector<256x1xi32>
    }
    %scan3A_60 = arith.constant 31 : i32
    return
  }
  func.func @transform_0(%arg0: i32) -> (i32, i32) {
    %c0_i32 = arith.constant 0 : i32
    %c0_i32_0 = arith.constant 0 : i32
    return %arg0, %c0_i32 : i32, i32
  }
  func.func @transform_1(%arg0: i32) -> (i32, i32) {
    %c0_i32 = arith.constant 0 : i32
    %c0_i32_0 = arith.constant 0 : i32
    return %arg0, %c0_i32 : i32, i32
  }
  func.func @transform_2(%arg0: i32) -> (i32, i32) {
    %c0_i32 = arith.constant 0 : i32
    %c0_i32_0 = arith.constant 0 : i32
    return %arg0, %c0_i32 : i32, i32
  }
  func.func @transform_3(%arg0: i32) -> (i32, i32) {
    %c0_i32 = arith.constant 0 : i32
    %c0_i32_0 = arith.constant 0 : i32
    %c0_i32_1 = arith.constant 0 : i32
    return %c0_i32, %c0_i32_0 : i32, i32
  }
  func.func @transform_4(%arg0: i32) -> (i32, i32) {
    %c0_i32 = arith.constant 0 : i32
    %c0_i32_0 = arith.constant 0 : i32
    %c0_i32_1 = arith.constant 0 : i32
    return %c0_i32, %c0_i32_0 : i32, i32
  }
  func.func @transform_5(%arg0: i32) -> (i32, i32) {
    %c0_i32 = arith.constant 0 : i32
    %c0_i32_0 = arith.constant 0 : i32
    %c0_i32_1 = arith.constant 0 : i32
    return %c0_i32, %c0_i32_0 : i32, i32
  }
  func.func @transform_6(%arg0: i32) -> (i32, i32, i32) {
    %c0_i32 = arith.constant 0 : i32
    %c0_i32_0 = arith.constant 0 : i32
    %c0_i32_1 = arith.constant 0 : i32
    return %c0_i32, %arg0, %c0_i32_0 : i32, i32, i32
  }
}

module attributes {stable_mosaic.version = 14 : i64} {
  func.func @_mlp_kernel(%arg0: i32, %arg1: memref<16x256x128xf32, #tpu.memory_space<vmem>>, %arg2: memref<16x256x1xi32, #tpu.memory_space<vmem>>, %arg3: memref<256x1xf32, #tpu.memory_space<vmem>>, %arg4: memref<256x1xf32, #tpu.memory_space<vmem>>, %arg5: memref<256x1xf32, #tpu.memory_space<vmem>>, %arg6: memref<3x64xf32, #tpu.memory_space<vmem>>, %arg7: memref<64x128xf32, #tpu.memory_space<vmem>>, %arg8: memref<1x128xf32, #tpu.memory_space<vmem>>, %arg9: memref<256x128xf32, #tpu.memory_space<vmem>>) attributes {dimension_semantics = [#tpu.dimension_semantics<arbitrary>], iteration_bounds = array<i64: 20>, scalar_prefetch = 0 : i64, scratch_operands = 0 : i64, tpu.core_type = #tpu.core_type<tc>, window_params = [{transform_indices = @transform_0, window_bounds = array<i64: 16, 256, 128>}, {transform_indices = @transform_1, window_bounds = array<i64: 16, 256, 1>}, {transform_indices = @transform_2, window_bounds = array<i64: 256, 1>}, {transform_indices = @transform_3, window_bounds = array<i64: 256, 1>}, {transform_indices = @transform_4, window_bounds = array<i64: 256, 1>}, {pipeline_mode = #tpu.pipeline_mode<synchronous>, transform_indices = @transform_5, window_bounds = array<i64: 3, 64>}, {pipeline_mode = #tpu.pipeline_mode<synchronous>, transform_indices = @transform_6, window_bounds = array<i64: 64, 128>}, {pipeline_mode = #tpu.pipeline_mode<synchronous>, transform_indices = @transform_7, window_bounds = array<i64: 1, 128>}, {transform_indices = @transform_8, window_bounds = array<i64: 256, 128>}]} {
    %get3A = arith.constant 0 : index
    %get3A_0 = arith.constant 0 : index
    %get3A_1 = vector.load %arg3[%get3A, %get3A_0] : memref<256x1xf32, #tpu.memory_space<vmem>>, vector<256x1xf32>
    %get3A_2 = arith.constant 0 : index
    %get3A_3 = arith.constant 0 : index
    %get3A_4 = vector.load %arg4[%get3A_2, %get3A_3] : memref<256x1xf32, #tpu.memory_space<vmem>>, vector<256x1xf32>
    %get3A_5 = arith.constant 0 : index
    %get3A_6 = arith.constant 0 : index
    %get3A_7 = vector.load %arg5[%get3A_5, %get3A_6] : memref<256x1xf32, #tpu.memory_space<vmem>>, vector<256x1xf32>
    %get3A_8 = arith.constant 0 : index
    %get3A_9 = arith.constant 0 : index
    %get3A_10 = vector.load %arg6[%get3A_8, %get3A_9] : memref<3x64xf32, #tpu.memory_space<vmem>>, vector<1x64xf32>
    %mul3A = vector.broadcast %get3A_1 : vector<256x1xf32> to vector<256x64xf32>
    %mul3A_11 = vector.broadcast %get3A_10 : vector<1x64xf32> to vector<256x64xf32>
    %mul3A_12 = arith.mulf %mul3A, %mul3A_11 : vector<256x64xf32>
    %get3A_13 = arith.constant 1 : index
    %get3A_14 = arith.constant 0 : index
    %get3A_15 = vector.load %arg6[%get3A_13, %get3A_14] : memref<3x64xf32, #tpu.memory_space<vmem>>, vector<1x64xf32>
    %mul3A_16 = vector.broadcast %get3A_4 : vector<256x1xf32> to vector<256x64xf32>
    %mul3A_17 = vector.broadcast %get3A_15 : vector<1x64xf32> to vector<256x64xf32>
    %mul3A_18 = arith.mulf %mul3A_16, %mul3A_17 : vector<256x64xf32>
    %add3A = arith.addf %mul3A_12, %mul3A_18 : vector<256x64xf32>
    %get3A_19 = arith.constant 2 : index
    %get3A_20 = arith.constant 0 : index
    %get3A_21 = vector.load %arg6[%get3A_19, %get3A_20] : memref<3x64xf32, #tpu.memory_space<vmem>>, vector<1x64xf32>
    %mul3A_22 = vector.broadcast %get3A_7 : vector<256x1xf32> to vector<256x64xf32>
    %mul3A_23 = vector.broadcast %get3A_21 : vector<1x64xf32> to vector<256x64xf32>
    %mul3A_24 = arith.mulf %mul3A_22, %mul3A_23 : vector<256x64xf32>
    %add3A_25 = arith.addf %add3A, %mul3A_24 : vector<256x64xf32>
    %get3A_26 = arith.constant 0 : index
    %get3A_27 = arith.constant 0 : index
    %get3A_28 = vector.load %arg7[%get3A_26, %get3A_27] : memref<64x128xf32, #tpu.memory_space<vmem>>, vector<64x128xf32>
    %get3A_29 = arith.constant 0 : index
    %get3A_30 = arith.constant 0 : index
    %get3A_31 = vector.load %arg8[%get3A_29, %get3A_30] : memref<1x128xf32, #tpu.memory_space<vmem>>, vector<1x128xf32>
    %broadcast_in_dim3A = arith.constant 0.000000e+00 : f32
    %broadcast_in_dim3A_32 = vector.broadcast %broadcast_in_dim3A : f32 to vector<256x128xf32>
    %get3A_33 = arith.constant 0 : index
    %get3A_34 = arith.constant 0 : index
    %get3A_35 = arith.constant 0 : index
    %get3A_36 = vector.load %arg1[%get3A_33, %get3A_34, %get3A_35] : memref<16x256x128xf32, #tpu.memory_space<vmem>>, vector<1x256x64xf32>
    %get3A_37 = vector.shape_cast %get3A_36 : vector<1x256x64xf32> to vector<256x64xf32>
    %sub3A = arith.subf %get3A_37, %add3A_25 : vector<256x64xf32>
    %max3A = arith.constant 0.000000e+00 : f32
    %max3A_38 = vector.broadcast %max3A : f32 to vector<256x64xf32>
    %max3A_39 = arith.maximumf %sub3A, %max3A_38 : vector<256x64xf32>
    %dot_general3A = arith.constant dense<0.000000e+00> : vector<256x128xf32>
    %dot_general3A_40 = tpu.matmul %max3A_39, %get3A_28, %dot_general3A {dimension_numbers = #tpu.dot_dimension_numbers<[1], [0], [0], [1], [0, 0, 1, 1], [], []>, transpose_lhs_hint = false} : vector<256x64xf32>, vector<64x128xf32>, vector<256x128xf32> -> vector<256x128xf32>
    %add3A_41 = vector.broadcast %get3A_31 : vector<1x128xf32> to vector<256x128xf32>
    %add3A_42 = arith.addf %dot_general3A_40, %add3A_41 : vector<256x128xf32>
    %max3A_43 = arith.constant 0.000000e+00 : f32
    %max3A_44 = vector.broadcast %max3A_43 : f32 to vector<256x128xf32>
    %max3A_45 = arith.maximumf %add3A_42, %max3A_44 : vector<256x128xf32>
    %get3A_46 = arith.constant 0 : index
    %get3A_47 = arith.constant 0 : index
    %get3A_48 = arith.constant 0 : index
    %get3A_49 = vector.load %arg2[%get3A_46, %get3A_47, %get3A_48] : memref<16x256x1xi32, #tpu.memory_space<vmem>>, vector<1x256x1xi32>
    %get3A_50 = vector.shape_cast %get3A_49 : vector<1x256x1xi32> to vector<256x1xi32>
    %ne3A = arith.constant 10239 : i32
    %ne3A_51 = vector.broadcast %ne3A : i32 to vector<256x1xi32>
    %ne3A_52 = arith.cmpi ne, %get3A_50, %ne3A_51 : vector<256x1xi32>
    %jit3A = arith.constant 0.000000e+00 : f32
    %broadcast_in_dim3A_53 = vector.shape_cast %ne3A_52 : vector<256x1xi1> to vector<256x1xi1>
    %broadcast_in_dim3A_54 = vector.broadcast %broadcast_in_dim3A_53 : vector<256x1xi1> to vector<256x128xi1>
    %broadcast_in_dim3A_55 = vector.broadcast %jit3A : f32 to vector<256x128xf32>
    %select_n3A = arith.select %broadcast_in_dim3A_54, %max3A_45, %broadcast_in_dim3A_55 : vector<256x128xi1>, vector<256x128xf32>
    %max3A_56 = arith.maximumf %broadcast_in_dim3A_32, %select_n3A : vector<256x128xf32>
    %get3A_57 = arith.constant 1 : index
    %get3A_58 = arith.constant 0 : index
    %get3A_59 = arith.constant 0 : index
    %get3A_60 = vector.load %arg1[%get3A_57, %get3A_58, %get3A_59] : memref<16x256x128xf32, #tpu.memory_space<vmem>>, vector<1x256x64xf32>
    %get3A_61 = vector.shape_cast %get3A_60 : vector<1x256x64xf32> to vector<256x64xf32>
    %sub3A_62 = arith.subf %get3A_61, %add3A_25 : vector<256x64xf32>
    %max3A_63 = arith.constant 0.000000e+00 : f32
    %max3A_64 = vector.broadcast %max3A_63 : f32 to vector<256x64xf32>
    %max3A_65 = arith.maximumf %sub3A_62, %max3A_64 : vector<256x64xf32>
    %dot_general3A_66 = arith.constant dense<0.000000e+00> : vector<256x128xf32>
    %dot_general3A_67 = tpu.matmul %max3A_65, %get3A_28, %dot_general3A_66 {dimension_numbers = #tpu.dot_dimension_numbers<[1], [0], [0], [1], [0, 0, 1, 1], [], []>, transpose_lhs_hint = false} : vector<256x64xf32>, vector<64x128xf32>, vector<256x128xf32> -> vector<256x128xf32>
    %add3A_68 = vector.broadcast %get3A_31 : vector<1x128xf32> to vector<256x128xf32>
    %add3A_69 = arith.addf %dot_general3A_67, %add3A_68 : vector<256x128xf32>
    %max3A_70 = arith.constant 0.000000e+00 : f32
    %max3A_71 = vector.broadcast %max3A_70 : f32 to vector<256x128xf32>
    %max3A_72 = arith.maximumf %add3A_69, %max3A_71 : vector<256x128xf32>
    %get3A_73 = arith.constant 1 : index
    %get3A_74 = arith.constant 0 : index
    %get3A_75 = arith.constant 0 : index
    %get3A_76 = vector.load %arg2[%get3A_73, %get3A_74, %get3A_75] : memref<16x256x1xi32, #tpu.memory_space<vmem>>, vector<1x256x1xi32>
    %get3A_77 = vector.shape_cast %get3A_76 : vector<1x256x1xi32> to vector<256x1xi32>
    %ne3A_78 = arith.constant 10239 : i32
    %ne3A_79 = vector.broadcast %ne3A_78 : i32 to vector<256x1xi32>
    %ne3A_80 = arith.cmpi ne, %get3A_77, %ne3A_79 : vector<256x1xi32>
    %jit3A_81 = arith.constant 0.000000e+00 : f32
    %broadcast_in_dim3A_82 = vector.shape_cast %ne3A_80 : vector<256x1xi1> to vector<256x1xi1>
    %broadcast_in_dim3A_83 = vector.broadcast %broadcast_in_dim3A_82 : vector<256x1xi1> to vector<256x128xi1>
    %broadcast_in_dim3A_84 = vector.broadcast %jit3A_81 : f32 to vector<256x128xf32>
    %select_n3A_85 = arith.select %broadcast_in_dim3A_83, %max3A_72, %broadcast_in_dim3A_84 : vector<256x128xi1>, vector<256x128xf32>
    %max3A_86 = arith.maximumf %max3A_56, %select_n3A_85 : vector<256x128xf32>
    %get3A_87 = arith.constant 2 : index
    %get3A_88 = arith.constant 0 : index
    %get3A_89 = arith.constant 0 : index
    %get3A_90 = vector.load %arg1[%get3A_87, %get3A_88, %get3A_89] : memref<16x256x128xf32, #tpu.memory_space<vmem>>, vector<1x256x64xf32>
    %get3A_91 = vector.shape_cast %get3A_90 : vector<1x256x64xf32> to vector<256x64xf32>
    %sub3A_92 = arith.subf %get3A_91, %add3A_25 : vector<256x64xf32>
    %max3A_93 = arith.constant 0.000000e+00 : f32
    %max3A_94 = vector.broadcast %max3A_93 : f32 to vector<256x64xf32>
    %max3A_95 = arith.maximumf %sub3A_92, %max3A_94 : vector<256x64xf32>
    %dot_general3A_96 = arith.constant dense<0.000000e+00> : vector<256x128xf32>
    %dot_general3A_97 = tpu.matmul %max3A_95, %get3A_28, %dot_general3A_96 {dimension_numbers = #tpu.dot_dimension_numbers<[1], [0], [0], [1], [0, 0, 1, 1], [], []>, transpose_lhs_hint = false} : vector<256x64xf32>, vector<64x128xf32>, vector<256x128xf32> -> vector<256x128xf32>
    %add3A_98 = vector.broadcast %get3A_31 : vector<1x128xf32> to vector<256x128xf32>
    %add3A_99 = arith.addf %dot_general3A_97, %add3A_98 : vector<256x128xf32>
    %max3A_100 = arith.constant 0.000000e+00 : f32
    %max3A_101 = vector.broadcast %max3A_100 : f32 to vector<256x128xf32>
    %max3A_102 = arith.maximumf %add3A_99, %max3A_101 : vector<256x128xf32>
    %get3A_103 = arith.constant 2 : index
    %get3A_104 = arith.constant 0 : index
    %get3A_105 = arith.constant 0 : index
    %get3A_106 = vector.load %arg2[%get3A_103, %get3A_104, %get3A_105] : memref<16x256x1xi32, #tpu.memory_space<vmem>>, vector<1x256x1xi32>
    %get3A_107 = vector.shape_cast %get3A_106 : vector<1x256x1xi32> to vector<256x1xi32>
    %ne3A_108 = arith.constant 10239 : i32
    %ne3A_109 = vector.broadcast %ne3A_108 : i32 to vector<256x1xi32>
    %ne3A_110 = arith.cmpi ne, %get3A_107, %ne3A_109 : vector<256x1xi32>
    %jit3A_111 = arith.constant 0.000000e+00 : f32
    %broadcast_in_dim3A_112 = vector.shape_cast %ne3A_110 : vector<256x1xi1> to vector<256x1xi1>
    %broadcast_in_dim3A_113 = vector.broadcast %broadcast_in_dim3A_112 : vector<256x1xi1> to vector<256x128xi1>
    %broadcast_in_dim3A_114 = vector.broadcast %jit3A_111 : f32 to vector<256x128xf32>
    %select_n3A_115 = arith.select %broadcast_in_dim3A_113, %max3A_102, %broadcast_in_dim3A_114 : vector<256x128xi1>, vector<256x128xf32>
    %max3A_116 = arith.maximumf %max3A_86, %select_n3A_115 : vector<256x128xf32>
    %get3A_117 = arith.constant 3 : index
    %get3A_118 = arith.constant 0 : index
    %get3A_119 = arith.constant 0 : index
    %get3A_120 = vector.load %arg1[%get3A_117, %get3A_118, %get3A_119] : memref<16x256x128xf32, #tpu.memory_space<vmem>>, vector<1x256x64xf32>
    %get3A_121 = vector.shape_cast %get3A_120 : vector<1x256x64xf32> to vector<256x64xf32>
    %sub3A_122 = arith.subf %get3A_121, %add3A_25 : vector<256x64xf32>
    %max3A_123 = arith.constant 0.000000e+00 : f32
    %max3A_124 = vector.broadcast %max3A_123 : f32 to vector<256x64xf32>
    %max3A_125 = arith.maximumf %sub3A_122, %max3A_124 : vector<256x64xf32>
    %dot_general3A_126 = arith.constant dense<0.000000e+00> : vector<256x128xf32>
    %dot_general3A_127 = tpu.matmul %max3A_125, %get3A_28, %dot_general3A_126 {dimension_numbers = #tpu.dot_dimension_numbers<[1], [0], [0], [1], [0, 0, 1, 1], [], []>, transpose_lhs_hint = false} : vector<256x64xf32>, vector<64x128xf32>, vector<256x128xf32> -> vector<256x128xf32>
    %add3A_128 = vector.broadcast %get3A_31 : vector<1x128xf32> to vector<256x128xf32>
    %add3A_129 = arith.addf %dot_general3A_127, %add3A_128 : vector<256x128xf32>
    %max3A_130 = arith.constant 0.000000e+00 : f32
    %max3A_131 = vector.broadcast %max3A_130 : f32 to vector<256x128xf32>
    %max3A_132 = arith.maximumf %add3A_129, %max3A_131 : vector<256x128xf32>
    %get3A_133 = arith.constant 3 : index
    %get3A_134 = arith.constant 0 : index
    %get3A_135 = arith.constant 0 : index
    %get3A_136 = vector.load %arg2[%get3A_133, %get3A_134, %get3A_135] : memref<16x256x1xi32, #tpu.memory_space<vmem>>, vector<1x256x1xi32>
    %get3A_137 = vector.shape_cast %get3A_136 : vector<1x256x1xi32> to vector<256x1xi32>
    %ne3A_138 = arith.constant 10239 : i32
    %ne3A_139 = vector.broadcast %ne3A_138 : i32 to vector<256x1xi32>
    %ne3A_140 = arith.cmpi ne, %get3A_137, %ne3A_139 : vector<256x1xi32>
    %jit3A_141 = arith.constant 0.000000e+00 : f32
    %broadcast_in_dim3A_142 = vector.shape_cast %ne3A_140 : vector<256x1xi1> to vector<256x1xi1>
    %broadcast_in_dim3A_143 = vector.broadcast %broadcast_in_dim3A_142 : vector<256x1xi1> to vector<256x128xi1>
    %broadcast_in_dim3A_144 = vector.broadcast %jit3A_141 : f32 to vector<256x128xf32>
    %select_n3A_145 = arith.select %broadcast_in_dim3A_143, %max3A_132, %broadcast_in_dim3A_144 : vector<256x128xi1>, vector<256x128xf32>
    %max3A_146 = arith.maximumf %max3A_116, %select_n3A_145 : vector<256x128xf32>
    %get3A_147 = arith.constant 4 : index
    %get3A_148 = arith.constant 0 : index
    %get3A_149 = arith.constant 0 : index
    %get3A_150 = vector.load %arg1[%get3A_147, %get3A_148, %get3A_149] : memref<16x256x128xf32, #tpu.memory_space<vmem>>, vector<1x256x64xf32>
    %get3A_151 = vector.shape_cast %get3A_150 : vector<1x256x64xf32> to vector<256x64xf32>
    %sub3A_152 = arith.subf %get3A_151, %add3A_25 : vector<256x64xf32>
    %max3A_153 = arith.constant 0.000000e+00 : f32
    %max3A_154 = vector.broadcast %max3A_153 : f32 to vector<256x64xf32>
    %max3A_155 = arith.maximumf %sub3A_152, %max3A_154 : vector<256x64xf32>
    %dot_general3A_156 = arith.constant dense<0.000000e+00> : vector<256x128xf32>
    %dot_general3A_157 = tpu.matmul %max3A_155, %get3A_28, %dot_general3A_156 {dimension_numbers = #tpu.dot_dimension_numbers<[1], [0], [0], [1], [0, 0, 1, 1], [], []>, transpose_lhs_hint = false} : vector<256x64xf32>, vector<64x128xf32>, vector<256x128xf32> -> vector<256x128xf32>
    %add3A_158 = vector.broadcast %get3A_31 : vector<1x128xf32> to vector<256x128xf32>
    %add3A_159 = arith.addf %dot_general3A_157, %add3A_158 : vector<256x128xf32>
    %max3A_160 = arith.constant 0.000000e+00 : f32
    %max3A_161 = vector.broadcast %max3A_160 : f32 to vector<256x128xf32>
    %max3A_162 = arith.maximumf %add3A_159, %max3A_161 : vector<256x128xf32>
    %get3A_163 = arith.constant 4 : index
    %get3A_164 = arith.constant 0 : index
    %get3A_165 = arith.constant 0 : index
    %get3A_166 = vector.load %arg2[%get3A_163, %get3A_164, %get3A_165] : memref<16x256x1xi32, #tpu.memory_space<vmem>>, vector<1x256x1xi32>
    %get3A_167 = vector.shape_cast %get3A_166 : vector<1x256x1xi32> to vector<256x1xi32>
    %ne3A_168 = arith.constant 10239 : i32
    %ne3A_169 = vector.broadcast %ne3A_168 : i32 to vector<256x1xi32>
    %ne3A_170 = arith.cmpi ne, %get3A_167, %ne3A_169 : vector<256x1xi32>
    %jit3A_171 = arith.constant 0.000000e+00 : f32
    %broadcast_in_dim3A_172 = vector.shape_cast %ne3A_170 : vector<256x1xi1> to vector<256x1xi1>
    %broadcast_in_dim3A_173 = vector.broadcast %broadcast_in_dim3A_172 : vector<256x1xi1> to vector<256x128xi1>
    %broadcast_in_dim3A_174 = vector.broadcast %jit3A_171 : f32 to vector<256x128xf32>
    %select_n3A_175 = arith.select %broadcast_in_dim3A_173, %max3A_162, %broadcast_in_dim3A_174 : vector<256x128xi1>, vector<256x128xf32>
    %max3A_176 = arith.maximumf %max3A_146, %select_n3A_175 : vector<256x128xf32>
    %get3A_177 = arith.constant 5 : index
    %get3A_178 = arith.constant 0 : index
    %get3A_179 = arith.constant 0 : index
    %get3A_180 = vector.load %arg1[%get3A_177, %get3A_178, %get3A_179] : memref<16x256x128xf32, #tpu.memory_space<vmem>>, vector<1x256x64xf32>
    %get3A_181 = vector.shape_cast %get3A_180 : vector<1x256x64xf32> to vector<256x64xf32>
    %sub3A_182 = arith.subf %get3A_181, %add3A_25 : vector<256x64xf32>
    %max3A_183 = arith.constant 0.000000e+00 : f32
    %max3A_184 = vector.broadcast %max3A_183 : f32 to vector<256x64xf32>
    %max3A_185 = arith.maximumf %sub3A_182, %max3A_184 : vector<256x64xf32>
    %dot_general3A_186 = arith.constant dense<0.000000e+00> : vector<256x128xf32>
    %dot_general3A_187 = tpu.matmul %max3A_185, %get3A_28, %dot_general3A_186 {dimension_numbers = #tpu.dot_dimension_numbers<[1], [0], [0], [1], [0, 0, 1, 1], [], []>, transpose_lhs_hint = false} : vector<256x64xf32>, vector<64x128xf32>, vector<256x128xf32> -> vector<256x128xf32>
    %add3A_188 = vector.broadcast %get3A_31 : vector<1x128xf32> to vector<256x128xf32>
    %add3A_189 = arith.addf %dot_general3A_187, %add3A_188 : vector<256x128xf32>
    %max3A_190 = arith.constant 0.000000e+00 : f32
    %max3A_191 = vector.broadcast %max3A_190 : f32 to vector<256x128xf32>
    %max3A_192 = arith.maximumf %add3A_189, %max3A_191 : vector<256x128xf32>
    %get3A_193 = arith.constant 5 : index
    %get3A_194 = arith.constant 0 : index
    %get3A_195 = arith.constant 0 : index
    %get3A_196 = vector.load %arg2[%get3A_193, %get3A_194, %get3A_195] : memref<16x256x1xi32, #tpu.memory_space<vmem>>, vector<1x256x1xi32>
    %get3A_197 = vector.shape_cast %get3A_196 : vector<1x256x1xi32> to vector<256x1xi32>
    %ne3A_198 = arith.constant 10239 : i32
    %ne3A_199 = vector.broadcast %ne3A_198 : i32 to vector<256x1xi32>
    %ne3A_200 = arith.cmpi ne, %get3A_197, %ne3A_199 : vector<256x1xi32>
    %jit3A_201 = arith.constant 0.000000e+00 : f32
    %broadcast_in_dim3A_202 = vector.shape_cast %ne3A_200 : vector<256x1xi1> to vector<256x1xi1>
    %broadcast_in_dim3A_203 = vector.broadcast %broadcast_in_dim3A_202 : vector<256x1xi1> to vector<256x128xi1>
    %broadcast_in_dim3A_204 = vector.broadcast %jit3A_201 : f32 to vector<256x128xf32>
    %select_n3A_205 = arith.select %broadcast_in_dim3A_203, %max3A_192, %broadcast_in_dim3A_204 : vector<256x128xi1>, vector<256x128xf32>
    %max3A_206 = arith.maximumf %max3A_176, %select_n3A_205 : vector<256x128xf32>
    %get3A_207 = arith.constant 6 : index
    %get3A_208 = arith.constant 0 : index
    %get3A_209 = arith.constant 0 : index
    %get3A_210 = vector.load %arg1[%get3A_207, %get3A_208, %get3A_209] : memref<16x256x128xf32, #tpu.memory_space<vmem>>, vector<1x256x64xf32>
    %get3A_211 = vector.shape_cast %get3A_210 : vector<1x256x64xf32> to vector<256x64xf32>
    %sub3A_212 = arith.subf %get3A_211, %add3A_25 : vector<256x64xf32>
    %max3A_213 = arith.constant 0.000000e+00 : f32
    %max3A_214 = vector.broadcast %max3A_213 : f32 to vector<256x64xf32>
    %max3A_215 = arith.maximumf %sub3A_212, %max3A_214 : vector<256x64xf32>
    %dot_general3A_216 = arith.constant dense<0.000000e+00> : vector<256x128xf32>
    %dot_general3A_217 = tpu.matmul %max3A_215, %get3A_28, %dot_general3A_216 {dimension_numbers = #tpu.dot_dimension_numbers<[1], [0], [0], [1], [0, 0, 1, 1], [], []>, transpose_lhs_hint = false} : vector<256x64xf32>, vector<64x128xf32>, vector<256x128xf32> -> vector<256x128xf32>
    %add3A_218 = vector.broadcast %get3A_31 : vector<1x128xf32> to vector<256x128xf32>
    %add3A_219 = arith.addf %dot_general3A_217, %add3A_218 : vector<256x128xf32>
    %max3A_220 = arith.constant 0.000000e+00 : f32
    %max3A_221 = vector.broadcast %max3A_220 : f32 to vector<256x128xf32>
    %max3A_222 = arith.maximumf %add3A_219, %max3A_221 : vector<256x128xf32>
    %get3A_223 = arith.constant 6 : index
    %get3A_224 = arith.constant 0 : index
    %get3A_225 = arith.constant 0 : index
    %get3A_226 = vector.load %arg2[%get3A_223, %get3A_224, %get3A_225] : memref<16x256x1xi32, #tpu.memory_space<vmem>>, vector<1x256x1xi32>
    %get3A_227 = vector.shape_cast %get3A_226 : vector<1x256x1xi32> to vector<256x1xi32>
    %ne3A_228 = arith.constant 10239 : i32
    %ne3A_229 = vector.broadcast %ne3A_228 : i32 to vector<256x1xi32>
    %ne3A_230 = arith.cmpi ne, %get3A_227, %ne3A_229 : vector<256x1xi32>
    %jit3A_231 = arith.constant 0.000000e+00 : f32
    %broadcast_in_dim3A_232 = vector.shape_cast %ne3A_230 : vector<256x1xi1> to vector<256x1xi1>
    %broadcast_in_dim3A_233 = vector.broadcast %broadcast_in_dim3A_232 : vector<256x1xi1> to vector<256x128xi1>
    %broadcast_in_dim3A_234 = vector.broadcast %jit3A_231 : f32 to vector<256x128xf32>
    %select_n3A_235 = arith.select %broadcast_in_dim3A_233, %max3A_222, %broadcast_in_dim3A_234 : vector<256x128xi1>, vector<256x128xf32>
    %max3A_236 = arith.maximumf %max3A_206, %select_n3A_235 : vector<256x128xf32>
    %get3A_237 = arith.constant 7 : index
    %get3A_238 = arith.constant 0 : index
    %get3A_239 = arith.constant 0 : index
    %get3A_240 = vector.load %arg1[%get3A_237, %get3A_238, %get3A_239] : memref<16x256x128xf32, #tpu.memory_space<vmem>>, vector<1x256x64xf32>
    %get3A_241 = vector.shape_cast %get3A_240 : vector<1x256x64xf32> to vector<256x64xf32>
    %sub3A_242 = arith.subf %get3A_241, %add3A_25 : vector<256x64xf32>
    %max3A_243 = arith.constant 0.000000e+00 : f32
    %max3A_244 = vector.broadcast %max3A_243 : f32 to vector<256x64xf32>
    %max3A_245 = arith.maximumf %sub3A_242, %max3A_244 : vector<256x64xf32>
    %dot_general3A_246 = arith.constant dense<0.000000e+00> : vector<256x128xf32>
    %dot_general3A_247 = tpu.matmul %max3A_245, %get3A_28, %dot_general3A_246 {dimension_numbers = #tpu.dot_dimension_numbers<[1], [0], [0], [1], [0, 0, 1, 1], [], []>, transpose_lhs_hint = false} : vector<256x64xf32>, vector<64x128xf32>, vector<256x128xf32> -> vector<256x128xf32>
    %add3A_248 = vector.broadcast %get3A_31 : vector<1x128xf32> to vector<256x128xf32>
    %add3A_249 = arith.addf %dot_general3A_247, %add3A_248 : vector<256x128xf32>
    %max3A_250 = arith.constant 0.000000e+00 : f32
    %max3A_251 = vector.broadcast %max3A_250 : f32 to vector<256x128xf32>
    %max3A_252 = arith.maximumf %add3A_249, %max3A_251 : vector<256x128xf32>
    %get3A_253 = arith.constant 7 : index
    %get3A_254 = arith.constant 0 : index
    %get3A_255 = arith.constant 0 : index
    %get3A_256 = vector.load %arg2[%get3A_253, %get3A_254, %get3A_255] : memref<16x256x1xi32, #tpu.memory_space<vmem>>, vector<1x256x1xi32>
    %get3A_257 = vector.shape_cast %get3A_256 : vector<1x256x1xi32> to vector<256x1xi32>
    %ne3A_258 = arith.constant 10239 : i32
    %ne3A_259 = vector.broadcast %ne3A_258 : i32 to vector<256x1xi32>
    %ne3A_260 = arith.cmpi ne, %get3A_257, %ne3A_259 : vector<256x1xi32>
    %jit3A_261 = arith.constant 0.000000e+00 : f32
    %broadcast_in_dim3A_262 = vector.shape_cast %ne3A_260 : vector<256x1xi1> to vector<256x1xi1>
    %broadcast_in_dim3A_263 = vector.broadcast %broadcast_in_dim3A_262 : vector<256x1xi1> to vector<256x128xi1>
    %broadcast_in_dim3A_264 = vector.broadcast %jit3A_261 : f32 to vector<256x128xf32>
    %select_n3A_265 = arith.select %broadcast_in_dim3A_263, %max3A_252, %broadcast_in_dim3A_264 : vector<256x128xi1>, vector<256x128xf32>
    %max3A_266 = arith.maximumf %max3A_236, %select_n3A_265 : vector<256x128xf32>
    %get3A_267 = arith.constant 8 : index
    %get3A_268 = arith.constant 0 : index
    %get3A_269 = arith.constant 0 : index
    %get3A_270 = vector.load %arg1[%get3A_267, %get3A_268, %get3A_269] : memref<16x256x128xf32, #tpu.memory_space<vmem>>, vector<1x256x64xf32>
    %get3A_271 = vector.shape_cast %get3A_270 : vector<1x256x64xf32> to vector<256x64xf32>
    %sub3A_272 = arith.subf %get3A_271, %add3A_25 : vector<256x64xf32>
    %max3A_273 = arith.constant 0.000000e+00 : f32
    %max3A_274 = vector.broadcast %max3A_273 : f32 to vector<256x64xf32>
    %max3A_275 = arith.maximumf %sub3A_272, %max3A_274 : vector<256x64xf32>
    %dot_general3A_276 = arith.constant dense<0.000000e+00> : vector<256x128xf32>
    %dot_general3A_277 = tpu.matmul %max3A_275, %get3A_28, %dot_general3A_276 {dimension_numbers = #tpu.dot_dimension_numbers<[1], [0], [0], [1], [0, 0, 1, 1], [], []>, transpose_lhs_hint = false} : vector<256x64xf32>, vector<64x128xf32>, vector<256x128xf32> -> vector<256x128xf32>
    %add3A_278 = vector.broadcast %get3A_31 : vector<1x128xf32> to vector<256x128xf32>
    %add3A_279 = arith.addf %dot_general3A_277, %add3A_278 : vector<256x128xf32>
    %max3A_280 = arith.constant 0.000000e+00 : f32
    %max3A_281 = vector.broadcast %max3A_280 : f32 to vector<256x128xf32>
    %max3A_282 = arith.maximumf %add3A_279, %max3A_281 : vector<256x128xf32>
    %get3A_283 = arith.constant 8 : index
    %get3A_284 = arith.constant 0 : index
    %get3A_285 = arith.constant 0 : index
    %get3A_286 = vector.load %arg2[%get3A_283, %get3A_284, %get3A_285] : memref<16x256x1xi32, #tpu.memory_space<vmem>>, vector<1x256x1xi32>
    %get3A_287 = vector.shape_cast %get3A_286 : vector<1x256x1xi32> to vector<256x1xi32>
    %ne3A_288 = arith.constant 10239 : i32
    %ne3A_289 = vector.broadcast %ne3A_288 : i32 to vector<256x1xi32>
    %ne3A_290 = arith.cmpi ne, %get3A_287, %ne3A_289 : vector<256x1xi32>
    %jit3A_291 = arith.constant 0.000000e+00 : f32
    %broadcast_in_dim3A_292 = vector.shape_cast %ne3A_290 : vector<256x1xi1> to vector<256x1xi1>
    %broadcast_in_dim3A_293 = vector.broadcast %broadcast_in_dim3A_292 : vector<256x1xi1> to vector<256x128xi1>
    %broadcast_in_dim3A_294 = vector.broadcast %jit3A_291 : f32 to vector<256x128xf32>
    %select_n3A_295 = arith.select %broadcast_in_dim3A_293, %max3A_282, %broadcast_in_dim3A_294 : vector<256x128xi1>, vector<256x128xf32>
    %max3A_296 = arith.maximumf %max3A_266, %select_n3A_295 : vector<256x128xf32>
    %get3A_297 = arith.constant 9 : index
    %get3A_298 = arith.constant 0 : index
    %get3A_299 = arith.constant 0 : index
    %get3A_300 = vector.load %arg1[%get3A_297, %get3A_298, %get3A_299] : memref<16x256x128xf32, #tpu.memory_space<vmem>>, vector<1x256x64xf32>
    %get3A_301 = vector.shape_cast %get3A_300 : vector<1x256x64xf32> to vector<256x64xf32>
    %sub3A_302 = arith.subf %get3A_301, %add3A_25 : vector<256x64xf32>
    %max3A_303 = arith.constant 0.000000e+00 : f32
    %max3A_304 = vector.broadcast %max3A_303 : f32 to vector<256x64xf32>
    %max3A_305 = arith.maximumf %sub3A_302, %max3A_304 : vector<256x64xf32>
    %dot_general3A_306 = arith.constant dense<0.000000e+00> : vector<256x128xf32>
    %dot_general3A_307 = tpu.matmul %max3A_305, %get3A_28, %dot_general3A_306 {dimension_numbers = #tpu.dot_dimension_numbers<[1], [0], [0], [1], [0, 0, 1, 1], [], []>, transpose_lhs_hint = false} : vector<256x64xf32>, vector<64x128xf32>, vector<256x128xf32> -> vector<256x128xf32>
    %add3A_308 = vector.broadcast %get3A_31 : vector<1x128xf32> to vector<256x128xf32>
    %add3A_309 = arith.addf %dot_general3A_307, %add3A_308 : vector<256x128xf32>
    %max3A_310 = arith.constant 0.000000e+00 : f32
    %max3A_311 = vector.broadcast %max3A_310 : f32 to vector<256x128xf32>
    %max3A_312 = arith.maximumf %add3A_309, %max3A_311 : vector<256x128xf32>
    %get3A_313 = arith.constant 9 : index
    %get3A_314 = arith.constant 0 : index
    %get3A_315 = arith.constant 0 : index
    %get3A_316 = vector.load %arg2[%get3A_313, %get3A_314, %get3A_315] : memref<16x256x1xi32, #tpu.memory_space<vmem>>, vector<1x256x1xi32>
    %get3A_317 = vector.shape_cast %get3A_316 : vector<1x256x1xi32> to vector<256x1xi32>
    %ne3A_318 = arith.constant 10239 : i32
    %ne3A_319 = vector.broadcast %ne3A_318 : i32 to vector<256x1xi32>
    %ne3A_320 = arith.cmpi ne, %get3A_317, %ne3A_319 : vector<256x1xi32>
    %jit3A_321 = arith.constant 0.000000e+00 : f32
    %broadcast_in_dim3A_322 = vector.shape_cast %ne3A_320 : vector<256x1xi1> to vector<256x1xi1>
    %broadcast_in_dim3A_323 = vector.broadcast %broadcast_in_dim3A_322 : vector<256x1xi1> to vector<256x128xi1>
    %broadcast_in_dim3A_324 = vector.broadcast %jit3A_321 : f32 to vector<256x128xf32>
    %select_n3A_325 = arith.select %broadcast_in_dim3A_323, %max3A_312, %broadcast_in_dim3A_324 : vector<256x128xi1>, vector<256x128xf32>
    %max3A_326 = arith.maximumf %max3A_296, %select_n3A_325 : vector<256x128xf32>
    %get3A_327 = arith.constant 10 : index
    %get3A_328 = arith.constant 0 : index
    %get3A_329 = arith.constant 0 : index
    %get3A_330 = vector.load %arg1[%get3A_327, %get3A_328, %get3A_329] : memref<16x256x128xf32, #tpu.memory_space<vmem>>, vector<1x256x64xf32>
    %get3A_331 = vector.shape_cast %get3A_330 : vector<1x256x64xf32> to vector<256x64xf32>
    %sub3A_332 = arith.subf %get3A_331, %add3A_25 : vector<256x64xf32>
    %max3A_333 = arith.constant 0.000000e+00 : f32
    %max3A_334 = vector.broadcast %max3A_333 : f32 to vector<256x64xf32>
    %max3A_335 = arith.maximumf %sub3A_332, %max3A_334 : vector<256x64xf32>
    %dot_general3A_336 = arith.constant dense<0.000000e+00> : vector<256x128xf32>
    %dot_general3A_337 = tpu.matmul %max3A_335, %get3A_28, %dot_general3A_336 {dimension_numbers = #tpu.dot_dimension_numbers<[1], [0], [0], [1], [0, 0, 1, 1], [], []>, transpose_lhs_hint = false} : vector<256x64xf32>, vector<64x128xf32>, vector<256x128xf32> -> vector<256x128xf32>
    %add3A_338 = vector.broadcast %get3A_31 : vector<1x128xf32> to vector<256x128xf32>
    %add3A_339 = arith.addf %dot_general3A_337, %add3A_338 : vector<256x128xf32>
    %max3A_340 = arith.constant 0.000000e+00 : f32
    %max3A_341 = vector.broadcast %max3A_340 : f32 to vector<256x128xf32>
    %max3A_342 = arith.maximumf %add3A_339, %max3A_341 : vector<256x128xf32>
    %get3A_343 = arith.constant 10 : index
    %get3A_344 = arith.constant 0 : index
    %get3A_345 = arith.constant 0 : index
    %get3A_346 = vector.load %arg2[%get3A_343, %get3A_344, %get3A_345] : memref<16x256x1xi32, #tpu.memory_space<vmem>>, vector<1x256x1xi32>
    %get3A_347 = vector.shape_cast %get3A_346 : vector<1x256x1xi32> to vector<256x1xi32>
    %ne3A_348 = arith.constant 10239 : i32
    %ne3A_349 = vector.broadcast %ne3A_348 : i32 to vector<256x1xi32>
    %ne3A_350 = arith.cmpi ne, %get3A_347, %ne3A_349 : vector<256x1xi32>
    %jit3A_351 = arith.constant 0.000000e+00 : f32
    %broadcast_in_dim3A_352 = vector.shape_cast %ne3A_350 : vector<256x1xi1> to vector<256x1xi1>
    %broadcast_in_dim3A_353 = vector.broadcast %broadcast_in_dim3A_352 : vector<256x1xi1> to vector<256x128xi1>
    %broadcast_in_dim3A_354 = vector.broadcast %jit3A_351 : f32 to vector<256x128xf32>
    %select_n3A_355 = arith.select %broadcast_in_dim3A_353, %max3A_342, %broadcast_in_dim3A_354 : vector<256x128xi1>, vector<256x128xf32>
    %max3A_356 = arith.maximumf %max3A_326, %select_n3A_355 : vector<256x128xf32>
    %get3A_357 = arith.constant 11 : index
    %get3A_358 = arith.constant 0 : index
    %get3A_359 = arith.constant 0 : index
    %get3A_360 = vector.load %arg1[%get3A_357, %get3A_358, %get3A_359] : memref<16x256x128xf32, #tpu.memory_space<vmem>>, vector<1x256x64xf32>
    %get3A_361 = vector.shape_cast %get3A_360 : vector<1x256x64xf32> to vector<256x64xf32>
    %sub3A_362 = arith.subf %get3A_361, %add3A_25 : vector<256x64xf32>
    %max3A_363 = arith.constant 0.000000e+00 : f32
    %max3A_364 = vector.broadcast %max3A_363 : f32 to vector<256x64xf32>
    %max3A_365 = arith.maximumf %sub3A_362, %max3A_364 : vector<256x64xf32>
    %dot_general3A_366 = arith.constant dense<0.000000e+00> : vector<256x128xf32>
    %dot_general3A_367 = tpu.matmul %max3A_365, %get3A_28, %dot_general3A_366 {dimension_numbers = #tpu.dot_dimension_numbers<[1], [0], [0], [1], [0, 0, 1, 1], [], []>, transpose_lhs_hint = false} : vector<256x64xf32>, vector<64x128xf32>, vector<256x128xf32> -> vector<256x128xf32>
    %add3A_368 = vector.broadcast %get3A_31 : vector<1x128xf32> to vector<256x128xf32>
    %add3A_369 = arith.addf %dot_general3A_367, %add3A_368 : vector<256x128xf32>
    %max3A_370 = arith.constant 0.000000e+00 : f32
    %max3A_371 = vector.broadcast %max3A_370 : f32 to vector<256x128xf32>
    %max3A_372 = arith.maximumf %add3A_369, %max3A_371 : vector<256x128xf32>
    %get3A_373 = arith.constant 11 : index
    %get3A_374 = arith.constant 0 : index
    %get3A_375 = arith.constant 0 : index
    %get3A_376 = vector.load %arg2[%get3A_373, %get3A_374, %get3A_375] : memref<16x256x1xi32, #tpu.memory_space<vmem>>, vector<1x256x1xi32>
    %get3A_377 = vector.shape_cast %get3A_376 : vector<1x256x1xi32> to vector<256x1xi32>
    %ne3A_378 = arith.constant 10239 : i32
    %ne3A_379 = vector.broadcast %ne3A_378 : i32 to vector<256x1xi32>
    %ne3A_380 = arith.cmpi ne, %get3A_377, %ne3A_379 : vector<256x1xi32>
    %jit3A_381 = arith.constant 0.000000e+00 : f32
    %broadcast_in_dim3A_382 = vector.shape_cast %ne3A_380 : vector<256x1xi1> to vector<256x1xi1>
    %broadcast_in_dim3A_383 = vector.broadcast %broadcast_in_dim3A_382 : vector<256x1xi1> to vector<256x128xi1>
    %broadcast_in_dim3A_384 = vector.broadcast %jit3A_381 : f32 to vector<256x128xf32>
    %select_n3A_385 = arith.select %broadcast_in_dim3A_383, %max3A_372, %broadcast_in_dim3A_384 : vector<256x128xi1>, vector<256x128xf32>
    %max3A_386 = arith.maximumf %max3A_356, %select_n3A_385 : vector<256x128xf32>
    %get3A_387 = arith.constant 12 : index
    %get3A_388 = arith.constant 0 : index
    %get3A_389 = arith.constant 0 : index
    %get3A_390 = vector.load %arg1[%get3A_387, %get3A_388, %get3A_389] : memref<16x256x128xf32, #tpu.memory_space<vmem>>, vector<1x256x64xf32>
    %get3A_391 = vector.shape_cast %get3A_390 : vector<1x256x64xf32> to vector<256x64xf32>
    %sub3A_392 = arith.subf %get3A_391, %add3A_25 : vector<256x64xf32>
    %max3A_393 = arith.constant 0.000000e+00 : f32
    %max3A_394 = vector.broadcast %max3A_393 : f32 to vector<256x64xf32>
    %max3A_395 = arith.maximumf %sub3A_392, %max3A_394 : vector<256x64xf32>
    %dot_general3A_396 = arith.constant dense<0.000000e+00> : vector<256x128xf32>
    %dot_general3A_397 = tpu.matmul %max3A_395, %get3A_28, %dot_general3A_396 {dimension_numbers = #tpu.dot_dimension_numbers<[1], [0], [0], [1], [0, 0, 1, 1], [], []>, transpose_lhs_hint = false} : vector<256x64xf32>, vector<64x128xf32>, vector<256x128xf32> -> vector<256x128xf32>
    %add3A_398 = vector.broadcast %get3A_31 : vector<1x128xf32> to vector<256x128xf32>
    %add3A_399 = arith.addf %dot_general3A_397, %add3A_398 : vector<256x128xf32>
    %max3A_400 = arith.constant 0.000000e+00 : f32
    %max3A_401 = vector.broadcast %max3A_400 : f32 to vector<256x128xf32>
    %max3A_402 = arith.maximumf %add3A_399, %max3A_401 : vector<256x128xf32>
    %get3A_403 = arith.constant 12 : index
    %get3A_404 = arith.constant 0 : index
    %get3A_405 = arith.constant 0 : index
    %get3A_406 = vector.load %arg2[%get3A_403, %get3A_404, %get3A_405] : memref<16x256x1xi32, #tpu.memory_space<vmem>>, vector<1x256x1xi32>
    %get3A_407 = vector.shape_cast %get3A_406 : vector<1x256x1xi32> to vector<256x1xi32>
    %ne3A_408 = arith.constant 10239 : i32
    %ne3A_409 = vector.broadcast %ne3A_408 : i32 to vector<256x1xi32>
    %ne3A_410 = arith.cmpi ne, %get3A_407, %ne3A_409 : vector<256x1xi32>
    %jit3A_411 = arith.constant 0.000000e+00 : f32
    %broadcast_in_dim3A_412 = vector.shape_cast %ne3A_410 : vector<256x1xi1> to vector<256x1xi1>
    %broadcast_in_dim3A_413 = vector.broadcast %broadcast_in_dim3A_412 : vector<256x1xi1> to vector<256x128xi1>
    %broadcast_in_dim3A_414 = vector.broadcast %jit3A_411 : f32 to vector<256x128xf32>
    %select_n3A_415 = arith.select %broadcast_in_dim3A_413, %max3A_402, %broadcast_in_dim3A_414 : vector<256x128xi1>, vector<256x128xf32>
    %max3A_416 = arith.maximumf %max3A_386, %select_n3A_415 : vector<256x128xf32>
    %get3A_417 = arith.constant 13 : index
    %get3A_418 = arith.constant 0 : index
    %get3A_419 = arith.constant 0 : index
    %get3A_420 = vector.load %arg1[%get3A_417, %get3A_418, %get3A_419] : memref<16x256x128xf32, #tpu.memory_space<vmem>>, vector<1x256x64xf32>
    %get3A_421 = vector.shape_cast %get3A_420 : vector<1x256x64xf32> to vector<256x64xf32>
    %sub3A_422 = arith.subf %get3A_421, %add3A_25 : vector<256x64xf32>
    %max3A_423 = arith.constant 0.000000e+00 : f32
    %max3A_424 = vector.broadcast %max3A_423 : f32 to vector<256x64xf32>
    %max3A_425 = arith.maximumf %sub3A_422, %max3A_424 : vector<256x64xf32>
    %dot_general3A_426 = arith.constant dense<0.000000e+00> : vector<256x128xf32>
    %dot_general3A_427 = tpu.matmul %max3A_425, %get3A_28, %dot_general3A_426 {dimension_numbers = #tpu.dot_dimension_numbers<[1], [0], [0], [1], [0, 0, 1, 1], [], []>, transpose_lhs_hint = false} : vector<256x64xf32>, vector<64x128xf32>, vector<256x128xf32> -> vector<256x128xf32>
    %add3A_428 = vector.broadcast %get3A_31 : vector<1x128xf32> to vector<256x128xf32>
    %add3A_429 = arith.addf %dot_general3A_427, %add3A_428 : vector<256x128xf32>
    %max3A_430 = arith.constant 0.000000e+00 : f32
    %max3A_431 = vector.broadcast %max3A_430 : f32 to vector<256x128xf32>
    %max3A_432 = arith.maximumf %add3A_429, %max3A_431 : vector<256x128xf32>
    %get3A_433 = arith.constant 13 : index
    %get3A_434 = arith.constant 0 : index
    %get3A_435 = arith.constant 0 : index
    %get3A_436 = vector.load %arg2[%get3A_433, %get3A_434, %get3A_435] : memref<16x256x1xi32, #tpu.memory_space<vmem>>, vector<1x256x1xi32>
    %get3A_437 = vector.shape_cast %get3A_436 : vector<1x256x1xi32> to vector<256x1xi32>
    %ne3A_438 = arith.constant 10239 : i32
    %ne3A_439 = vector.broadcast %ne3A_438 : i32 to vector<256x1xi32>
    %ne3A_440 = arith.cmpi ne, %get3A_437, %ne3A_439 : vector<256x1xi32>
    %jit3A_441 = arith.constant 0.000000e+00 : f32
    %broadcast_in_dim3A_442 = vector.shape_cast %ne3A_440 : vector<256x1xi1> to vector<256x1xi1>
    %broadcast_in_dim3A_443 = vector.broadcast %broadcast_in_dim3A_442 : vector<256x1xi1> to vector<256x128xi1>
    %broadcast_in_dim3A_444 = vector.broadcast %jit3A_441 : f32 to vector<256x128xf32>
    %select_n3A_445 = arith.select %broadcast_in_dim3A_443, %max3A_432, %broadcast_in_dim3A_444 : vector<256x128xi1>, vector<256x128xf32>
    %max3A_446 = arith.maximumf %max3A_416, %select_n3A_445 : vector<256x128xf32>
    %get3A_447 = arith.constant 14 : index
    %get3A_448 = arith.constant 0 : index
    %get3A_449 = arith.constant 0 : index
    %get3A_450 = vector.load %arg1[%get3A_447, %get3A_448, %get3A_449] : memref<16x256x128xf32, #tpu.memory_space<vmem>>, vector<1x256x64xf32>
    %get3A_451 = vector.shape_cast %get3A_450 : vector<1x256x64xf32> to vector<256x64xf32>
    %sub3A_452 = arith.subf %get3A_451, %add3A_25 : vector<256x64xf32>
    %max3A_453 = arith.constant 0.000000e+00 : f32
    %max3A_454 = vector.broadcast %max3A_453 : f32 to vector<256x64xf32>
    %max3A_455 = arith.maximumf %sub3A_452, %max3A_454 : vector<256x64xf32>
    %dot_general3A_456 = arith.constant dense<0.000000e+00> : vector<256x128xf32>
    %dot_general3A_457 = tpu.matmul %max3A_455, %get3A_28, %dot_general3A_456 {dimension_numbers = #tpu.dot_dimension_numbers<[1], [0], [0], [1], [0, 0, 1, 1], [], []>, transpose_lhs_hint = false} : vector<256x64xf32>, vector<64x128xf32>, vector<256x128xf32> -> vector<256x128xf32>
    %add3A_458 = vector.broadcast %get3A_31 : vector<1x128xf32> to vector<256x128xf32>
    %add3A_459 = arith.addf %dot_general3A_457, %add3A_458 : vector<256x128xf32>
    %max3A_460 = arith.constant 0.000000e+00 : f32
    %max3A_461 = vector.broadcast %max3A_460 : f32 to vector<256x128xf32>
    %max3A_462 = arith.maximumf %add3A_459, %max3A_461 : vector<256x128xf32>
    %get3A_463 = arith.constant 14 : index
    %get3A_464 = arith.constant 0 : index
    %get3A_465 = arith.constant 0 : index
    %get3A_466 = vector.load %arg2[%get3A_463, %get3A_464, %get3A_465] : memref<16x256x1xi32, #tpu.memory_space<vmem>>, vector<1x256x1xi32>
    %get3A_467 = vector.shape_cast %get3A_466 : vector<1x256x1xi32> to vector<256x1xi32>
    %ne3A_468 = arith.constant 10239 : i32
    %ne3A_469 = vector.broadcast %ne3A_468 : i32 to vector<256x1xi32>
    %ne3A_470 = arith.cmpi ne, %get3A_467, %ne3A_469 : vector<256x1xi32>
    %jit3A_471 = arith.constant 0.000000e+00 : f32
    %broadcast_in_dim3A_472 = vector.shape_cast %ne3A_470 : vector<256x1xi1> to vector<256x1xi1>
    %broadcast_in_dim3A_473 = vector.broadcast %broadcast_in_dim3A_472 : vector<256x1xi1> to vector<256x128xi1>
    %broadcast_in_dim3A_474 = vector.broadcast %jit3A_471 : f32 to vector<256x128xf32>
    %select_n3A_475 = arith.select %broadcast_in_dim3A_473, %max3A_462, %broadcast_in_dim3A_474 : vector<256x128xi1>, vector<256x128xf32>
    %max3A_476 = arith.maximumf %max3A_446, %select_n3A_475 : vector<256x128xf32>
    %get3A_477 = arith.constant 15 : index
    %get3A_478 = arith.constant 0 : index
    %get3A_479 = arith.constant 0 : index
    %get3A_480 = vector.load %arg1[%get3A_477, %get3A_478, %get3A_479] : memref<16x256x128xf32, #tpu.memory_space<vmem>>, vector<1x256x64xf32>
    %get3A_481 = vector.shape_cast %get3A_480 : vector<1x256x64xf32> to vector<256x64xf32>
    %sub3A_482 = arith.subf %get3A_481, %add3A_25 : vector<256x64xf32>
    %max3A_483 = arith.constant 0.000000e+00 : f32
    %max3A_484 = vector.broadcast %max3A_483 : f32 to vector<256x64xf32>
    %max3A_485 = arith.maximumf %sub3A_482, %max3A_484 : vector<256x64xf32>
    %dot_general3A_486 = arith.constant dense<0.000000e+00> : vector<256x128xf32>
    %dot_general3A_487 = tpu.matmul %max3A_485, %get3A_28, %dot_general3A_486 {dimension_numbers = #tpu.dot_dimension_numbers<[1], [0], [0], [1], [0, 0, 1, 1], [], []>, transpose_lhs_hint = false} : vector<256x64xf32>, vector<64x128xf32>, vector<256x128xf32> -> vector<256x128xf32>
    %add3A_488 = vector.broadcast %get3A_31 : vector<1x128xf32> to vector<256x128xf32>
    %add3A_489 = arith.addf %dot_general3A_487, %add3A_488 : vector<256x128xf32>
    %max3A_490 = arith.constant 0.000000e+00 : f32
    %max3A_491 = vector.broadcast %max3A_490 : f32 to vector<256x128xf32>
    %max3A_492 = arith.maximumf %add3A_489, %max3A_491 : vector<256x128xf32>
    %get3A_493 = arith.constant 15 : index
    %get3A_494 = arith.constant 0 : index
    %get3A_495 = arith.constant 0 : index
    %get3A_496 = vector.load %arg2[%get3A_493, %get3A_494, %get3A_495] : memref<16x256x1xi32, #tpu.memory_space<vmem>>, vector<1x256x1xi32>
    %get3A_497 = vector.shape_cast %get3A_496 : vector<1x256x1xi32> to vector<256x1xi32>
    %ne3A_498 = arith.constant 10239 : i32
    %ne3A_499 = vector.broadcast %ne3A_498 : i32 to vector<256x1xi32>
    %ne3A_500 = arith.cmpi ne, %get3A_497, %ne3A_499 : vector<256x1xi32>
    %jit3A_501 = arith.constant 0.000000e+00 : f32
    %broadcast_in_dim3A_502 = vector.shape_cast %ne3A_500 : vector<256x1xi1> to vector<256x1xi1>
    %broadcast_in_dim3A_503 = vector.broadcast %broadcast_in_dim3A_502 : vector<256x1xi1> to vector<256x128xi1>
    %broadcast_in_dim3A_504 = vector.broadcast %jit3A_501 : f32 to vector<256x128xf32>
    %select_n3A_505 = arith.select %broadcast_in_dim3A_503, %max3A_492, %broadcast_in_dim3A_504 : vector<256x128xi1>, vector<256x128xf32>
    %max3A_506 = arith.maximumf %max3A_476, %select_n3A_505 : vector<256x128xf32>
    %swap3A = arith.constant 0 : index
    %swap3A_507 = arith.constant 0 : index
    %swap3A_508 = vector.load %arg9[%swap3A, %swap3A_507] : memref<256x128xf32, #tpu.memory_space<vmem>>, vector<256x128xf32>
    tpu.vector_store %arg9[%swap3A, %swap3A_507], %max3A_506 {strides = array<i32>} : memref<256x128xf32, #tpu.memory_space<vmem>>, vector<256x128xf32>,
    return
  }
  func.func @transform_0(%arg0: i32) -> (i32, i32, i32) {
    %c0_i32 = arith.constant 0 : i32
    %c0_i32_0 = arith.constant 0 : i32
    %c0_i32_1 = arith.constant 0 : i32
    return %c0_i32, %arg0, %c0_i32_0 : i32, i32, i32
  }
  func.func @transform_1(%arg0: i32) -> (i32, i32, i32) {
    %c0_i32 = arith.constant 0 : i32
    %c0_i32_0 = arith.constant 0 : i32
    %c0_i32_1 = arith.constant 0 : i32
    return %c0_i32, %arg0, %c0_i32_0 : i32, i32, i32
  }
  func.func @transform_2(%arg0: i32) -> (i32, i32) {
    %c0_i32 = arith.constant 0 : i32
    %c0_i32_0 = arith.constant 0 : i32
    return %arg0, %c0_i32 : i32, i32
  }
  func.func @transform_3(%arg0: i32) -> (i32, i32) {
    %c0_i32 = arith.constant 0 : i32
    %c0_i32_0 = arith.constant 0 : i32
    return %arg0, %c0_i32 : i32, i32
  }
  func.func @transform_4(%arg0: i32) -> (i32, i32) {
    %c0_i32 = arith.constant 0 : i32
    %c0_i32_0 = arith.constant 0 : i32
    return %arg0, %c0_i32 : i32, i32
  }
  func.func @transform_5(%arg0: i32) -> (i32, i32) {
    %c0_i32 = arith.constant 0 : i32
    %c0_i32_0 = arith.constant 0 : i32
    %c0_i32_1 = arith.constant 0 : i32
    return %c0_i32, %c0_i32_0 : i32, i32
  }
  func.func @transform_6(%arg0: i32) -> (i32, i32) {
    %c0_i32 = arith.constant 0 : i32
    %c0_i32_0 = arith.constant 0 : i32
    %c0_i32_1 = arith.constant 0 : i32
    return %c0_i32, %c0_i32_0 : i32, i32
  }
  func.func @transform_7(%arg0: i32) -> (i32, i32) {
    %c0_i32 = arith.constant 0 : i32
    %c0_i32_0 = arith.constant 0 : i32
    %c0_i32_1 = arith.constant 0 : i32
    return %c0_i32, %c0_i32_0 : i32, i32
  }
  func.func @transform_8(%arg0: i32) -> (i32, i32) {
    %c0_i32 = arith.constant 0 : i32
    %c0_i32_0 = arith.constant 0 : i32
    return %arg0, %c0_i32 : i32, i32
  }
}

module attributes {stable_mosaic.version = 14 : i64} {
  func.func @_mlp_kernel(%arg0: i32, %arg1: memref<32x256x128xf32, #tpu.memory_space<vmem>>, %arg2: memref<32x256x1xi32, #tpu.memory_space<vmem>>, %arg3: memref<256x1xf32, #tpu.memory_space<vmem>>, %arg4: memref<256x1xf32, #tpu.memory_space<vmem>>, %arg5: memref<256x1xf32, #tpu.memory_space<vmem>>, %arg6: memref<3x64xf32, #tpu.memory_space<vmem>>, %arg7: memref<64x128xf32, #tpu.memory_space<vmem>>, %arg8: memref<1x128xf32, #tpu.memory_space<vmem>>, %arg9: memref<256x128xf32, #tpu.memory_space<vmem>>) attributes {dimension_semantics = [#tpu.dimension_semantics<arbitrary>], iteration_bounds = array<i64: 20>, scalar_prefetch = 0 : i64, scratch_operands = 0 : i64, tpu.core_type = #tpu.core_type<tc>, window_params = [{transform_indices = @transform_0, window_bounds = array<i64: 32, 256, 128>}, {transform_indices = @transform_1, window_bounds = array<i64: 32, 256, 1>}, {transform_indices = @transform_2, window_bounds = array<i64: 256, 1>}, {transform_indices = @transform_3, window_bounds = array<i64: 256, 1>}, {transform_indices = @transform_4, window_bounds = array<i64: 256, 1>}, {pipeline_mode = #tpu.pipeline_mode<synchronous>, transform_indices = @transform_5, window_bounds = array<i64: 3, 64>}, {pipeline_mode = #tpu.pipeline_mode<synchronous>, transform_indices = @transform_6, window_bounds = array<i64: 64, 128>}, {pipeline_mode = #tpu.pipeline_mode<synchronous>, transform_indices = @transform_7, window_bounds = array<i64: 1, 128>}, {transform_indices = @transform_8, window_bounds = array<i64: 256, 128>}]} {
    %get3A = arith.constant 0 : index
    %get3A_0 = arith.constant 0 : index
    %get3A_1 = vector.load %arg3[%get3A, %get3A_0] : memref<256x1xf32, #tpu.memory_space<vmem>>, vector<256x1xf32>
    %get3A_2 = arith.constant 0 : index
    %get3A_3 = arith.constant 0 : index
    %get3A_4 = vector.load %arg4[%get3A_2, %get3A_3] : memref<256x1xf32, #tpu.memory_space<vmem>>, vector<256x1xf32>
    %get3A_5 = arith.constant 0 : index
    %get3A_6 = arith.constant 0 : index
    %get3A_7 = vector.load %arg5[%get3A_5, %get3A_6] : memref<256x1xf32, #tpu.memory_space<vmem>>, vector<256x1xf32>
    %get3A_8 = arith.constant 0 : index
    %get3A_9 = arith.constant 0 : index
    %get3A_10 = vector.load %arg6[%get3A_8, %get3A_9] : memref<3x64xf32, #tpu.memory_space<vmem>>, vector<1x64xf32>
    %mul3A = vector.broadcast %get3A_1 : vector<256x1xf32> to vector<256x64xf32>
    %mul3A_11 = vector.broadcast %get3A_10 : vector<1x64xf32> to vector<256x64xf32>
    %mul3A_12 = arith.mulf %mul3A, %mul3A_11 : vector<256x64xf32>
    %get3A_13 = arith.constant 1 : index
    %get3A_14 = arith.constant 0 : index
    %get3A_15 = vector.load %arg6[%get3A_13, %get3A_14] : memref<3x64xf32, #tpu.memory_space<vmem>>, vector<1x64xf32>
    %mul3A_16 = vector.broadcast %get3A_4 : vector<256x1xf32> to vector<256x64xf32>
    %mul3A_17 = vector.broadcast %get3A_15 : vector<1x64xf32> to vector<256x64xf32>
    %mul3A_18 = arith.mulf %mul3A_16, %mul3A_17 : vector<256x64xf32>
    %add3A = arith.addf %mul3A_12, %mul3A_18 : vector<256x64xf32>
    %get3A_19 = arith.constant 2 : index
    %get3A_20 = arith.constant 0 : index
    %get3A_21 = vector.load %arg6[%get3A_19, %get3A_20] : memref<3x64xf32, #tpu.memory_space<vmem>>, vector<1x64xf32>
    %mul3A_22 = vector.broadcast %get3A_7 : vector<256x1xf32> to vector<256x64xf32>
    %mul3A_23 = vector.broadcast %get3A_21 : vector<1x64xf32> to vector<256x64xf32>
    %mul3A_24 = arith.mulf %mul3A_22, %mul3A_23 : vector<256x64xf32>
    %add3A_25 = arith.addf %add3A, %mul3A_24 : vector<256x64xf32>
    %get3A_26 = arith.constant 0 : index
    %get3A_27 = arith.constant 0 : index
    %get3A_28 = vector.load %arg7[%get3A_26, %get3A_27] : memref<64x128xf32, #tpu.memory_space<vmem>>, vector<64x128xf32>
    %get3A_29 = arith.constant 0 : index
    %get3A_30 = arith.constant 0 : index
    %get3A_31 = vector.load %arg8[%get3A_29, %get3A_30] : memref<1x128xf32, #tpu.memory_space<vmem>>, vector<1x128xf32>
    %broadcast_in_dim3A = arith.constant 0.000000e+00 : f32
    %broadcast_in_dim3A_32 = vector.broadcast %broadcast_in_dim3A : f32 to vector<256x128xf32>
    %get3A_33 = arith.constant 0 : index
    %get3A_34 = arith.constant 0 : index
    %get3A_35 = arith.constant 64 : index
    %get3A_36 = vector.load %arg1[%get3A_33, %get3A_34, %get3A_35] : memref<32x256x128xf32, #tpu.memory_space<vmem>>, vector<1x256x64xf32>
    %get3A_37 = vector.shape_cast %get3A_36 : vector<1x256x64xf32> to vector<256x64xf32>
    %sub3A = arith.subf %get3A_37, %add3A_25 : vector<256x64xf32>
    %max3A = arith.constant 0.000000e+00 : f32
    %max3A_38 = vector.broadcast %max3A : f32 to vector<256x64xf32>
    %max3A_39 = arith.maximumf %sub3A, %max3A_38 : vector<256x64xf32>
    %dot_general3A = arith.constant dense<0.000000e+00> : vector<256x128xf32>
    %dot_general3A_40 = tpu.matmul %max3A_39, %get3A_28, %dot_general3A {dimension_numbers = #tpu.dot_dimension_numbers<[1], [0], [0], [1], [0, 0, 1, 1], [], []>, transpose_lhs_hint = false} : vector<256x64xf32>, vector<64x128xf32>, vector<256x128xf32> -> vector<256x128xf32>
    %add3A_41 = vector.broadcast %get3A_31 : vector<1x128xf32> to vector<256x128xf32>
    %add3A_42 = arith.addf %dot_general3A_40, %add3A_41 : vector<256x128xf32>
    %max3A_43 = arith.constant 0.000000e+00 : f32
    %max3A_44 = vector.broadcast %max3A_43 : f32 to vector<256x128xf32>
    %max3A_45 = arith.maximumf %add3A_42, %max3A_44 : vector<256x128xf32>
    %get3A_46 = arith.constant 0 : index
    %get3A_47 = arith.constant 0 : index
    %get3A_48 = arith.constant 0 : index
    %get3A_49 = vector.load %arg2[%get3A_46, %get3A_47, %get3A_48] : memref<32x256x1xi32, #tpu.memory_space<vmem>>, vector<1x256x1xi32>
    %get3A_50 = vector.shape_cast %get3A_49 : vector<1x256x1xi32> to vector<256x1xi32>
    %ne3A = arith.constant 10239 : i32
    %ne3A_51 = vector.broadcast %ne3A : i32 to vector<256x1xi32>
    %ne3A_52 = arith.cmpi ne, %get3A_50, %ne3A_51 : vector<256x1xi32>
    %jit3A = arith.constant 0.000000e+00 : f32
    %broadcast_in_dim3A_53 = vector.shape_cast %ne3A_52 : vector<256x1xi1> to vector<256x1xi1>
    %broadcast_in_dim3A_54 = vector.broadcast %broadcast_in_dim3A_53 : vector<256x1xi1> to vector<256x128xi1>
    %broadcast_in_dim3A_55 = vector.broadcast %jit3A : f32 to vector<256x128xf32>
    %select_n3A = arith.select %broadcast_in_dim3A_54, %max3A_45, %broadcast_in_dim3A_55 : vector<256x128xi1>, vector<256x128xf32>
    %max3A_56 = arith.maximumf %broadcast_in_dim3A_32, %select_n3A : vector<256x128xf32>
    %get3A_57 = arith.constant 1 : index
    %get3A_58 = arith.constant 0 : index
    %get3A_59 = arith.constant 64 : index
    %get3A_60 = vector.load %arg1[%get3A_57, %get3A_58, %get3A_59] : memref<32x256x128xf32, #tpu.memory_space<vmem>>, vector<1x256x64xf32>
    %get3A_61 = vector.shape_cast %get3A_60 : vector<1x256x64xf32> to vector<256x64xf32>
    %sub3A_62 = arith.subf %get3A_61, %add3A_25 : vector<256x64xf32>
    %max3A_63 = arith.constant 0.000000e+00 : f32
    %max3A_64 = vector.broadcast %max3A_63 : f32 to vector<256x64xf32>
    %max3A_65 = arith.maximumf %sub3A_62, %max3A_64 : vector<256x64xf32>
    %dot_general3A_66 = arith.constant dense<0.000000e+00> : vector<256x128xf32>
    %dot_general3A_67 = tpu.matmul %max3A_65, %get3A_28, %dot_general3A_66 {dimension_numbers = #tpu.dot_dimension_numbers<[1], [0], [0], [1], [0, 0, 1, 1], [], []>, transpose_lhs_hint = false} : vector<256x64xf32>, vector<64x128xf32>, vector<256x128xf32> -> vector<256x128xf32>
    %add3A_68 = vector.broadcast %get3A_31 : vector<1x128xf32> to vector<256x128xf32>
    %add3A_69 = arith.addf %dot_general3A_67, %add3A_68 : vector<256x128xf32>
    %max3A_70 = arith.constant 0.000000e+00 : f32
    %max3A_71 = vector.broadcast %max3A_70 : f32 to vector<256x128xf32>
    %max3A_72 = arith.maximumf %add3A_69, %max3A_71 : vector<256x128xf32>
    %get3A_73 = arith.constant 1 : index
    %get3A_74 = arith.constant 0 : index
    %get3A_75 = arith.constant 0 : index
    %get3A_76 = vector.load %arg2[%get3A_73, %get3A_74, %get3A_75] : memref<32x256x1xi32, #tpu.memory_space<vmem>>, vector<1x256x1xi32>
    %get3A_77 = vector.shape_cast %get3A_76 : vector<1x256x1xi32> to vector<256x1xi32>
    %ne3A_78 = arith.constant 10239 : i32
    %ne3A_79 = vector.broadcast %ne3A_78 : i32 to vector<256x1xi32>
    %ne3A_80 = arith.cmpi ne, %get3A_77, %ne3A_79 : vector<256x1xi32>
    %jit3A_81 = arith.constant 0.000000e+00 : f32
    %broadcast_in_dim3A_82 = vector.shape_cast %ne3A_80 : vector<256x1xi1> to vector<256x1xi1>
    %broadcast_in_dim3A_83 = vector.broadcast %broadcast_in_dim3A_82 : vector<256x1xi1> to vector<256x128xi1>
    %broadcast_in_dim3A_84 = vector.broadcast %jit3A_81 : f32 to vector<256x128xf32>
    %select_n3A_85 = arith.select %broadcast_in_dim3A_83, %max3A_72, %broadcast_in_dim3A_84 : vector<256x128xi1>, vector<256x128xf32>
    %max3A_86 = arith.maximumf %max3A_56, %select_n3A_85 : vector<256x128xf32>
    %get3A_87 = arith.constant 2 : index
    %get3A_88 = arith.constant 0 : index
    %get3A_89 = arith.constant 64 : index
    %get3A_90 = vector.load %arg1[%get3A_87, %get3A_88, %get3A_89] : memref<32x256x128xf32, #tpu.memory_space<vmem>>, vector<1x256x64xf32>
    %get3A_91 = vector.shape_cast %get3A_90 : vector<1x256x64xf32> to vector<256x64xf32>
    %sub3A_92 = arith.subf %get3A_91, %add3A_25 : vector<256x64xf32>
    %max3A_93 = arith.constant 0.000000e+00 : f32
    %max3A_94 = vector.broadcast %max3A_93 : f32 to vector<256x64xf32>
    %max3A_95 = arith.maximumf %sub3A_92, %max3A_94 : vector<256x64xf32>
    %dot_general3A_96 = arith.constant dense<0.000000e+00> : vector<256x128xf32>
    %dot_general3A_97 = tpu.matmul %max3A_95, %get3A_28, %dot_general3A_96 {dimension_numbers = #tpu.dot_dimension_numbers<[1], [0], [0], [1], [0, 0, 1, 1], [], []>, transpose_lhs_hint = false} : vector<256x64xf32>, vector<64x128xf32>, vector<256x128xf32> -> vector<256x128xf32>
    %add3A_98 = vector.broadcast %get3A_31 : vector<1x128xf32> to vector<256x128xf32>
    %add3A_99 = arith.addf %dot_general3A_97, %add3A_98 : vector<256x128xf32>
    %max3A_100 = arith.constant 0.000000e+00 : f32
    %max3A_101 = vector.broadcast %max3A_100 : f32 to vector<256x128xf32>
    %max3A_102 = arith.maximumf %add3A_99, %max3A_101 : vector<256x128xf32>
    %get3A_103 = arith.constant 2 : index
    %get3A_104 = arith.constant 0 : index
    %get3A_105 = arith.constant 0 : index
    %get3A_106 = vector.load %arg2[%get3A_103, %get3A_104, %get3A_105] : memref<32x256x1xi32, #tpu.memory_space<vmem>>, vector<1x256x1xi32>
    %get3A_107 = vector.shape_cast %get3A_106 : vector<1x256x1xi32> to vector<256x1xi32>
    %ne3A_108 = arith.constant 10239 : i32
    %ne3A_109 = vector.broadcast %ne3A_108 : i32 to vector<256x1xi32>
    %ne3A_110 = arith.cmpi ne, %get3A_107, %ne3A_109 : vector<256x1xi32>
    %jit3A_111 = arith.constant 0.000000e+00 : f32
    %broadcast_in_dim3A_112 = vector.shape_cast %ne3A_110 : vector<256x1xi1> to vector<256x1xi1>
    %broadcast_in_dim3A_113 = vector.broadcast %broadcast_in_dim3A_112 : vector<256x1xi1> to vector<256x128xi1>
    %broadcast_in_dim3A_114 = vector.broadcast %jit3A_111 : f32 to vector<256x128xf32>
    %select_n3A_115 = arith.select %broadcast_in_dim3A_113, %max3A_102, %broadcast_in_dim3A_114 : vector<256x128xi1>, vector<256x128xf32>
    %max3A_116 = arith.maximumf %max3A_86, %select_n3A_115 : vector<256x128xf32>
    %get3A_117 = arith.constant 3 : index
    %get3A_118 = arith.constant 0 : index
    %get3A_119 = arith.constant 64 : index
    %get3A_120 = vector.load %arg1[%get3A_117, %get3A_118, %get3A_119] : memref<32x256x128xf32, #tpu.memory_space<vmem>>, vector<1x256x64xf32>
    %get3A_121 = vector.shape_cast %get3A_120 : vector<1x256x64xf32> to vector<256x64xf32>
    %sub3A_122 = arith.subf %get3A_121, %add3A_25 : vector<256x64xf32>
    %max3A_123 = arith.constant 0.000000e+00 : f32
    %max3A_124 = vector.broadcast %max3A_123 : f32 to vector<256x64xf32>
    %max3A_125 = arith.maximumf %sub3A_122, %max3A_124 : vector<256x64xf32>
    %dot_general3A_126 = arith.constant dense<0.000000e+00> : vector<256x128xf32>
    %dot_general3A_127 = tpu.matmul %max3A_125, %get3A_28, %dot_general3A_126 {dimension_numbers = #tpu.dot_dimension_numbers<[1], [0], [0], [1], [0, 0, 1, 1], [], []>, transpose_lhs_hint = false} : vector<256x64xf32>, vector<64x128xf32>, vector<256x128xf32> -> vector<256x128xf32>
    %add3A_128 = vector.broadcast %get3A_31 : vector<1x128xf32> to vector<256x128xf32>
    %add3A_129 = arith.addf %dot_general3A_127, %add3A_128 : vector<256x128xf32>
    %max3A_130 = arith.constant 0.000000e+00 : f32
    %max3A_131 = vector.broadcast %max3A_130 : f32 to vector<256x128xf32>
    %max3A_132 = arith.maximumf %add3A_129, %max3A_131 : vector<256x128xf32>
    %get3A_133 = arith.constant 3 : index
    %get3A_134 = arith.constant 0 : index
    %get3A_135 = arith.constant 0 : index
    %get3A_136 = vector.load %arg2[%get3A_133, %get3A_134, %get3A_135] : memref<32x256x1xi32, #tpu.memory_space<vmem>>, vector<1x256x1xi32>
    %get3A_137 = vector.shape_cast %get3A_136 : vector<1x256x1xi32> to vector<256x1xi32>
    %ne3A_138 = arith.constant 10239 : i32
    %ne3A_139 = vector.broadcast %ne3A_138 : i32 to vector<256x1xi32>
    %ne3A_140 = arith.cmpi ne, %get3A_137, %ne3A_139 : vector<256x1xi32>
    %jit3A_141 = arith.constant 0.000000e+00 : f32
    %broadcast_in_dim3A_142 = vector.shape_cast %ne3A_140 : vector<256x1xi1> to vector<256x1xi1>
    %broadcast_in_dim3A_143 = vector.broadcast %broadcast_in_dim3A_142 : vector<256x1xi1> to vector<256x128xi1>
    %broadcast_in_dim3A_144 = vector.broadcast %jit3A_141 : f32 to vector<256x128xf32>
    %select_n3A_145 = arith.select %broadcast_in_dim3A_143, %max3A_132, %broadcast_in_dim3A_144 : vector<256x128xi1>, vector<256x128xf32>
    %max3A_146 = arith.maximumf %max3A_116, %select_n3A_145 : vector<256x128xf32>
    %get3A_147 = arith.constant 4 : index
    %get3A_148 = arith.constant 0 : index
    %get3A_149 = arith.constant 64 : index
    %get3A_150 = vector.load %arg1[%get3A_147, %get3A_148, %get3A_149] : memref<32x256x128xf32, #tpu.memory_space<vmem>>, vector<1x256x64xf32>
    %get3A_151 = vector.shape_cast %get3A_150 : vector<1x256x64xf32> to vector<256x64xf32>
    %sub3A_152 = arith.subf %get3A_151, %add3A_25 : vector<256x64xf32>
    %max3A_153 = arith.constant 0.000000e+00 : f32
    %max3A_154 = vector.broadcast %max3A_153 : f32 to vector<256x64xf32>
    %max3A_155 = arith.maximumf %sub3A_152, %max3A_154 : vector<256x64xf32>
    %dot_general3A_156 = arith.constant dense<0.000000e+00> : vector<256x128xf32>
    %dot_general3A_157 = tpu.matmul %max3A_155, %get3A_28, %dot_general3A_156 {dimension_numbers = #tpu.dot_dimension_numbers<[1], [0], [0], [1], [0, 0, 1, 1], [], []>, transpose_lhs_hint = false} : vector<256x64xf32>, vector<64x128xf32>, vector<256x128xf32> -> vector<256x128xf32>
    %add3A_158 = vector.broadcast %get3A_31 : vector<1x128xf32> to vector<256x128xf32>
    %add3A_159 = arith.addf %dot_general3A_157, %add3A_158 : vector<256x128xf32>
    %max3A_160 = arith.constant 0.000000e+00 : f32
    %max3A_161 = vector.broadcast %max3A_160 : f32 to vector<256x128xf32>
    %max3A_162 = arith.maximumf %add3A_159, %max3A_161 : vector<256x128xf32>
    %get3A_163 = arith.constant 4 : index
    %get3A_164 = arith.constant 0 : index
    %get3A_165 = arith.constant 0 : index
    %get3A_166 = vector.load %arg2[%get3A_163, %get3A_164, %get3A_165] : memref<32x256x1xi32, #tpu.memory_space<vmem>>, vector<1x256x1xi32>
    %get3A_167 = vector.shape_cast %get3A_166 : vector<1x256x1xi32> to vector<256x1xi32>
    %ne3A_168 = arith.constant 10239 : i32
    %ne3A_169 = vector.broadcast %ne3A_168 : i32 to vector<256x1xi32>
    %ne3A_170 = arith.cmpi ne, %get3A_167, %ne3A_169 : vector<256x1xi32>
    %jit3A_171 = arith.constant 0.000000e+00 : f32
    %broadcast_in_dim3A_172 = vector.shape_cast %ne3A_170 : vector<256x1xi1> to vector<256x1xi1>
    %broadcast_in_dim3A_173 = vector.broadcast %broadcast_in_dim3A_172 : vector<256x1xi1> to vector<256x128xi1>
    %broadcast_in_dim3A_174 = vector.broadcast %jit3A_171 : f32 to vector<256x128xf32>
    %select_n3A_175 = arith.select %broadcast_in_dim3A_173, %max3A_162, %broadcast_in_dim3A_174 : vector<256x128xi1>, vector<256x128xf32>
    %max3A_176 = arith.maximumf %max3A_146, %select_n3A_175 : vector<256x128xf32>
    %get3A_177 = arith.constant 5 : index
    %get3A_178 = arith.constant 0 : index
    %get3A_179 = arith.constant 64 : index
    %get3A_180 = vector.load %arg1[%get3A_177, %get3A_178, %get3A_179] : memref<32x256x128xf32, #tpu.memory_space<vmem>>, vector<1x256x64xf32>
    %get3A_181 = vector.shape_cast %get3A_180 : vector<1x256x64xf32> to vector<256x64xf32>
    %sub3A_182 = arith.subf %get3A_181, %add3A_25 : vector<256x64xf32>
    %max3A_183 = arith.constant 0.000000e+00 : f32
    %max3A_184 = vector.broadcast %max3A_183 : f32 to vector<256x64xf32>
    %max3A_185 = arith.maximumf %sub3A_182, %max3A_184 : vector<256x64xf32>
    %dot_general3A_186 = arith.constant dense<0.000000e+00> : vector<256x128xf32>
    %dot_general3A_187 = tpu.matmul %max3A_185, %get3A_28, %dot_general3A_186 {dimension_numbers = #tpu.dot_dimension_numbers<[1], [0], [0], [1], [0, 0, 1, 1], [], []>, transpose_lhs_hint = false} : vector<256x64xf32>, vector<64x128xf32>, vector<256x128xf32> -> vector<256x128xf32>
    %add3A_188 = vector.broadcast %get3A_31 : vector<1x128xf32> to vector<256x128xf32>
    %add3A_189 = arith.addf %dot_general3A_187, %add3A_188 : vector<256x128xf32>
    %max3A_190 = arith.constant 0.000000e+00 : f32
    %max3A_191 = vector.broadcast %max3A_190 : f32 to vector<256x128xf32>
    %max3A_192 = arith.maximumf %add3A_189, %max3A_191 : vector<256x128xf32>
    %get3A_193 = arith.constant 5 : index
    %get3A_194 = arith.constant 0 : index
    %get3A_195 = arith.constant 0 : index
    %get3A_196 = vector.load %arg2[%get3A_193, %get3A_194, %get3A_195] : memref<32x256x1xi32, #tpu.memory_space<vmem>>, vector<1x256x1xi32>
    %get3A_197 = vector.shape_cast %get3A_196 : vector<1x256x1xi32> to vector<256x1xi32>
    %ne3A_198 = arith.constant 10239 : i32
    %ne3A_199 = vector.broadcast %ne3A_198 : i32 to vector<256x1xi32>
    %ne3A_200 = arith.cmpi ne, %get3A_197, %ne3A_199 : vector<256x1xi32>
    %jit3A_201 = arith.constant 0.000000e+00 : f32
    %broadcast_in_dim3A_202 = vector.shape_cast %ne3A_200 : vector<256x1xi1> to vector<256x1xi1>
    %broadcast_in_dim3A_203 = vector.broadcast %broadcast_in_dim3A_202 : vector<256x1xi1> to vector<256x128xi1>
    %broadcast_in_dim3A_204 = vector.broadcast %jit3A_201 : f32 to vector<256x128xf32>
    %select_n3A_205 = arith.select %broadcast_in_dim3A_203, %max3A_192, %broadcast_in_dim3A_204 : vector<256x128xi1>, vector<256x128xf32>
    %max3A_206 = arith.maximumf %max3A_176, %select_n3A_205 : vector<256x128xf32>
    %get3A_207 = arith.constant 6 : index
    %get3A_208 = arith.constant 0 : index
    %get3A_209 = arith.constant 64 : index
    %get3A_210 = vector.load %arg1[%get3A_207, %get3A_208, %get3A_209] : memref<32x256x128xf32, #tpu.memory_space<vmem>>, vector<1x256x64xf32>
    %get3A_211 = vector.shape_cast %get3A_210 : vector<1x256x64xf32> to vector<256x64xf32>
    %sub3A_212 = arith.subf %get3A_211, %add3A_25 : vector<256x64xf32>
    %max3A_213 = arith.constant 0.000000e+00 : f32
    %max3A_214 = vector.broadcast %max3A_213 : f32 to vector<256x64xf32>
    %max3A_215 = arith.maximumf %sub3A_212, %max3A_214 : vector<256x64xf32>
    %dot_general3A_216 = arith.constant dense<0.000000e+00> : vector<256x128xf32>
    %dot_general3A_217 = tpu.matmul %max3A_215, %get3A_28, %dot_general3A_216 {dimension_numbers = #tpu.dot_dimension_numbers<[1], [0], [0], [1], [0, 0, 1, 1], [], []>, transpose_lhs_hint = false} : vector<256x64xf32>, vector<64x128xf32>, vector<256x128xf32> -> vector<256x128xf32>
    %add3A_218 = vector.broadcast %get3A_31 : vector<1x128xf32> to vector<256x128xf32>
    %add3A_219 = arith.addf %dot_general3A_217, %add3A_218 : vector<256x128xf32>
    %max3A_220 = arith.constant 0.000000e+00 : f32
    %max3A_221 = vector.broadcast %max3A_220 : f32 to vector<256x128xf32>
    %max3A_222 = arith.maximumf %add3A_219, %max3A_221 : vector<256x128xf32>
    %get3A_223 = arith.constant 6 : index
    %get3A_224 = arith.constant 0 : index
    %get3A_225 = arith.constant 0 : index
    %get3A_226 = vector.load %arg2[%get3A_223, %get3A_224, %get3A_225] : memref<32x256x1xi32, #tpu.memory_space<vmem>>, vector<1x256x1xi32>
    %get3A_227 = vector.shape_cast %get3A_226 : vector<1x256x1xi32> to vector<256x1xi32>
    %ne3A_228 = arith.constant 10239 : i32
    %ne3A_229 = vector.broadcast %ne3A_228 : i32 to vector<256x1xi32>
    %ne3A_230 = arith.cmpi ne, %get3A_227, %ne3A_229 : vector<256x1xi32>
    %jit3A_231 = arith.constant 0.000000e+00 : f32
    %broadcast_in_dim3A_232 = vector.shape_cast %ne3A_230 : vector<256x1xi1> to vector<256x1xi1>
    %broadcast_in_dim3A_233 = vector.broadcast %broadcast_in_dim3A_232 : vector<256x1xi1> to vector<256x128xi1>
    %broadcast_in_dim3A_234 = vector.broadcast %jit3A_231 : f32 to vector<256x128xf32>
    %select_n3A_235 = arith.select %broadcast_in_dim3A_233, %max3A_222, %broadcast_in_dim3A_234 : vector<256x128xi1>, vector<256x128xf32>
    %max3A_236 = arith.maximumf %max3A_206, %select_n3A_235 : vector<256x128xf32>
    %get3A_237 = arith.constant 7 : index
    %get3A_238 = arith.constant 0 : index
    %get3A_239 = arith.constant 64 : index
    %get3A_240 = vector.load %arg1[%get3A_237, %get3A_238, %get3A_239] : memref<32x256x128xf32, #tpu.memory_space<vmem>>, vector<1x256x64xf32>
    %get3A_241 = vector.shape_cast %get3A_240 : vector<1x256x64xf32> to vector<256x64xf32>
    %sub3A_242 = arith.subf %get3A_241, %add3A_25 : vector<256x64xf32>
    %max3A_243 = arith.constant 0.000000e+00 : f32
    %max3A_244 = vector.broadcast %max3A_243 : f32 to vector<256x64xf32>
    %max3A_245 = arith.maximumf %sub3A_242, %max3A_244 : vector<256x64xf32>
    %dot_general3A_246 = arith.constant dense<0.000000e+00> : vector<256x128xf32>
    %dot_general3A_247 = tpu.matmul %max3A_245, %get3A_28, %dot_general3A_246 {dimension_numbers = #tpu.dot_dimension_numbers<[1], [0], [0], [1], [0, 0, 1, 1], [], []>, transpose_lhs_hint = false} : vector<256x64xf32>, vector<64x128xf32>, vector<256x128xf32> -> vector<256x128xf32>
    %add3A_248 = vector.broadcast %get3A_31 : vector<1x128xf32> to vector<256x128xf32>
    %add3A_249 = arith.addf %dot_general3A_247, %add3A_248 : vector<256x128xf32>
    %max3A_250 = arith.constant 0.000000e+00 : f32
    %max3A_251 = vector.broadcast %max3A_250 : f32 to vector<256x128xf32>
    %max3A_252 = arith.maximumf %add3A_249, %max3A_251 : vector<256x128xf32>
    %get3A_253 = arith.constant 7 : index
    %get3A_254 = arith.constant 0 : index
    %get3A_255 = arith.constant 0 : index
    %get3A_256 = vector.load %arg2[%get3A_253, %get3A_254, %get3A_255] : memref<32x256x1xi32, #tpu.memory_space<vmem>>, vector<1x256x1xi32>
    %get3A_257 = vector.shape_cast %get3A_256 : vector<1x256x1xi32> to vector<256x1xi32>
    %ne3A_258 = arith.constant 10239 : i32
    %ne3A_259 = vector.broadcast %ne3A_258 : i32 to vector<256x1xi32>
    %ne3A_260 = arith.cmpi ne, %get3A_257, %ne3A_259 : vector<256x1xi32>
    %jit3A_261 = arith.constant 0.000000e+00 : f32
    %broadcast_in_dim3A_262 = vector.shape_cast %ne3A_260 : vector<256x1xi1> to vector<256x1xi1>
    %broadcast_in_dim3A_263 = vector.broadcast %broadcast_in_dim3A_262 : vector<256x1xi1> to vector<256x128xi1>
    %broadcast_in_dim3A_264 = vector.broadcast %jit3A_261 : f32 to vector<256x128xf32>
    %select_n3A_265 = arith.select %broadcast_in_dim3A_263, %max3A_252, %broadcast_in_dim3A_264 : vector<256x128xi1>, vector<256x128xf32>
    %max3A_266 = arith.maximumf %max3A_236, %select_n3A_265 : vector<256x128xf32>
    %get3A_267 = arith.constant 8 : index
    %get3A_268 = arith.constant 0 : index
    %get3A_269 = arith.constant 64 : index
    %get3A_270 = vector.load %arg1[%get3A_267, %get3A_268, %get3A_269] : memref<32x256x128xf32, #tpu.memory_space<vmem>>, vector<1x256x64xf32>
    %get3A_271 = vector.shape_cast %get3A_270 : vector<1x256x64xf32> to vector<256x64xf32>
    %sub3A_272 = arith.subf %get3A_271, %add3A_25 : vector<256x64xf32>
    %max3A_273 = arith.constant 0.000000e+00 : f32
    %max3A_274 = vector.broadcast %max3A_273 : f32 to vector<256x64xf32>
    %max3A_275 = arith.maximumf %sub3A_272, %max3A_274 : vector<256x64xf32>
    %dot_general3A_276 = arith.constant dense<0.000000e+00> : vector<256x128xf32>
    %dot_general3A_277 = tpu.matmul %max3A_275, %get3A_28, %dot_general3A_276 {dimension_numbers = #tpu.dot_dimension_numbers<[1], [0], [0], [1], [0, 0, 1, 1], [], []>, transpose_lhs_hint = false} : vector<256x64xf32>, vector<64x128xf32>, vector<256x128xf32> -> vector<256x128xf32>
    %add3A_278 = vector.broadcast %get3A_31 : vector<1x128xf32> to vector<256x128xf32>
    %add3A_279 = arith.addf %dot_general3A_277, %add3A_278 : vector<256x128xf32>
    %max3A_280 = arith.constant 0.000000e+00 : f32
    %max3A_281 = vector.broadcast %max3A_280 : f32 to vector<256x128xf32>
    %max3A_282 = arith.maximumf %add3A_279, %max3A_281 : vector<256x128xf32>
    %get3A_283 = arith.constant 8 : index
    %get3A_284 = arith.constant 0 : index
    %get3A_285 = arith.constant 0 : index
    %get3A_286 = vector.load %arg2[%get3A_283, %get3A_284, %get3A_285] : memref<32x256x1xi32, #tpu.memory_space<vmem>>, vector<1x256x1xi32>
    %get3A_287 = vector.shape_cast %get3A_286 : vector<1x256x1xi32> to vector<256x1xi32>
    %ne3A_288 = arith.constant 10239 : i32
    %ne3A_289 = vector.broadcast %ne3A_288 : i32 to vector<256x1xi32>
    %ne3A_290 = arith.cmpi ne, %get3A_287, %ne3A_289 : vector<256x1xi32>
    %jit3A_291 = arith.constant 0.000000e+00 : f32
    %broadcast_in_dim3A_292 = vector.shape_cast %ne3A_290 : vector<256x1xi1> to vector<256x1xi1>
    %broadcast_in_dim3A_293 = vector.broadcast %broadcast_in_dim3A_292 : vector<256x1xi1> to vector<256x128xi1>
    %broadcast_in_dim3A_294 = vector.broadcast %jit3A_291 : f32 to vector<256x128xf32>
    %select_n3A_295 = arith.select %broadcast_in_dim3A_293, %max3A_282, %broadcast_in_dim3A_294 : vector<256x128xi1>, vector<256x128xf32>
    %max3A_296 = arith.maximumf %max3A_266, %select_n3A_295 : vector<256x128xf32>
    %get3A_297 = arith.constant 9 : index
    %get3A_298 = arith.constant 0 : index
    %get3A_299 = arith.constant 64 : index
    %get3A_300 = vector.load %arg1[%get3A_297, %get3A_298, %get3A_299] : memref<32x256x128xf32, #tpu.memory_space<vmem>>, vector<1x256x64xf32>
    %get3A_301 = vector.shape_cast %get3A_300 : vector<1x256x64xf32> to vector<256x64xf32>
    %sub3A_302 = arith.subf %get3A_301, %add3A_25 : vector<256x64xf32>
    %max3A_303 = arith.constant 0.000000e+00 : f32
    %max3A_304 = vector.broadcast %max3A_303 : f32 to vector<256x64xf32>
    %max3A_305 = arith.maximumf %sub3A_302, %max3A_304 : vector<256x64xf32>
    %dot_general3A_306 = arith.constant dense<0.000000e+00> : vector<256x128xf32>
    %dot_general3A_307 = tpu.matmul %max3A_305, %get3A_28, %dot_general3A_306 {dimension_numbers = #tpu.dot_dimension_numbers<[1], [0], [0], [1], [0, 0, 1, 1], [], []>, transpose_lhs_hint = false} : vector<256x64xf32>, vector<64x128xf32>, vector<256x128xf32> -> vector<256x128xf32>
    %add3A_308 = vector.broadcast %get3A_31 : vector<1x128xf32> to vector<256x128xf32>
    %add3A_309 = arith.addf %dot_general3A_307, %add3A_308 : vector<256x128xf32>
    %max3A_310 = arith.constant 0.000000e+00 : f32
    %max3A_311 = vector.broadcast %max3A_310 : f32 to vector<256x128xf32>
    %max3A_312 = arith.maximumf %add3A_309, %max3A_311 : vector<256x128xf32>
    %get3A_313 = arith.constant 9 : index
    %get3A_314 = arith.constant 0 : index
    %get3A_315 = arith.constant 0 : index
    %get3A_316 = vector.load %arg2[%get3A_313, %get3A_314, %get3A_315] : memref<32x256x1xi32, #tpu.memory_space<vmem>>, vector<1x256x1xi32>
    %get3A_317 = vector.shape_cast %get3A_316 : vector<1x256x1xi32> to vector<256x1xi32>
    %ne3A_318 = arith.constant 10239 : i32
    %ne3A_319 = vector.broadcast %ne3A_318 : i32 to vector<256x1xi32>
    %ne3A_320 = arith.cmpi ne, %get3A_317, %ne3A_319 : vector<256x1xi32>
    %jit3A_321 = arith.constant 0.000000e+00 : f32
    %broadcast_in_dim3A_322 = vector.shape_cast %ne3A_320 : vector<256x1xi1> to vector<256x1xi1>
    %broadcast_in_dim3A_323 = vector.broadcast %broadcast_in_dim3A_322 : vector<256x1xi1> to vector<256x128xi1>
    %broadcast_in_dim3A_324 = vector.broadcast %jit3A_321 : f32 to vector<256x128xf32>
    %select_n3A_325 = arith.select %broadcast_in_dim3A_323, %max3A_312, %broadcast_in_dim3A_324 : vector<256x128xi1>, vector<256x128xf32>
    %max3A_326 = arith.maximumf %max3A_296, %select_n3A_325 : vector<256x128xf32>
    %get3A_327 = arith.constant 10 : index
    %get3A_328 = arith.constant 0 : index
    %get3A_329 = arith.constant 64 : index
    %get3A_330 = vector.load %arg1[%get3A_327, %get3A_328, %get3A_329] : memref<32x256x128xf32, #tpu.memory_space<vmem>>, vector<1x256x64xf32>
    %get3A_331 = vector.shape_cast %get3A_330 : vector<1x256x64xf32> to vector<256x64xf32>
    %sub3A_332 = arith.subf %get3A_331, %add3A_25 : vector<256x64xf32>
    %max3A_333 = arith.constant 0.000000e+00 : f32
    %max3A_334 = vector.broadcast %max3A_333 : f32 to vector<256x64xf32>
    %max3A_335 = arith.maximumf %sub3A_332, %max3A_334 : vector<256x64xf32>
    %dot_general3A_336 = arith.constant dense<0.000000e+00> : vector<256x128xf32>
    %dot_general3A_337 = tpu.matmul %max3A_335, %get3A_28, %dot_general3A_336 {dimension_numbers = #tpu.dot_dimension_numbers<[1], [0], [0], [1], [0, 0, 1, 1], [], []>, transpose_lhs_hint = false} : vector<256x64xf32>, vector<64x128xf32>, vector<256x128xf32> -> vector<256x128xf32>
    %add3A_338 = vector.broadcast %get3A_31 : vector<1x128xf32> to vector<256x128xf32>
    %add3A_339 = arith.addf %dot_general3A_337, %add3A_338 : vector<256x128xf32>
    %max3A_340 = arith.constant 0.000000e+00 : f32
    %max3A_341 = vector.broadcast %max3A_340 : f32 to vector<256x128xf32>
    %max3A_342 = arith.maximumf %add3A_339, %max3A_341 : vector<256x128xf32>
    %get3A_343 = arith.constant 10 : index
    %get3A_344 = arith.constant 0 : index
    %get3A_345 = arith.constant 0 : index
    %get3A_346 = vector.load %arg2[%get3A_343, %get3A_344, %get3A_345] : memref<32x256x1xi32, #tpu.memory_space<vmem>>, vector<1x256x1xi32>
    %get3A_347 = vector.shape_cast %get3A_346 : vector<1x256x1xi32> to vector<256x1xi32>
    %ne3A_348 = arith.constant 10239 : i32
    %ne3A_349 = vector.broadcast %ne3A_348 : i32 to vector<256x1xi32>
    %ne3A_350 = arith.cmpi ne, %get3A_347, %ne3A_349 : vector<256x1xi32>
    %jit3A_351 = arith.constant 0.000000e+00 : f32
    %broadcast_in_dim3A_352 = vector.shape_cast %ne3A_350 : vector<256x1xi1> to vector<256x1xi1>
    %broadcast_in_dim3A_353 = vector.broadcast %broadcast_in_dim3A_352 : vector<256x1xi1> to vector<256x128xi1>
    %broadcast_in_dim3A_354 = vector.broadcast %jit3A_351 : f32 to vector<256x128xf32>
    %select_n3A_355 = arith.select %broadcast_in_dim3A_353, %max3A_342, %broadcast_in_dim3A_354 : vector<256x128xi1>, vector<256x128xf32>
    %max3A_356 = arith.maximumf %max3A_326, %select_n3A_355 : vector<256x128xf32>
    %get3A_357 = arith.constant 11 : index
    %get3A_358 = arith.constant 0 : index
    %get3A_359 = arith.constant 64 : index
    %get3A_360 = vector.load %arg1[%get3A_357, %get3A_358, %get3A_359] : memref<32x256x128xf32, #tpu.memory_space<vmem>>, vector<1x256x64xf32>
    %get3A_361 = vector.shape_cast %get3A_360 : vector<1x256x64xf32> to vector<256x64xf32>
    %sub3A_362 = arith.subf %get3A_361, %add3A_25 : vector<256x64xf32>
    %max3A_363 = arith.constant 0.000000e+00 : f32
    %max3A_364 = vector.broadcast %max3A_363 : f32 to vector<256x64xf32>
    %max3A_365 = arith.maximumf %sub3A_362, %max3A_364 : vector<256x64xf32>
    %dot_general3A_366 = arith.constant dense<0.000000e+00> : vector<256x128xf32>
    %dot_general3A_367 = tpu.matmul %max3A_365, %get3A_28, %dot_general3A_366 {dimension_numbers = #tpu.dot_dimension_numbers<[1], [0], [0], [1], [0, 0, 1, 1], [], []>, transpose_lhs_hint = false} : vector<256x64xf32>, vector<64x128xf32>, vector<256x128xf32> -> vector<256x128xf32>
    %add3A_368 = vector.broadcast %get3A_31 : vector<1x128xf32> to vector<256x128xf32>
    %add3A_369 = arith.addf %dot_general3A_367, %add3A_368 : vector<256x128xf32>
    %max3A_370 = arith.constant 0.000000e+00 : f32
    %max3A_371 = vector.broadcast %max3A_370 : f32 to vector<256x128xf32>
    %max3A_372 = arith.maximumf %add3A_369, %max3A_371 : vector<256x128xf32>
    %get3A_373 = arith.constant 11 : index
    %get3A_374 = arith.constant 0 : index
    %get3A_375 = arith.constant 0 : index
    %get3A_376 = vector.load %arg2[%get3A_373, %get3A_374, %get3A_375] : memref<32x256x1xi32, #tpu.memory_space<vmem>>, vector<1x256x1xi32>
    %get3A_377 = vector.shape_cast %get3A_376 : vector<1x256x1xi32> to vector<256x1xi32>
    %ne3A_378 = arith.constant 10239 : i32
    %ne3A_379 = vector.broadcast %ne3A_378 : i32 to vector<256x1xi32>
    %ne3A_380 = arith.cmpi ne, %get3A_377, %ne3A_379 : vector<256x1xi32>
    %jit3A_381 = arith.constant 0.000000e+00 : f32
    %broadcast_in_dim3A_382 = vector.shape_cast %ne3A_380 : vector<256x1xi1> to vector<256x1xi1>
    %broadcast_in_dim3A_383 = vector.broadcast %broadcast_in_dim3A_382 : vector<256x1xi1> to vector<256x128xi1>
    %broadcast_in_dim3A_384 = vector.broadcast %jit3A_381 : f32 to vector<256x128xf32>
    %select_n3A_385 = arith.select %broadcast_in_dim3A_383, %max3A_372, %broadcast_in_dim3A_384 : vector<256x128xi1>, vector<256x128xf32>
    %max3A_386 = arith.maximumf %max3A_356, %select_n3A_385 : vector<256x128xf32>
    %get3A_387 = arith.constant 12 : index
    %get3A_388 = arith.constant 0 : index
    %get3A_389 = arith.constant 64 : index
    %get3A_390 = vector.load %arg1[%get3A_387, %get3A_388, %get3A_389] : memref<32x256x128xf32, #tpu.memory_space<vmem>>, vector<1x256x64xf32>
    %get3A_391 = vector.shape_cast %get3A_390 : vector<1x256x64xf32> to vector<256x64xf32>
    %sub3A_392 = arith.subf %get3A_391, %add3A_25 : vector<256x64xf32>
    %max3A_393 = arith.constant 0.000000e+00 : f32
    %max3A_394 = vector.broadcast %max3A_393 : f32 to vector<256x64xf32>
    %max3A_395 = arith.maximumf %sub3A_392, %max3A_394 : vector<256x64xf32>
    %dot_general3A_396 = arith.constant dense<0.000000e+00> : vector<256x128xf32>
    %dot_general3A_397 = tpu.matmul %max3A_395, %get3A_28, %dot_general3A_396 {dimension_numbers = #tpu.dot_dimension_numbers<[1], [0], [0], [1], [0, 0, 1, 1], [], []>, transpose_lhs_hint = false} : vector<256x64xf32>, vector<64x128xf32>, vector<256x128xf32> -> vector<256x128xf32>
    %add3A_398 = vector.broadcast %get3A_31 : vector<1x128xf32> to vector<256x128xf32>
    %add3A_399 = arith.addf %dot_general3A_397, %add3A_398 : vector<256x128xf32>
    %max3A_400 = arith.constant 0.000000e+00 : f32
    %max3A_401 = vector.broadcast %max3A_400 : f32 to vector<256x128xf32>
    %max3A_402 = arith.maximumf %add3A_399, %max3A_401 : vector<256x128xf32>
    %get3A_403 = arith.constant 12 : index
    %get3A_404 = arith.constant 0 : index
    %get3A_405 = arith.constant 0 : index
    %get3A_406 = vector.load %arg2[%get3A_403, %get3A_404, %get3A_405] : memref<32x256x1xi32, #tpu.memory_space<vmem>>, vector<1x256x1xi32>
    %get3A_407 = vector.shape_cast %get3A_406 : vector<1x256x1xi32> to vector<256x1xi32>
    %ne3A_408 = arith.constant 10239 : i32
    %ne3A_409 = vector.broadcast %ne3A_408 : i32 to vector<256x1xi32>
    %ne3A_410 = arith.cmpi ne, %get3A_407, %ne3A_409 : vector<256x1xi32>
    %jit3A_411 = arith.constant 0.000000e+00 : f32
    %broadcast_in_dim3A_412 = vector.shape_cast %ne3A_410 : vector<256x1xi1> to vector<256x1xi1>
    %broadcast_in_dim3A_413 = vector.broadcast %broadcast_in_dim3A_412 : vector<256x1xi1> to vector<256x128xi1>
    %broadcast_in_dim3A_414 = vector.broadcast %jit3A_411 : f32 to vector<256x128xf32>
    %select_n3A_415 = arith.select %broadcast_in_dim3A_413, %max3A_402, %broadcast_in_dim3A_414 : vector<256x128xi1>, vector<256x128xf32>
    %max3A_416 = arith.maximumf %max3A_386, %select_n3A_415 : vector<256x128xf32>
    %get3A_417 = arith.constant 13 : index
    %get3A_418 = arith.constant 0 : index
    %get3A_419 = arith.constant 64 : index
    %get3A_420 = vector.load %arg1[%get3A_417, %get3A_418, %get3A_419] : memref<32x256x128xf32, #tpu.memory_space<vmem>>, vector<1x256x64xf32>
    %get3A_421 = vector.shape_cast %get3A_420 : vector<1x256x64xf32> to vector<256x64xf32>
    %sub3A_422 = arith.subf %get3A_421, %add3A_25 : vector<256x64xf32>
    %max3A_423 = arith.constant 0.000000e+00 : f32
    %max3A_424 = vector.broadcast %max3A_423 : f32 to vector<256x64xf32>
    %max3A_425 = arith.maximumf %sub3A_422, %max3A_424 : vector<256x64xf32>
    %dot_general3A_426 = arith.constant dense<0.000000e+00> : vector<256x128xf32>
    %dot_general3A_427 = tpu.matmul %max3A_425, %get3A_28, %dot_general3A_426 {dimension_numbers = #tpu.dot_dimension_numbers<[1], [0], [0], [1], [0, 0, 1, 1], [], []>, transpose_lhs_hint = false} : vector<256x64xf32>, vector<64x128xf32>, vector<256x128xf32> -> vector<256x128xf32>
    %add3A_428 = vector.broadcast %get3A_31 : vector<1x128xf32> to vector<256x128xf32>
    %add3A_429 = arith.addf %dot_general3A_427, %add3A_428 : vector<256x128xf32>
    %max3A_430 = arith.constant 0.000000e+00 : f32
    %max3A_431 = vector.broadcast %max3A_430 : f32 to vector<256x128xf32>
    %max3A_432 = arith.maximumf %add3A_429, %max3A_431 : vector<256x128xf32>
    %get3A_433 = arith.constant 13 : index
    %get3A_434 = arith.constant 0 : index
    %get3A_435 = arith.constant 0 : index
    %get3A_436 = vector.load %arg2[%get3A_433, %get3A_434, %get3A_435] : memref<32x256x1xi32, #tpu.memory_space<vmem>>, vector<1x256x1xi32>
    %get3A_437 = vector.shape_cast %get3A_436 : vector<1x256x1xi32> to vector<256x1xi32>
    %ne3A_438 = arith.constant 10239 : i32
    %ne3A_439 = vector.broadcast %ne3A_438 : i32 to vector<256x1xi32>
    %ne3A_440 = arith.cmpi ne, %get3A_437, %ne3A_439 : vector<256x1xi32>
    %jit3A_441 = arith.constant 0.000000e+00 : f32
    %broadcast_in_dim3A_442 = vector.shape_cast %ne3A_440 : vector<256x1xi1> to vector<256x1xi1>
    %broadcast_in_dim3A_443 = vector.broadcast %broadcast_in_dim3A_442 : vector<256x1xi1> to vector<256x128xi1>
    %broadcast_in_dim3A_444 = vector.broadcast %jit3A_441 : f32 to vector<256x128xf32>
    %select_n3A_445 = arith.select %broadcast_in_dim3A_443, %max3A_432, %broadcast_in_dim3A_444 : vector<256x128xi1>, vector<256x128xf32>
    %max3A_446 = arith.maximumf %max3A_416, %select_n3A_445 : vector<256x128xf32>
    %get3A_447 = arith.constant 14 : index
    %get3A_448 = arith.constant 0 : index
    %get3A_449 = arith.constant 64 : index
    %get3A_450 = vector.load %arg1[%get3A_447, %get3A_448, %get3A_449] : memref<32x256x128xf32, #tpu.memory_space<vmem>>, vector<1x256x64xf32>
    %get3A_451 = vector.shape_cast %get3A_450 : vector<1x256x64xf32> to vector<256x64xf32>
    %sub3A_452 = arith.subf %get3A_451, %add3A_25 : vector<256x64xf32>
    %max3A_453 = arith.constant 0.000000e+00 : f32
    %max3A_454 = vector.broadcast %max3A_453 : f32 to vector<256x64xf32>
    %max3A_455 = arith.maximumf %sub3A_452, %max3A_454 : vector<256x64xf32>
    %dot_general3A_456 = arith.constant dense<0.000000e+00> : vector<256x128xf32>
    %dot_general3A_457 = tpu.matmul %max3A_455, %get3A_28, %dot_general3A_456 {dimension_numbers = #tpu.dot_dimension_numbers<[1], [0], [0], [1], [0, 0, 1, 1], [], []>, transpose_lhs_hint = false} : vector<256x64xf32>, vector<64x128xf32>, vector<256x128xf32> -> vector<256x128xf32>
    %add3A_458 = vector.broadcast %get3A_31 : vector<1x128xf32> to vector<256x128xf32>
    %add3A_459 = arith.addf %dot_general3A_457, %add3A_458 : vector<256x128xf32>
    %max3A_460 = arith.constant 0.000000e+00 : f32
    %max3A_461 = vector.broadcast %max3A_460 : f32 to vector<256x128xf32>
    %max3A_462 = arith.maximumf %add3A_459, %max3A_461 : vector<256x128xf32>
    %get3A_463 = arith.constant 14 : index
    %get3A_464 = arith.constant 0 : index
    %get3A_465 = arith.constant 0 : index
    %get3A_466 = vector.load %arg2[%get3A_463, %get3A_464, %get3A_465] : memref<32x256x1xi32, #tpu.memory_space<vmem>>, vector<1x256x1xi32>
    %get3A_467 = vector.shape_cast %get3A_466 : vector<1x256x1xi32> to vector<256x1xi32>
    %ne3A_468 = arith.constant 10239 : i32
    %ne3A_469 = vector.broadcast %ne3A_468 : i32 to vector<256x1xi32>
    %ne3A_470 = arith.cmpi ne, %get3A_467, %ne3A_469 : vector<256x1xi32>
    %jit3A_471 = arith.constant 0.000000e+00 : f32
    %broadcast_in_dim3A_472 = vector.shape_cast %ne3A_470 : vector<256x1xi1> to vector<256x1xi1>
    %broadcast_in_dim3A_473 = vector.broadcast %broadcast_in_dim3A_472 : vector<256x1xi1> to vector<256x128xi1>
    %broadcast_in_dim3A_474 = vector.broadcast %jit3A_471 : f32 to vector<256x128xf32>
    %select_n3A_475 = arith.select %broadcast_in_dim3A_473, %max3A_462, %broadcast_in_dim3A_474 : vector<256x128xi1>, vector<256x128xf32>
    %max3A_476 = arith.maximumf %max3A_446, %select_n3A_475 : vector<256x128xf32>
    %get3A_477 = arith.constant 15 : index
    %get3A_478 = arith.constant 0 : index
    %get3A_479 = arith.constant 64 : index
    %get3A_480 = vector.load %arg1[%get3A_477, %get3A_478, %get3A_479] : memref<32x256x128xf32, #tpu.memory_space<vmem>>, vector<1x256x64xf32>
    %get3A_481 = vector.shape_cast %get3A_480 : vector<1x256x64xf32> to vector<256x64xf32>
    %sub3A_482 = arith.subf %get3A_481, %add3A_25 : vector<256x64xf32>
    %max3A_483 = arith.constant 0.000000e+00 : f32
    %max3A_484 = vector.broadcast %max3A_483 : f32 to vector<256x64xf32>
    %max3A_485 = arith.maximumf %sub3A_482, %max3A_484 : vector<256x64xf32>
    %dot_general3A_486 = arith.constant dense<0.000000e+00> : vector<256x128xf32>
    %dot_general3A_487 = tpu.matmul %max3A_485, %get3A_28, %dot_general3A_486 {dimension_numbers = #tpu.dot_dimension_numbers<[1], [0], [0], [1], [0, 0, 1, 1], [], []>, transpose_lhs_hint = false} : vector<256x64xf32>, vector<64x128xf32>, vector<256x128xf32> -> vector<256x128xf32>
    %add3A_488 = vector.broadcast %get3A_31 : vector<1x128xf32> to vector<256x128xf32>
    %add3A_489 = arith.addf %dot_general3A_487, %add3A_488 : vector<256x128xf32>
    %max3A_490 = arith.constant 0.000000e+00 : f32
    %max3A_491 = vector.broadcast %max3A_490 : f32 to vector<256x128xf32>
    %max3A_492 = arith.maximumf %add3A_489, %max3A_491 : vector<256x128xf32>
    %get3A_493 = arith.constant 15 : index
    %get3A_494 = arith.constant 0 : index
    %get3A_495 = arith.constant 0 : index
    %get3A_496 = vector.load %arg2[%get3A_493, %get3A_494, %get3A_495] : memref<32x256x1xi32, #tpu.memory_space<vmem>>, vector<1x256x1xi32>
    %get3A_497 = vector.shape_cast %get3A_496 : vector<1x256x1xi32> to vector<256x1xi32>
    %ne3A_498 = arith.constant 10239 : i32
    %ne3A_499 = vector.broadcast %ne3A_498 : i32 to vector<256x1xi32>
    %ne3A_500 = arith.cmpi ne, %get3A_497, %ne3A_499 : vector<256x1xi32>
    %jit3A_501 = arith.constant 0.000000e+00 : f32
    %broadcast_in_dim3A_502 = vector.shape_cast %ne3A_500 : vector<256x1xi1> to vector<256x1xi1>
    %broadcast_in_dim3A_503 = vector.broadcast %broadcast_in_dim3A_502 : vector<256x1xi1> to vector<256x128xi1>
    %broadcast_in_dim3A_504 = vector.broadcast %jit3A_501 : f32 to vector<256x128xf32>
    %select_n3A_505 = arith.select %broadcast_in_dim3A_503, %max3A_492, %broadcast_in_dim3A_504 : vector<256x128xi1>, vector<256x128xf32>
    %max3A_506 = arith.maximumf %max3A_476, %select_n3A_505 : vector<256x128xf32>
    %get3A_507 = arith.constant 16 : index
    %get3A_508 = arith.constant 0 : index
    %get3A_509 = arith.constant 64 : index
    %get3A_510 = vector.load %arg1[%get3A_507, %get3A_508, %get3A_509] : memref<32x256x128xf32, #tpu.memory_space<vmem>>, vector<1x256x64xf32>
    %get3A_511 = vector.shape_cast %get3A_510 : vector<1x256x64xf32> to vector<256x64xf32>
    %sub3A_512 = arith.subf %get3A_511, %add3A_25 : vector<256x64xf32>
    %max3A_513 = arith.constant 0.000000e+00 : f32
    %max3A_514 = vector.broadcast %max3A_513 : f32 to vector<256x64xf32>
    %max3A_515 = arith.maximumf %sub3A_512, %max3A_514 : vector<256x64xf32>
    %dot_general3A_516 = arith.constant dense<0.000000e+00> : vector<256x128xf32>
    %dot_general3A_517 = tpu.matmul %max3A_515, %get3A_28, %dot_general3A_516 {dimension_numbers = #tpu.dot_dimension_numbers<[1], [0], [0], [1], [0, 0, 1, 1], [], []>, transpose_lhs_hint = false} : vector<256x64xf32>, vector<64x128xf32>, vector<256x128xf32> -> vector<256x128xf32>
    %add3A_518 = vector.broadcast %get3A_31 : vector<1x128xf32> to vector<256x128xf32>
    %add3A_519 = arith.addf %dot_general3A_517, %add3A_518 : vector<256x128xf32>
    %max3A_520 = arith.constant 0.000000e+00 : f32
    %max3A_521 = vector.broadcast %max3A_520 : f32 to vector<256x128xf32>
    %max3A_522 = arith.maximumf %add3A_519, %max3A_521 : vector<256x128xf32>
    %get3A_523 = arith.constant 16 : index
    %get3A_524 = arith.constant 0 : index
    %get3A_525 = arith.constant 0 : index
    %get3A_526 = vector.load %arg2[%get3A_523, %get3A_524, %get3A_525] : memref<32x256x1xi32, #tpu.memory_space<vmem>>, vector<1x256x1xi32>
    %get3A_527 = vector.shape_cast %get3A_526 : vector<1x256x1xi32> to vector<256x1xi32>
    %ne3A_528 = arith.constant 10239 : i32
    %ne3A_529 = vector.broadcast %ne3A_528 : i32 to vector<256x1xi32>
    %ne3A_530 = arith.cmpi ne, %get3A_527, %ne3A_529 : vector<256x1xi32>
    %jit3A_531 = arith.constant 0.000000e+00 : f32
    %broadcast_in_dim3A_532 = vector.shape_cast %ne3A_530 : vector<256x1xi1> to vector<256x1xi1>
    %broadcast_in_dim3A_533 = vector.broadcast %broadcast_in_dim3A_532 : vector<256x1xi1> to vector<256x128xi1>
    %broadcast_in_dim3A_534 = vector.broadcast %jit3A_531 : f32 to vector<256x128xf32>
    %select_n3A_535 = arith.select %broadcast_in_dim3A_533, %max3A_522, %broadcast_in_dim3A_534 : vector<256x128xi1>, vector<256x128xf32>
    %max3A_536 = arith.maximumf %max3A_506, %select_n3A_535 : vector<256x128xf32>
    %get3A_537 = arith.constant 17 : index
    %get3A_538 = arith.constant 0 : index
    %get3A_539 = arith.constant 64 : index
    %get3A_540 = vector.load %arg1[%get3A_537, %get3A_538, %get3A_539] : memref<32x256x128xf32, #tpu.memory_space<vmem>>, vector<1x256x64xf32>
    %get3A_541 = vector.shape_cast %get3A_540 : vector<1x256x64xf32> to vector<256x64xf32>
    %sub3A_542 = arith.subf %get3A_541, %add3A_25 : vector<256x64xf32>
    %max3A_543 = arith.constant 0.000000e+00 : f32
    %max3A_544 = vector.broadcast %max3A_543 : f32 to vector<256x64xf32>
    %max3A_545 = arith.maximumf %sub3A_542, %max3A_544 : vector<256x64xf32>
    %dot_general3A_546 = arith.constant dense<0.000000e+00> : vector<256x128xf32>
    %dot_general3A_547 = tpu.matmul %max3A_545, %get3A_28, %dot_general3A_546 {dimension_numbers = #tpu.dot_dimension_numbers<[1], [0], [0], [1], [0, 0, 1, 1], [], []>, transpose_lhs_hint = false} : vector<256x64xf32>, vector<64x128xf32>, vector<256x128xf32> -> vector<256x128xf32>
    %add3A_548 = vector.broadcast %get3A_31 : vector<1x128xf32> to vector<256x128xf32>
    %add3A_549 = arith.addf %dot_general3A_547, %add3A_548 : vector<256x128xf32>
    %max3A_550 = arith.constant 0.000000e+00 : f32
    %max3A_551 = vector.broadcast %max3A_550 : f32 to vector<256x128xf32>
    %max3A_552 = arith.maximumf %add3A_549, %max3A_551 : vector<256x128xf32>
    %get3A_553 = arith.constant 17 : index
    %get3A_554 = arith.constant 0 : index
    %get3A_555 = arith.constant 0 : index
    %get3A_556 = vector.load %arg2[%get3A_553, %get3A_554, %get3A_555] : memref<32x256x1xi32, #tpu.memory_space<vmem>>, vector<1x256x1xi32>
    %get3A_557 = vector.shape_cast %get3A_556 : vector<1x256x1xi32> to vector<256x1xi32>
    %ne3A_558 = arith.constant 10239 : i32
    %ne3A_559 = vector.broadcast %ne3A_558 : i32 to vector<256x1xi32>
    %ne3A_560 = arith.cmpi ne, %get3A_557, %ne3A_559 : vector<256x1xi32>
    %jit3A_561 = arith.constant 0.000000e+00 : f32
    %broadcast_in_dim3A_562 = vector.shape_cast %ne3A_560 : vector<256x1xi1> to vector<256x1xi1>
    %broadcast_in_dim3A_563 = vector.broadcast %broadcast_in_dim3A_562 : vector<256x1xi1> to vector<256x128xi1>
    %broadcast_in_dim3A_564 = vector.broadcast %jit3A_561 : f32 to vector<256x128xf32>
    %select_n3A_565 = arith.select %broadcast_in_dim3A_563, %max3A_552, %broadcast_in_dim3A_564 : vector<256x128xi1>, vector<256x128xf32>
    %max3A_566 = arith.maximumf %max3A_536, %select_n3A_565 : vector<256x128xf32>
    %get3A_567 = arith.constant 18 : index
    %get3A_568 = arith.constant 0 : index
    %get3A_569 = arith.constant 64 : index
    %get3A_570 = vector.load %arg1[%get3A_567, %get3A_568, %get3A_569] : memref<32x256x128xf32, #tpu.memory_space<vmem>>, vector<1x256x64xf32>
    %get3A_571 = vector.shape_cast %get3A_570 : vector<1x256x64xf32> to vector<256x64xf32>
    %sub3A_572 = arith.subf %get3A_571, %add3A_25 : vector<256x64xf32>
    %max3A_573 = arith.constant 0.000000e+00 : f32
    %max3A_574 = vector.broadcast %max3A_573 : f32 to vector<256x64xf32>
    %max3A_575 = arith.maximumf %sub3A_572, %max3A_574 : vector<256x64xf32>
    %dot_general3A_576 = arith.constant dense<0.000000e+00> : vector<256x128xf32>
    %dot_general3A_577 = tpu.matmul %max3A_575, %get3A_28, %dot_general3A_576 {dimension_numbers = #tpu.dot_dimension_numbers<[1], [0], [0], [1], [0, 0, 1, 1], [], []>, transpose_lhs_hint = false} : vector<256x64xf32>, vector<64x128xf32>, vector<256x128xf32> -> vector<256x128xf32>
    %add3A_578 = vector.broadcast %get3A_31 : vector<1x128xf32> to vector<256x128xf32>
    %add3A_579 = arith.addf %dot_general3A_577, %add3A_578 : vector<256x128xf32>
    %max3A_580 = arith.constant 0.000000e+00 : f32
    %max3A_581 = vector.broadcast %max3A_580 : f32 to vector<256x128xf32>
    %max3A_582 = arith.maximumf %add3A_579, %max3A_581 : vector<256x128xf32>
    %get3A_583 = arith.constant 18 : index
    %get3A_584 = arith.constant 0 : index
    %get3A_585 = arith.constant 0 : index
    %get3A_586 = vector.load %arg2[%get3A_583, %get3A_584, %get3A_585] : memref<32x256x1xi32, #tpu.memory_space<vmem>>, vector<1x256x1xi32>
    %get3A_587 = vector.shape_cast %get3A_586 : vector<1x256x1xi32> to vector<256x1xi32>
    %ne3A_588 = arith.constant 10239 : i32
    %ne3A_589 = vector.broadcast %ne3A_588 : i32 to vector<256x1xi32>
    %ne3A_590 = arith.cmpi ne, %get3A_587, %ne3A_589 : vector<256x1xi32>
    %jit3A_591 = arith.constant 0.000000e+00 : f32
    %broadcast_in_dim3A_592 = vector.shape_cast %ne3A_590 : vector<256x1xi1> to vector<256x1xi1>
    %broadcast_in_dim3A_593 = vector.broadcast %broadcast_in_dim3A_592 : vector<256x1xi1> to vector<256x128xi1>
    %broadcast_in_dim3A_594 = vector.broadcast %jit3A_591 : f32 to vector<256x128xf32>
    %select_n3A_595 = arith.select %broadcast_in_dim3A_593, %max3A_582, %broadcast_in_dim3A_594 : vector<256x128xi1>, vector<256x128xf32>
    %max3A_596 = arith.maximumf %max3A_566, %select_n3A_595 : vector<256x128xf32>
    %get3A_597 = arith.constant 19 : index
    %get3A_598 = arith.constant 0 : index
    %get3A_599 = arith.constant 64 : index
    %get3A_600 = vector.load %arg1[%get3A_597, %get3A_598, %get3A_599] : memref<32x256x128xf32, #tpu.memory_space<vmem>>, vector<1x256x64xf32>
    %get3A_601 = vector.shape_cast %get3A_600 : vector<1x256x64xf32> to vector<256x64xf32>
    %sub3A_602 = arith.subf %get3A_601, %add3A_25 : vector<256x64xf32>
    %max3A_603 = arith.constant 0.000000e+00 : f32
    %max3A_604 = vector.broadcast %max3A_603 : f32 to vector<256x64xf32>
    %max3A_605 = arith.maximumf %sub3A_602, %max3A_604 : vector<256x64xf32>
    %dot_general3A_606 = arith.constant dense<0.000000e+00> : vector<256x128xf32>
    %dot_general3A_607 = tpu.matmul %max3A_605, %get3A_28, %dot_general3A_606 {dimension_numbers = #tpu.dot_dimension_numbers<[1], [0], [0], [1], [0, 0, 1, 1], [], []>, transpose_lhs_hint = false} : vector<256x64xf32>, vector<64x128xf32>, vector<256x128xf32> -> vector<256x128xf32>
    %add3A_608 = vector.broadcast %get3A_31 : vector<1x128xf32> to vector<256x128xf32>
    %add3A_609 = arith.addf %dot_general3A_607, %add3A_608 : vector<256x128xf32>
    %max3A_610 = arith.constant 0.000000e+00 : f32
    %max3A_611 = vector.broadcast %max3A_610 : f32 to vector<256x128xf32>
    %max3A_612 = arith.maximumf %add3A_609, %max3A_611 : vector<256x128xf32>
    %get3A_613 = arith.constant 19 : index
    %get3A_614 = arith.constant 0 : index
    %get3A_615 = arith.constant 0 : index
    %get3A_616 = vector.load %arg2[%get3A_613, %get3A_614, %get3A_615] : memref<32x256x1xi32, #tpu.memory_space<vmem>>, vector<1x256x1xi32>
    %get3A_617 = vector.shape_cast %get3A_616 : vector<1x256x1xi32> to vector<256x1xi32>
    %ne3A_618 = arith.constant 10239 : i32
    %ne3A_619 = vector.broadcast %ne3A_618 : i32 to vector<256x1xi32>
    %ne3A_620 = arith.cmpi ne, %get3A_617, %ne3A_619 : vector<256x1xi32>
    %jit3A_621 = arith.constant 0.000000e+00 : f32
    %broadcast_in_dim3A_622 = vector.shape_cast %ne3A_620 : vector<256x1xi1> to vector<256x1xi1>
    %broadcast_in_dim3A_623 = vector.broadcast %broadcast_in_dim3A_622 : vector<256x1xi1> to vector<256x128xi1>
    %broadcast_in_dim3A_624 = vector.broadcast %jit3A_621 : f32 to vector<256x128xf32>
    %select_n3A_625 = arith.select %broadcast_in_dim3A_623, %max3A_612, %broadcast_in_dim3A_624 : vector<256x128xi1>, vector<256x128xf32>
    %max3A_626 = arith.maximumf %max3A_596, %select_n3A_625 : vector<256x128xf32>
    %get3A_627 = arith.constant 20 : index
    %get3A_628 = arith.constant 0 : index
    %get3A_629 = arith.constant 64 : index
    %get3A_630 = vector.load %arg1[%get3A_627, %get3A_628, %get3A_629] : memref<32x256x128xf32, #tpu.memory_space<vmem>>, vector<1x256x64xf32>
    %get3A_631 = vector.shape_cast %get3A_630 : vector<1x256x64xf32> to vector<256x64xf32>
    %sub3A_632 = arith.subf %get3A_631, %add3A_25 : vector<256x64xf32>
    %max3A_633 = arith.constant 0.000000e+00 : f32
    %max3A_634 = vector.broadcast %max3A_633 : f32 to vector<256x64xf32>
    %max3A_635 = arith.maximumf %sub3A_632, %max3A_634 : vector<256x64xf32>
    %dot_general3A_636 = arith.constant dense<0.000000e+00> : vector<256x128xf32>
    %dot_general3A_637 = tpu.matmul %max3A_635, %get3A_28, %dot_general3A_636 {dimension_numbers = #tpu.dot_dimension_numbers<[1], [0], [0], [1], [0, 0, 1, 1], [], []>, transpose_lhs_hint = false} : vector<256x64xf32>, vector<64x128xf32>, vector<256x128xf32> -> vector<256x128xf32>
    %add3A_638 = vector.broadcast %get3A_31 : vector<1x128xf32> to vector<256x128xf32>
    %add3A_639 = arith.addf %dot_general3A_637, %add3A_638 : vector<256x128xf32>
    %max3A_640 = arith.constant 0.000000e+00 : f32
    %max3A_641 = vector.broadcast %max3A_640 : f32 to vector<256x128xf32>
    %max3A_642 = arith.maximumf %add3A_639, %max3A_641 : vector<256x128xf32>
    %get3A_643 = arith.constant 20 : index
    %get3A_644 = arith.constant 0 : index
    %get3A_645 = arith.constant 0 : index
    %get3A_646 = vector.load %arg2[%get3A_643, %get3A_644, %get3A_645] : memref<32x256x1xi32, #tpu.memory_space<vmem>>, vector<1x256x1xi32>
    %get3A_647 = vector.shape_cast %get3A_646 : vector<1x256x1xi32> to vector<256x1xi32>
    %ne3A_648 = arith.constant 10239 : i32
    %ne3A_649 = vector.broadcast %ne3A_648 : i32 to vector<256x1xi32>
    %ne3A_650 = arith.cmpi ne, %get3A_647, %ne3A_649 : vector<256x1xi32>
    %jit3A_651 = arith.constant 0.000000e+00 : f32
    %broadcast_in_dim3A_652 = vector.shape_cast %ne3A_650 : vector<256x1xi1> to vector<256x1xi1>
    %broadcast_in_dim3A_653 = vector.broadcast %broadcast_in_dim3A_652 : vector<256x1xi1> to vector<256x128xi1>
    %broadcast_in_dim3A_654 = vector.broadcast %jit3A_651 : f32 to vector<256x128xf32>
    %select_n3A_655 = arith.select %broadcast_in_dim3A_653, %max3A_642, %broadcast_in_dim3A_654 : vector<256x128xi1>, vector<256x128xf32>
    %max3A_656 = arith.maximumf %max3A_626, %select_n3A_655 : vector<256x128xf32>
    %get3A_657 = arith.constant 21 : index
    %get3A_658 = arith.constant 0 : index
    %get3A_659 = arith.constant 64 : index
    %get3A_660 = vector.load %arg1[%get3A_657, %get3A_658, %get3A_659] : memref<32x256x128xf32, #tpu.memory_space<vmem>>, vector<1x256x64xf32>
    %get3A_661 = vector.shape_cast %get3A_660 : vector<1x256x64xf32> to vector<256x64xf32>
    %sub3A_662 = arith.subf %get3A_661, %add3A_25 : vector<256x64xf32>
    %max3A_663 = arith.constant 0.000000e+00 : f32
    %max3A_664 = vector.broadcast %max3A_663 : f32 to vector<256x64xf32>
    %max3A_665 = arith.maximumf %sub3A_662, %max3A_664 : vector<256x64xf32>
    %dot_general3A_666 = arith.constant dense<0.000000e+00> : vector<256x128xf32>
    %dot_general3A_667 = tpu.matmul %max3A_665, %get3A_28, %dot_general3A_666 {dimension_numbers = #tpu.dot_dimension_numbers<[1], [0], [0], [1], [0, 0, 1, 1], [], []>, transpose_lhs_hint = false} : vector<256x64xf32>, vector<64x128xf32>, vector<256x128xf32> -> vector<256x128xf32>
    %add3A_668 = vector.broadcast %get3A_31 : vector<1x128xf32> to vector<256x128xf32>
    %add3A_669 = arith.addf %dot_general3A_667, %add3A_668 : vector<256x128xf32>
    %max3A_670 = arith.constant 0.000000e+00 : f32
    %max3A_671 = vector.broadcast %max3A_670 : f32 to vector<256x128xf32>
    %max3A_672 = arith.maximumf %add3A_669, %max3A_671 : vector<256x128xf32>
    %get3A_673 = arith.constant 21 : index
    %get3A_674 = arith.constant 0 : index
    %get3A_675 = arith.constant 0 : index
    %get3A_676 = vector.load %arg2[%get3A_673, %get3A_674, %get3A_675] : memref<32x256x1xi32, #tpu.memory_space<vmem>>, vector<1x256x1xi32>
    %get3A_677 = vector.shape_cast %get3A_676 : vector<1x256x1xi32> to vector<256x1xi32>
    %ne3A_678 = arith.constant 10239 : i32
    %ne3A_679 = vector.broadcast %ne3A_678 : i32 to vector<256x1xi32>
    %ne3A_680 = arith.cmpi ne, %get3A_677, %ne3A_679 : vector<256x1xi32>
    %jit3A_681 = arith.constant 0.000000e+00 : f32
    %broadcast_in_dim3A_682 = vector.shape_cast %ne3A_680 : vector<256x1xi1> to vector<256x1xi1>
    %broadcast_in_dim3A_683 = vector.broadcast %broadcast_in_dim3A_682 : vector<256x1xi1> to vector<256x128xi1>
    %broadcast_in_dim3A_684 = vector.broadcast %jit3A_681 : f32 to vector<256x128xf32>
    %select_n3A_685 = arith.select %broadcast_in_dim3A_683, %max3A_672, %broadcast_in_dim3A_684 : vector<256x128xi1>, vector<256x128xf32>
    %max3A_686 = arith.maximumf %max3A_656, %select_n3A_685 : vector<256x128xf32>
    %get3A_687 = arith.constant 22 : index
    %get3A_688 = arith.constant 0 : index
    %get3A_689 = arith.constant 64 : index
    %get3A_690 = vector.load %arg1[%get3A_687, %get3A_688, %get3A_689] : memref<32x256x128xf32, #tpu.memory_space<vmem>>, vector<1x256x64xf32>
    %get3A_691 = vector.shape_cast %get3A_690 : vector<1x256x64xf32> to vector<256x64xf32>
    %sub3A_692 = arith.subf %get3A_691, %add3A_25 : vector<256x64xf32>
    %max3A_693 = arith.constant 0.000000e+00 : f32
    %max3A_694 = vector.broadcast %max3A_693 : f32 to vector<256x64xf32>
    %max3A_695 = arith.maximumf %sub3A_692, %max3A_694 : vector<256x64xf32>
    %dot_general3A_696 = arith.constant dense<0.000000e+00> : vector<256x128xf32>
    %dot_general3A_697 = tpu.matmul %max3A_695, %get3A_28, %dot_general3A_696 {dimension_numbers = #tpu.dot_dimension_numbers<[1], [0], [0], [1], [0, 0, 1, 1], [], []>, transpose_lhs_hint = false} : vector<256x64xf32>, vector<64x128xf32>, vector<256x128xf32> -> vector<256x128xf32>
    %add3A_698 = vector.broadcast %get3A_31 : vector<1x128xf32> to vector<256x128xf32>
    %add3A_699 = arith.addf %dot_general3A_697, %add3A_698 : vector<256x128xf32>
    %max3A_700 = arith.constant 0.000000e+00 : f32
    %max3A_701 = vector.broadcast %max3A_700 : f32 to vector<256x128xf32>
    %max3A_702 = arith.maximumf %add3A_699, %max3A_701 : vector<256x128xf32>
    %get3A_703 = arith.constant 22 : index
    %get3A_704 = arith.constant 0 : index
    %get3A_705 = arith.constant 0 : index
    %get3A_706 = vector.load %arg2[%get3A_703, %get3A_704, %get3A_705] : memref<32x256x1xi32, #tpu.memory_space<vmem>>, vector<1x256x1xi32>
    %get3A_707 = vector.shape_cast %get3A_706 : vector<1x256x1xi32> to vector<256x1xi32>
    %ne3A_708 = arith.constant 10239 : i32
    %ne3A_709 = vector.broadcast %ne3A_708 : i32 to vector<256x1xi32>
    %ne3A_710 = arith.cmpi ne, %get3A_707, %ne3A_709 : vector<256x1xi32>
    %jit3A_711 = arith.constant 0.000000e+00 : f32
    %broadcast_in_dim3A_712 = vector.shape_cast %ne3A_710 : vector<256x1xi1> to vector<256x1xi1>
    %broadcast_in_dim3A_713 = vector.broadcast %broadcast_in_dim3A_712 : vector<256x1xi1> to vector<256x128xi1>
    %broadcast_in_dim3A_714 = vector.broadcast %jit3A_711 : f32 to vector<256x128xf32>
    %select_n3A_715 = arith.select %broadcast_in_dim3A_713, %max3A_702, %broadcast_in_dim3A_714 : vector<256x128xi1>, vector<256x128xf32>
    %max3A_716 = arith.maximumf %max3A_686, %select_n3A_715 : vector<256x128xf32>
    %get3A_717 = arith.constant 23 : index
    %get3A_718 = arith.constant 0 : index
    %get3A_719 = arith.constant 64 : index
    %get3A_720 = vector.load %arg1[%get3A_717, %get3A_718, %get3A_719] : memref<32x256x128xf32, #tpu.memory_space<vmem>>, vector<1x256x64xf32>
    %get3A_721 = vector.shape_cast %get3A_720 : vector<1x256x64xf32> to vector<256x64xf32>
    %sub3A_722 = arith.subf %get3A_721, %add3A_25 : vector<256x64xf32>
    %max3A_723 = arith.constant 0.000000e+00 : f32
    %max3A_724 = vector.broadcast %max3A_723 : f32 to vector<256x64xf32>
    %max3A_725 = arith.maximumf %sub3A_722, %max3A_724 : vector<256x64xf32>
    %dot_general3A_726 = arith.constant dense<0.000000e+00> : vector<256x128xf32>
    %dot_general3A_727 = tpu.matmul %max3A_725, %get3A_28, %dot_general3A_726 {dimension_numbers = #tpu.dot_dimension_numbers<[1], [0], [0], [1], [0, 0, 1, 1], [], []>, transpose_lhs_hint = false} : vector<256x64xf32>, vector<64x128xf32>, vector<256x128xf32> -> vector<256x128xf32>
    %add3A_728 = vector.broadcast %get3A_31 : vector<1x128xf32> to vector<256x128xf32>
    %add3A_729 = arith.addf %dot_general3A_727, %add3A_728 : vector<256x128xf32>
    %max3A_730 = arith.constant 0.000000e+00 : f32
    %max3A_731 = vector.broadcast %max3A_730 : f32 to vector<256x128xf32>
    %max3A_732 = arith.maximumf %add3A_729, %max3A_731 : vector<256x128xf32>
    %get3A_733 = arith.constant 23 : index
    %get3A_734 = arith.constant 0 : index
    %get3A_735 = arith.constant 0 : index
    %get3A_736 = vector.load %arg2[%get3A_733, %get3A_734, %get3A_735] : memref<32x256x1xi32, #tpu.memory_space<vmem>>, vector<1x256x1xi32>
    %get3A_737 = vector.shape_cast %get3A_736 : vector<1x256x1xi32> to vector<256x1xi32>
    %ne3A_738 = arith.constant 10239 : i32
    %ne3A_739 = vector.broadcast %ne3A_738 : i32 to vector<256x1xi32>
    %ne3A_740 = arith.cmpi ne, %get3A_737, %ne3A_739 : vector<256x1xi32>
    %jit3A_741 = arith.constant 0.000000e+00 : f32
    %broadcast_in_dim3A_742 = vector.shape_cast %ne3A_740 : vector<256x1xi1> to vector<256x1xi1>
    %broadcast_in_dim3A_743 = vector.broadcast %broadcast_in_dim3A_742 : vector<256x1xi1> to vector<256x128xi1>
    %broadcast_in_dim3A_744 = vector.broadcast %jit3A_741 : f32 to vector<256x128xf32>
    %select_n3A_745 = arith.select %broadcast_in_dim3A_743, %max3A_732, %broadcast_in_dim3A_744 : vector<256x128xi1>, vector<256x128xf32>
    %max3A_746 = arith.maximumf %max3A_716, %select_n3A_745 : vector<256x128xf32>
    %get3A_747 = arith.constant 24 : index
    %get3A_748 = arith.constant 0 : index
    %get3A_749 = arith.constant 64 : index
    %get3A_750 = vector.load %arg1[%get3A_747, %get3A_748, %get3A_749] : memref<32x256x128xf32, #tpu.memory_space<vmem>>, vector<1x256x64xf32>
    %get3A_751 = vector.shape_cast %get3A_750 : vector<1x256x64xf32> to vector<256x64xf32>
    %sub3A_752 = arith.subf %get3A_751, %add3A_25 : vector<256x64xf32>
    %max3A_753 = arith.constant 0.000000e+00 : f32
    %max3A_754 = vector.broadcast %max3A_753 : f32 to vector<256x64xf32>
    %max3A_755 = arith.maximumf %sub3A_752, %max3A_754 : vector<256x64xf32>
    %dot_general3A_756 = arith.constant dense<0.000000e+00> : vector<256x128xf32>
    %dot_general3A_757 = tpu.matmul %max3A_755, %get3A_28, %dot_general3A_756 {dimension_numbers = #tpu.dot_dimension_numbers<[1], [0], [0], [1], [0, 0, 1, 1], [], []>, transpose_lhs_hint = false} : vector<256x64xf32>, vector<64x128xf32>, vector<256x128xf32> -> vector<256x128xf32>
    %add3A_758 = vector.broadcast %get3A_31 : vector<1x128xf32> to vector<256x128xf32>
    %add3A_759 = arith.addf %dot_general3A_757, %add3A_758 : vector<256x128xf32>
    %max3A_760 = arith.constant 0.000000e+00 : f32
    %max3A_761 = vector.broadcast %max3A_760 : f32 to vector<256x128xf32>
    %max3A_762 = arith.maximumf %add3A_759, %max3A_761 : vector<256x128xf32>
    %get3A_763 = arith.constant 24 : index
    %get3A_764 = arith.constant 0 : index
    %get3A_765 = arith.constant 0 : index
    %get3A_766 = vector.load %arg2[%get3A_763, %get3A_764, %get3A_765] : memref<32x256x1xi32, #tpu.memory_space<vmem>>, vector<1x256x1xi32>
    %get3A_767 = vector.shape_cast %get3A_766 : vector<1x256x1xi32> to vector<256x1xi32>
    %ne3A_768 = arith.constant 10239 : i32
    %ne3A_769 = vector.broadcast %ne3A_768 : i32 to vector<256x1xi32>
    %ne3A_770 = arith.cmpi ne, %get3A_767, %ne3A_769 : vector<256x1xi32>
    %jit3A_771 = arith.constant 0.000000e+00 : f32
    %broadcast_in_dim3A_772 = vector.shape_cast %ne3A_770 : vector<256x1xi1> to vector<256x1xi1>
    %broadcast_in_dim3A_773 = vector.broadcast %broadcast_in_dim3A_772 : vector<256x1xi1> to vector<256x128xi1>
    %broadcast_in_dim3A_774 = vector.broadcast %jit3A_771 : f32 to vector<256x128xf32>
    %select_n3A_775 = arith.select %broadcast_in_dim3A_773, %max3A_762, %broadcast_in_dim3A_774 : vector<256x128xi1>, vector<256x128xf32>
    %max3A_776 = arith.maximumf %max3A_746, %select_n3A_775 : vector<256x128xf32>
    %get3A_777 = arith.constant 25 : index
    %get3A_778 = arith.constant 0 : index
    %get3A_779 = arith.constant 64 : index
    %get3A_780 = vector.load %arg1[%get3A_777, %get3A_778, %get3A_779] : memref<32x256x128xf32, #tpu.memory_space<vmem>>, vector<1x256x64xf32>
    %get3A_781 = vector.shape_cast %get3A_780 : vector<1x256x64xf32> to vector<256x64xf32>
    %sub3A_782 = arith.subf %get3A_781, %add3A_25 : vector<256x64xf32>
    %max3A_783 = arith.constant 0.000000e+00 : f32
    %max3A_784 = vector.broadcast %max3A_783 : f32 to vector<256x64xf32>
    %max3A_785 = arith.maximumf %sub3A_782, %max3A_784 : vector<256x64xf32>
    %dot_general3A_786 = arith.constant dense<0.000000e+00> : vector<256x128xf32>
    %dot_general3A_787 = tpu.matmul %max3A_785, %get3A_28, %dot_general3A_786 {dimension_numbers = #tpu.dot_dimension_numbers<[1], [0], [0], [1], [0, 0, 1, 1], [], []>, transpose_lhs_hint = false} : vector<256x64xf32>, vector<64x128xf32>, vector<256x128xf32> -> vector<256x128xf32>
    %add3A_788 = vector.broadcast %get3A_31 : vector<1x128xf32> to vector<256x128xf32>
    %add3A_789 = arith.addf %dot_general3A_787, %add3A_788 : vector<256x128xf32>
    %max3A_790 = arith.constant 0.000000e+00 : f32
    %max3A_791 = vector.broadcast %max3A_790 : f32 to vector<256x128xf32>
    %max3A_792 = arith.maximumf %add3A_789, %max3A_791 : vector<256x128xf32>
    %get3A_793 = arith.constant 25 : index
    %get3A_794 = arith.constant 0 : index
    %get3A_795 = arith.constant 0 : index
    %get3A_796 = vector.load %arg2[%get3A_793, %get3A_794, %get3A_795] : memref<32x256x1xi32, #tpu.memory_space<vmem>>, vector<1x256x1xi32>
    %get3A_797 = vector.shape_cast %get3A_796 : vector<1x256x1xi32> to vector<256x1xi32>
    %ne3A_798 = arith.constant 10239 : i32
    %ne3A_799 = vector.broadcast %ne3A_798 : i32 to vector<256x1xi32>
    %ne3A_800 = arith.cmpi ne, %get3A_797, %ne3A_799 : vector<256x1xi32>
    %jit3A_801 = arith.constant 0.000000e+00 : f32
    %broadcast_in_dim3A_802 = vector.shape_cast %ne3A_800 : vector<256x1xi1> to vector<256x1xi1>
    %broadcast_in_dim3A_803 = vector.broadcast %broadcast_in_dim3A_802 : vector<256x1xi1> to vector<256x128xi1>
    %broadcast_in_dim3A_804 = vector.broadcast %jit3A_801 : f32 to vector<256x128xf32>
    %select_n3A_805 = arith.select %broadcast_in_dim3A_803, %max3A_792, %broadcast_in_dim3A_804 : vector<256x128xi1>, vector<256x128xf32>
    %max3A_806 = arith.maximumf %max3A_776, %select_n3A_805 : vector<256x128xf32>
    %get3A_807 = arith.constant 26 : index
    %get3A_808 = arith.constant 0 : index
    %get3A_809 = arith.constant 64 : index
    %get3A_810 = vector.load %arg1[%get3A_807, %get3A_808, %get3A_809] : memref<32x256x128xf32, #tpu.memory_space<vmem>>, vector<1x256x64xf32>
    %get3A_811 = vector.shape_cast %get3A_810 : vector<1x256x64xf32> to vector<256x64xf32>
    %sub3A_812 = arith.subf %get3A_811, %add3A_25 : vector<256x64xf32>
    %max3A_813 = arith.constant 0.000000e+00 : f32
    %max3A_814 = vector.broadcast %max3A_813 : f32 to vector<256x64xf32>
    %max3A_815 = arith.maximumf %sub3A_812, %max3A_814 : vector<256x64xf32>
    %dot_general3A_816 = arith.constant dense<0.000000e+00> : vector<256x128xf32>
    %dot_general3A_817 = tpu.matmul %max3A_815, %get3A_28, %dot_general3A_816 {dimension_numbers = #tpu.dot_dimension_numbers<[1], [0], [0], [1], [0, 0, 1, 1], [], []>, transpose_lhs_hint = false} : vector<256x64xf32>, vector<64x128xf32>, vector<256x128xf32> -> vector<256x128xf32>
    %add3A_818 = vector.broadcast %get3A_31 : vector<1x128xf32> to vector<256x128xf32>
    %add3A_819 = arith.addf %dot_general3A_817, %add3A_818 : vector<256x128xf32>
    %max3A_820 = arith.constant 0.000000e+00 : f32
    %max3A_821 = vector.broadcast %max3A_820 : f32 to vector<256x128xf32>
    %max3A_822 = arith.maximumf %add3A_819, %max3A_821 : vector<256x128xf32>
    %get3A_823 = arith.constant 26 : index
    %get3A_824 = arith.constant 0 : index
    %get3A_825 = arith.constant 0 : index
    %get3A_826 = vector.load %arg2[%get3A_823, %get3A_824, %get3A_825] : memref<32x256x1xi32, #tpu.memory_space<vmem>>, vector<1x256x1xi32>
    %get3A_827 = vector.shape_cast %get3A_826 : vector<1x256x1xi32> to vector<256x1xi32>
    %ne3A_828 = arith.constant 10239 : i32
    %ne3A_829 = vector.broadcast %ne3A_828 : i32 to vector<256x1xi32>
    %ne3A_830 = arith.cmpi ne, %get3A_827, %ne3A_829 : vector<256x1xi32>
    %jit3A_831 = arith.constant 0.000000e+00 : f32
    %broadcast_in_dim3A_832 = vector.shape_cast %ne3A_830 : vector<256x1xi1> to vector<256x1xi1>
    %broadcast_in_dim3A_833 = vector.broadcast %broadcast_in_dim3A_832 : vector<256x1xi1> to vector<256x128xi1>
    %broadcast_in_dim3A_834 = vector.broadcast %jit3A_831 : f32 to vector<256x128xf32>
    %select_n3A_835 = arith.select %broadcast_in_dim3A_833, %max3A_822, %broadcast_in_dim3A_834 : vector<256x128xi1>, vector<256x128xf32>
    %max3A_836 = arith.maximumf %max3A_806, %select_n3A_835 : vector<256x128xf32>
    %get3A_837 = arith.constant 27 : index
    %get3A_838 = arith.constant 0 : index
    %get3A_839 = arith.constant 64 : index
    %get3A_840 = vector.load %arg1[%get3A_837, %get3A_838, %get3A_839] : memref<32x256x128xf32, #tpu.memory_space<vmem>>, vector<1x256x64xf32>
    %get3A_841 = vector.shape_cast %get3A_840 : vector<1x256x64xf32> to vector<256x64xf32>
    %sub3A_842 = arith.subf %get3A_841, %add3A_25 : vector<256x64xf32>
    %max3A_843 = arith.constant 0.000000e+00 : f32
    %max3A_844 = vector.broadcast %max3A_843 : f32 to vector<256x64xf32>
    %max3A_845 = arith.maximumf %sub3A_842, %max3A_844 : vector<256x64xf32>
    %dot_general3A_846 = arith.constant dense<0.000000e+00> : vector<256x128xf32>
    %dot_general3A_847 = tpu.matmul %max3A_845, %get3A_28, %dot_general3A_846 {dimension_numbers = #tpu.dot_dimension_numbers<[1], [0], [0], [1], [0, 0, 1, 1], [], []>, transpose_lhs_hint = false} : vector<256x64xf32>, vector<64x128xf32>, vector<256x128xf32> -> vector<256x128xf32>
    %add3A_848 = vector.broadcast %get3A_31 : vector<1x128xf32> to vector<256x128xf32>
    %add3A_849 = arith.addf %dot_general3A_847, %add3A_848 : vector<256x128xf32>
    %max3A_850 = arith.constant 0.000000e+00 : f32
    %max3A_851 = vector.broadcast %max3A_850 : f32 to vector<256x128xf32>
    %max3A_852 = arith.maximumf %add3A_849, %max3A_851 : vector<256x128xf32>
    %get3A_853 = arith.constant 27 : index
    %get3A_854 = arith.constant 0 : index
    %get3A_855 = arith.constant 0 : index
    %get3A_856 = vector.load %arg2[%get3A_853, %get3A_854, %get3A_855] : memref<32x256x1xi32, #tpu.memory_space<vmem>>, vector<1x256x1xi32>
    %get3A_857 = vector.shape_cast %get3A_856 : vector<1x256x1xi32> to vector<256x1xi32>
    %ne3A_858 = arith.constant 10239 : i32
    %ne3A_859 = vector.broadcast %ne3A_858 : i32 to vector<256x1xi32>
    %ne3A_860 = arith.cmpi ne, %get3A_857, %ne3A_859 : vector<256x1xi32>
    %jit3A_861 = arith.constant 0.000000e+00 : f32
    %broadcast_in_dim3A_862 = vector.shape_cast %ne3A_860 : vector<256x1xi1> to vector<256x1xi1>
    %broadcast_in_dim3A_863 = vector.broadcast %broadcast_in_dim3A_862 : vector<256x1xi1> to vector<256x128xi1>
    %broadcast_in_dim3A_864 = vector.broadcast %jit3A_861 : f32 to vector<256x128xf32>
    %select_n3A_865 = arith.select %broadcast_in_dim3A_863, %max3A_852, %broadcast_in_dim3A_864 : vector<256x128xi1>, vector<256x128xf32>
    %max3A_866 = arith.maximumf %max3A_836, %select_n3A_865 : vector<256x128xf32>
    %get3A_867 = arith.constant 28 : index
    %get3A_868 = arith.constant 0 : index
    %get3A_869 = arith.constant 64 : index
    %get3A_870 = vector.load %arg1[%get3A_867, %get3A_868, %get3A_869] : memref<32x256x128xf32, #tpu.memory_space<vmem>>, vector<1x256x64xf32>
    %get3A_871 = vector.shape_cast %get3A_870 : vector<1x256x64xf32> to vector<256x64xf32>
    %sub3A_872 = arith.subf %get3A_871, %add3A_25 : vector<256x64xf32>
    %max3A_873 = arith.constant 0.000000e+00 : f32
    %max3A_874 = vector.broadcast %max3A_873 : f32 to vector<256x64xf32>
    %max3A_875 = arith.maximumf %sub3A_872, %max3A_874 : vector<256x64xf32>
    %dot_general3A_876 = arith.constant dense<0.000000e+00> : vector<256x128xf32>
    %dot_general3A_877 = tpu.matmul %max3A_875, %get3A_28, %dot_general3A_876 {dimension_numbers = #tpu.dot_dimension_numbers<[1], [0], [0], [1], [0, 0, 1, 1], [], []>, transpose_lhs_hint = false} : vector<256x64xf32>, vector<64x128xf32>, vector<256x128xf32> -> vector<256x128xf32>
    %add3A_878 = vector.broadcast %get3A_31 : vector<1x128xf32> to vector<256x128xf32>
    %add3A_879 = arith.addf %dot_general3A_877, %add3A_878 : vector<256x128xf32>
    %max3A_880 = arith.constant 0.000000e+00 : f32
    %max3A_881 = vector.broadcast %max3A_880 : f32 to vector<256x128xf32>
    %max3A_882 = arith.maximumf %add3A_879, %max3A_881 : vector<256x128xf32>
    %get3A_883 = arith.constant 28 : index
    %get3A_884 = arith.constant 0 : index
    %get3A_885 = arith.constant 0 : index
    %get3A_886 = vector.load %arg2[%get3A_883, %get3A_884, %get3A_885] : memref<32x256x1xi32, #tpu.memory_space<vmem>>, vector<1x256x1xi32>
    %get3A_887 = vector.shape_cast %get3A_886 : vector<1x256x1xi32> to vector<256x1xi32>
    %ne3A_888 = arith.constant 10239 : i32
    %ne3A_889 = vector.broadcast %ne3A_888 : i32 to vector<256x1xi32>
    %ne3A_890 = arith.cmpi ne, %get3A_887, %ne3A_889 : vector<256x1xi32>
    %jit3A_891 = arith.constant 0.000000e+00 : f32
    %broadcast_in_dim3A_892 = vector.shape_cast %ne3A_890 : vector<256x1xi1> to vector<256x1xi1>
    %broadcast_in_dim3A_893 = vector.broadcast %broadcast_in_dim3A_892 : vector<256x1xi1> to vector<256x128xi1>
    %broadcast_in_dim3A_894 = vector.broadcast %jit3A_891 : f32 to vector<256x128xf32>
    %select_n3A_895 = arith.select %broadcast_in_dim3A_893, %max3A_882, %broadcast_in_dim3A_894 : vector<256x128xi1>, vector<256x128xf32>
    %max3A_896 = arith.maximumf %max3A_866, %select_n3A_895 : vector<256x128xf32>
    %get3A_897 = arith.constant 29 : index
    %get3A_898 = arith.constant 0 : index
    %get3A_899 = arith.constant 64 : index
    %get3A_900 = vector.load %arg1[%get3A_897, %get3A_898, %get3A_899] : memref<32x256x128xf32, #tpu.memory_space<vmem>>, vector<1x256x64xf32>
    %get3A_901 = vector.shape_cast %get3A_900 : vector<1x256x64xf32> to vector<256x64xf32>
    %sub3A_902 = arith.subf %get3A_901, %add3A_25 : vector<256x64xf32>
    %max3A_903 = arith.constant 0.000000e+00 : f32
    %max3A_904 = vector.broadcast %max3A_903 : f32 to vector<256x64xf32>
    %max3A_905 = arith.maximumf %sub3A_902, %max3A_904 : vector<256x64xf32>
    %dot_general3A_906 = arith.constant dense<0.000000e+00> : vector<256x128xf32>
    %dot_general3A_907 = tpu.matmul %max3A_905, %get3A_28, %dot_general3A_906 {dimension_numbers = #tpu.dot_dimension_numbers<[1], [0], [0], [1], [0, 0, 1, 1], [], []>, transpose_lhs_hint = false} : vector<256x64xf32>, vector<64x128xf32>, vector<256x128xf32> -> vector<256x128xf32>
    %add3A_908 = vector.broadcast %get3A_31 : vector<1x128xf32> to vector<256x128xf32>
    %add3A_909 = arith.addf %dot_general3A_907, %add3A_908 : vector<256x128xf32>
    %max3A_910 = arith.constant 0.000000e+00 : f32
    %max3A_911 = vector.broadcast %max3A_910 : f32 to vector<256x128xf32>
    %max3A_912 = arith.maximumf %add3A_909, %max3A_911 : vector<256x128xf32>
    %get3A_913 = arith.constant 29 : index
    %get3A_914 = arith.constant 0 : index
    %get3A_915 = arith.constant 0 : index
    %get3A_916 = vector.load %arg2[%get3A_913, %get3A_914, %get3A_915] : memref<32x256x1xi32, #tpu.memory_space<vmem>>, vector<1x256x1xi32>
    %get3A_917 = vector.shape_cast %get3A_916 : vector<1x256x1xi32> to vector<256x1xi32>
    %ne3A_918 = arith.constant 10239 : i32
    %ne3A_919 = vector.broadcast %ne3A_918 : i32 to vector<256x1xi32>
    %ne3A_920 = arith.cmpi ne, %get3A_917, %ne3A_919 : vector<256x1xi32>
    %jit3A_921 = arith.constant 0.000000e+00 : f32
    %broadcast_in_dim3A_922 = vector.shape_cast %ne3A_920 : vector<256x1xi1> to vector<256x1xi1>
    %broadcast_in_dim3A_923 = vector.broadcast %broadcast_in_dim3A_922 : vector<256x1xi1> to vector<256x128xi1>
    %broadcast_in_dim3A_924 = vector.broadcast %jit3A_921 : f32 to vector<256x128xf32>
    %select_n3A_925 = arith.select %broadcast_in_dim3A_923, %max3A_912, %broadcast_in_dim3A_924 : vector<256x128xi1>, vector<256x128xf32>
    %max3A_926 = arith.maximumf %max3A_896, %select_n3A_925 : vector<256x128xf32>
    %get3A_927 = arith.constant 30 : index
    %get3A_928 = arith.constant 0 : index
    %get3A_929 = arith.constant 64 : index
    %get3A_930 = vector.load %arg1[%get3A_927, %get3A_928, %get3A_929] : memref<32x256x128xf32, #tpu.memory_space<vmem>>, vector<1x256x64xf32>
    %get3A_931 = vector.shape_cast %get3A_930 : vector<1x256x64xf32> to vector<256x64xf32>
    %sub3A_932 = arith.subf %get3A_931, %add3A_25 : vector<256x64xf32>
    %max3A_933 = arith.constant 0.000000e+00 : f32
    %max3A_934 = vector.broadcast %max3A_933 : f32 to vector<256x64xf32>
    %max3A_935 = arith.maximumf %sub3A_932, %max3A_934 : vector<256x64xf32>
    %dot_general3A_936 = arith.constant dense<0.000000e+00> : vector<256x128xf32>
    %dot_general3A_937 = tpu.matmul %max3A_935, %get3A_28, %dot_general3A_936 {dimension_numbers = #tpu.dot_dimension_numbers<[1], [0], [0], [1], [0, 0, 1, 1], [], []>, transpose_lhs_hint = false} : vector<256x64xf32>, vector<64x128xf32>, vector<256x128xf32> -> vector<256x128xf32>
    %add3A_938 = vector.broadcast %get3A_31 : vector<1x128xf32> to vector<256x128xf32>
    %add3A_939 = arith.addf %dot_general3A_937, %add3A_938 : vector<256x128xf32>
    %max3A_940 = arith.constant 0.000000e+00 : f32
    %max3A_941 = vector.broadcast %max3A_940 : f32 to vector<256x128xf32>
    %max3A_942 = arith.maximumf %add3A_939, %max3A_941 : vector<256x128xf32>
    %get3A_943 = arith.constant 30 : index
    %get3A_944 = arith.constant 0 : index
    %get3A_945 = arith.constant 0 : index
    %get3A_946 = vector.load %arg2[%get3A_943, %get3A_944, %get3A_945] : memref<32x256x1xi32, #tpu.memory_space<vmem>>, vector<1x256x1xi32>
    %get3A_947 = vector.shape_cast %get3A_946 : vector<1x256x1xi32> to vector<256x1xi32>
    %ne3A_948 = arith.constant 10239 : i32
    %ne3A_949 = vector.broadcast %ne3A_948 : i32 to vector<256x1xi32>
    %ne3A_950 = arith.cmpi ne, %get3A_947, %ne3A_949 : vector<256x1xi32>
    %jit3A_951 = arith.constant 0.000000e+00 : f32
    %broadcast_in_dim3A_952 = vector.shape_cast %ne3A_950 : vector<256x1xi1> to vector<256x1xi1>
    %broadcast_in_dim3A_953 = vector.broadcast %broadcast_in_dim3A_952 : vector<256x1xi1> to vector<256x128xi1>
    %broadcast_in_dim3A_954 = vector.broadcast %jit3A_951 : f32 to vector<256x128xf32>
    %select_n3A_955 = arith.select %broadcast_in_dim3A_953, %max3A_942, %broadcast_in_dim3A_954 : vector<256x128xi1>, vector<256x128xf32>
    %max3A_956 = arith.maximumf %max3A_926, %select_n3A_955 : vector<256x128xf32>
    %get3A_957 = arith.constant 31 : index
    %get3A_958 = arith.constant 0 : index
    %get3A_959 = arith.constant 64 : index
    %get3A_960 = vector.load %arg1[%get3A_957, %get3A_958, %get3A_959] : memref<32x256x128xf32, #tpu.memory_space<vmem>>, vector<1x256x64xf32>
    %get3A_961 = vector.shape_cast %get3A_960 : vector<1x256x64xf32> to vector<256x64xf32>
    %sub3A_962 = arith.subf %get3A_961, %add3A_25 : vector<256x64xf32>
    %max3A_963 = arith.constant 0.000000e+00 : f32
    %max3A_964 = vector.broadcast %max3A_963 : f32 to vector<256x64xf32>
    %max3A_965 = arith.maximumf %sub3A_962, %max3A_964 : vector<256x64xf32>
    %dot_general3A_966 = arith.constant dense<0.000000e+00> : vector<256x128xf32>
    %dot_general3A_967 = tpu.matmul %max3A_965, %get3A_28, %dot_general3A_966 {dimension_numbers = #tpu.dot_dimension_numbers<[1], [0], [0], [1], [0, 0, 1, 1], [], []>, transpose_lhs_hint = false} : vector<256x64xf32>, vector<64x128xf32>, vector<256x128xf32> -> vector<256x128xf32>
    %add3A_968 = vector.broadcast %get3A_31 : vector<1x128xf32> to vector<256x128xf32>
    %add3A_969 = arith.addf %dot_general3A_967, %add3A_968 : vector<256x128xf32>
    %max3A_970 = arith.constant 0.000000e+00 : f32
    %max3A_971 = vector.broadcast %max3A_970 : f32 to vector<256x128xf32>
    %max3A_972 = arith.maximumf %add3A_969, %max3A_971 : vector<256x128xf32>
    %get3A_973 = arith.constant 31 : index
    %get3A_974 = arith.constant 0 : index
    %get3A_975 = arith.constant 0 : index
    %get3A_976 = vector.load %arg2[%get3A_973, %get3A_974, %get3A_975] : memref<32x256x1xi32, #tpu.memory_space<vmem>>, vector<1x256x1xi32>
    %get3A_977 = vector.shape_cast %get3A_976 : vector<1x256x1xi32> to vector<256x1xi32>
    %ne3A_978 = arith.constant 10239 : i32
    %ne3A_979 = vector.broadcast %ne3A_978 : i32 to vector<256x1xi32>
    %ne3A_980 = arith.cmpi ne, %get3A_977, %ne3A_979 : vector<256x1xi32>
    %jit3A_981 = arith.constant 0.000000e+00 : f32
    %broadcast_in_dim3A_982 = vector.shape_cast %ne3A_980 : vector<256x1xi1> to vector<256x1xi1>
    %broadcast_in_dim3A_983 = vector.broadcast %broadcast_in_dim3A_982 : vector<256x1xi1> to vector<256x128xi1>
    %broadcast_in_dim3A_984 = vector.broadcast %jit3A_981 : f32 to vector<256x128xf32>
    %select_n3A_985 = arith.select %broadcast_in_dim3A_983, %max3A_972, %broadcast_in_dim3A_984 : vector<256x128xi1>, vector<256x128xf32>
    %max3A_986 = arith.maximumf %max3A_956, %select_n3A_985 : vector<256x128xf32>
    %swap3A = arith.constant 0 : index
    %swap3A_987 = arith.constant 0 : index
    %swap3A_988 = vector.load %arg9[%swap3A, %swap3A_987] : memref<256x128xf32, #tpu.memory_space<vmem>>, vector<256x128xf32>
    tpu.vector_store %arg9[%swap3A, %swap3A_987], %max3A_986 {strides = array<i32>} : memref<256x128xf32, #tpu.memory_space<vmem>>, vector<256x128xf32>,
    return
  }
  func.func @transform_0(%arg0: i32) -> (i32, i32, i32) {
    %c0_i32 = arith.constant 0 : i32
    %c0_i32_0 = arith.constant 0 : i32
    %c0_i32_1 = arith.constant 0 : i32
    return %c0_i32, %arg0, %c0_i32_0 : i32, i32, i32
  }
  func.func @transform_1(%arg0: i32) -> (i32, i32, i32) {
    %c0_i32 = arith.constant 0 : i32
    %c0_i32_0 = arith.constant 0 : i32
    %c0_i32_1 = arith.constant 0 : i32
    return %c0_i32, %arg0, %c0_i32_0 : i32, i32, i32
  }
  func.func @transform_2(%arg0: i32) -> (i32, i32) {
    %c0_i32 = arith.constant 0 : i32
    %c0_i32_0 = arith.constant 0 : i32
    return %arg0, %c0_i32 : i32, i32
  }
  func.func @transform_3(%arg0: i32) -> (i32, i32) {
    %c0_i32 = arith.constant 0 : i32
    %c0_i32_0 = arith.constant 0 : i32
    return %arg0, %c0_i32 : i32, i32
  }
  func.func @transform_4(%arg0: i32) -> (i32, i32) {
    %c0_i32 = arith.constant 0 : i32
    %c0_i32_0 = arith.constant 0 : i32
    return %arg0, %c0_i32 : i32, i32
  }
  func.func @transform_5(%arg0: i32) -> (i32, i32) {
    %c0_i32 = arith.constant 0 : i32
    %c0_i32_0 = arith.constant 0 : i32
    %c0_i32_1 = arith.constant 0 : i32
    return %c0_i32, %c0_i32_0 : i32, i32
  }
  func.func @transform_6(%arg0: i32) -> (i32, i32) {
    %c0_i32 = arith.constant 0 : i32
    %c0_i32_0 = arith.constant 0 : i32
    %c0_i32_1 = arith.constant 0 : i32
    return %c0_i32, %c0_i32_0 : i32, i32
  }
  func.func @transform_7(%arg0: i32) -> (i32, i32) {
    %c0_i32 = arith.constant 0 : i32
    %c0_i32_0 = arith.constant 0 : i32
    %c0_i32_1 = arith.constant 0 : i32
    return %c0_i32, %c0_i32_0 : i32, i32
  }
  func.func @transform_8(%arg0: i32) -> (i32, i32) {
    %c0_i32 = arith.constant 0 : i32
    %c0_i32_0 = arith.constant 0 : i32
    return %arg0, %c0_i32 : i32, i32
  }
}

</mosaic_0001>

<sc_bundles>
// kernel: gather_offload_async_start
scs
__scs_entry_jumppad:
0x0: {  	(pc) =	sbr.rel $0x88, $3  }
0x1: {  	(tag) =	ssettag $0x0;
	lr =	simm.s32 $0x1  }
0x2: {  	[smem:$0x3F96] =	sst lr;
	_ =	strace $0xD0000000  }
0x3: {  	_ = 	snop  }
0x4: {  	_ = 	snop  }
0x5: {  	_ = 	snop  }
0x6: {  	_ = 	snop  }
0x7: {  	_ = 	snop  }
__scs_overlays_trampoline_lowered:
0x8: {  	[smem:$0x3FA5] =	sst s0  }
0x9: {  	[smem:$0x3FA6] =	sst s1  }
0xa: {  	[smem:$0x3FA7] =	sst s2  }
0xb: {  	[smem:$0x3FA8] =	sst s3  }
0xc: {  	[smem:$0x3FA9] =	sst s4  }
0xd: {  	[smem:$0x3FAA] =	sst s5  }
0xe: {  	[smem:$0x3FAB] =	sst s6  }
0xf: {  	[smem:$0x3FAC] =	sst s7  }
0x10: {  	[smem:$0x3FAD] =	sst s8  }
0x11: {  	[smem:$0x3FAE] =	sst s9;
	s0 =	simm.s32 @!p0 $0x0  }
0x12: {  	s1 =	sld [smem:$0x3F94];
	s0 =	simm.s32 @p0 $0x1  }
0x13: {  	[smem:$0x3FAF] =	sst s0;
	s0 =	simm.s32 @!p1 $0x0  }
0x14: {  	s2 =	sld [smem:$0x3F93];
	s0 =	simm.s32 @p1 $0x1  }
0x15: {  	[smem:$0x3FB0] =	sst s0;
	s0 =	simm.s32 @!p2 $0x0  }
0x16: {  	s3 =	sld [smem:$0x3FDB];
	s0 =	simm.s32 @p2 $0x1  }
0x17: {  	s4 =	simm.s32 $0x1BF5;
	[smem:$0x3FB2] =	sst s0  }
0x18: {  	s0 =	sld [smem:$0x3F95];
	_ =	swait.ge [sflag:s4], $0x0  }
0x19: {  	s7 =	sld [smem:$0x3F96]  }
0x1a: {  	s8 =	sadd.s32 $0xFFFFE003, lr  }
0x1b: {  	s9 =	sadd.s32 $0xFFFFFEF7, lr;
	s5 =	simm.s32 $0xFFFFFFFF;
	p2 =	slt.u32 s8, $0xFFFFF086  }
0x1c: {  	p1 =	slt.u32 s9, $0xF7A;
	s5 =	simm.s32 @!p2 $0x0  }
0x1d: {  	s5 =	simm.s32 @p1 $0x1;
	p0 =	seq.s32 s7, s2  }
0x1e: {  	s7 =	smul.u32 @!p0 $0xF7A, s2;
	p2 =	seq.s32 @!p0 s5, $0x0  }
0x1f: {  	s9 =	smul.u32 $0xF7A, s1;
	s8 =	simm.s32 @!p0 $0x1BF5;
	p2 =	por !p2, p0  }
0x20: {  	[sflag:s8] =	ssyncset.s32 @!p0 $0xFFFFF086;
	s6 =	sadd.s32 @!p0 s3, s7;
	s7 =	simm.s32 @!p0 $0x108  }
0x21: {  	s3 =	sadd.s32 s3, s9;
	s6 =	sadd.s32 @!p0 $0x88, s6;
	s7 =	simm.s32 @p2 $0x1082  }
0x22: {  	[simem:s7], [sflag:s8] =	dma.local @!p0 [hbm:s6], $0xF7A  }
0x23: {  	s9 =	sor.u32 $0xD0000000, s2;
	s6 =	simm.s32 $0x108;
	_ =	swait.ge @!p0 [sflag:s8], $0x0  }
0x24: {  	s3 =	sadd.s32 $0x88, s3;
	s6 =	simm.s32 @!p1 $0x1082;
	[sflag:s4] =	ssyncset.s32 $0xFFFFF086  }
0x25: {  	[simem:s6], [sflag:s4] =	dma.local [hbm:s3], $0xF7A  }
0x26: {  	[smem:$0x3F96] =	sst s1;
	(tag) =	ssettag s2;
	_ =	strace s9  }
0x27: {  	s1 =	sld [smem:$0x3FA6]  }
0x28: {  	s2 =	sld [smem:$0x3FA7]  }
0x29: {  	s4 =	sld [smem:$0x3FA9]  }
0x2a: {  	p0 =	seq.s32 s5, $0x0;
	s5 =	sld [smem:$0x3FAA]  }
0x2b: {  	s6 =	sld [smem:$0x3FAB]  }
0x2c: {  	s7 =	sld [smem:$0x3FAC]  }
0x2d: {  	s3 =	simm.s32 $0x108;
	s8 =	sld [smem:$0x3FAD]  }
0x2e: {  	s3 =	simm.s32 @!p0 $0x1082;
	s9 =	sld [smem:$0x3FAE]  }
0x2f: {  	lr =	sadd.s32 s0, s3;
	s0 =	sld [smem:$0x3FA5]  }
0x30: {  	s3 =	sld [smem:$0x3FA8]  }
0x31: {  	[smem:$0x3FB1] =	sst s10  }
0x32: {  	s10 =	sld [smem:$0x3FAF];
	_ =	sdelay $0x3  }
0x33: {  	p0 =	seq.s32 s10, $0x1;
	s10 =	sld [smem:$0x3FB1];
	_ =	sdelay $0x3  }
0x34: {  	[smem:$0x3FB1] =	sst s10  }
0x35: {  	s10 =	sld [smem:$0x3FB0];
	_ =	sdelay $0x3  }
0x36: {  	p1 =	seq.s32 s10, $0x1;
	s10 =	sld [smem:$0x3FB1];
	_ =	sdelay $0x3  }
0x37: {  	[smem:$0x3FB1] =	sst s10  }
0x38: {  	s10 =	sld [smem:$0x3FB2]  }
0x39: {  	_ = 	snop;
	(pc) =	sbr.ind lr, $3  }
0x3a: {  	_ = 	snop  }
0x3b: {  	_ = 	snop  }
0x3c: {  	p2 =	seq.s32 s10, $0x1;
	s10 =	sld [smem:$0x3FB1]  }
0x3d: {  	_ =	shalt  }
0x3e: {  	_ =	shalt  }
0x3f: {  	_ =	shalt  }
0x40: {  	_ =	shalt  }
0x41: {  	_ =	shalt  }
0x42: {  	_ =	shalt  }
0x43: {  	_ =	shalt  }
0x44: {  	_ =	shalt  }
0x45: {  	_ =	shalt  }
0x46: {  	_ =	shalt  }
0x47: {  	_ =	shalt  }
0x48: {  	_ =	shalt  }
0x49: {  	_ =	shalt  }
0x4a: {  	_ =	shalt  }
0x4b: {  	_ =	shalt  }
0x4c: {  	_ =	shalt  }
0x4d: {  	_ =	shalt  }
0x4e: {  	_ =	shalt  }
0x4f: {  	_ =	shalt  }
0x50: {  	_ =	shalt  }
0x51: {  	_ =	shalt  }
0x52: {  	_ =	shalt  }
0x53: {  	_ =	shalt  }
0x54: {  	_ =	shalt  }
0x55: {  	_ =	shalt  }
0x56: {  	_ =	shalt  }
0x57: {  	_ =	shalt  }
0x58: {  	_ =	shalt  }
0x59: {  	_ =	shalt  }
0x5a: {  	_ =	shalt  }
0x5b: {  	_ =	shalt  }
0x5c: {  	_ =	shalt  }
0x5d: {  	_ =	shalt  }
0x5e: {  	_ =	shalt  }
0x5f: {  	_ =	shalt  }
0x60: {  	_ =	shalt  }
0x61: {  	_ =	shalt  }
0x62: {  	_ =	shalt  }
0x63: {  	_ =	shalt  }
0x64: {  	_ =	shalt  }
0x65: {  	_ =	shalt  }
0x66: {  	_ =	shalt  }
0x67: {  	_ =	shalt  }
0x68: {  	_ =	shalt  }
0x69: {  	_ =	shalt  }
0x6a: {  	_ =	shalt  }
0x6b: {  	_ =	shalt  }
0x6c: {  	_ =	shalt  }
0x6d: {  	_ =	shalt  }
0x6e: {  	_ =	shalt  }
0x6f: {  	_ =	shalt  }
0x70: {  	_ =	shalt  }
0x71: {  	_ =	shalt  }
0x72: {  	_ =	shalt  }
0x73: {  	_ =	shalt  }
0x74: {  	_ =	shalt  }
0x75: {  	_ =	shalt  }
0x76: {  	_ =	shalt  }
0x77: {  	_ =	shalt  }
0x78: {  	_ =	shalt  }
0x79: {  	_ =	shalt  }
0x7a: {  	_ =	shalt  }
0x7b: {  	_ =	shalt  }
0x7c: {  	_ =	shalt  }
0x7d: {  	_ =	shalt  }
0x7e: {  	_ =	shalt  }
0x7f: {  	_ =	shalt  }
0x80: {  	_ =	shalt  }
0x81: {  	_ =	shalt  }
0x82: {  	_ =	shalt  }
0x83: {  	_ =	shalt  }
0x84: {  	_ =	shalt  }
0x85: {  	_ =	shalt  }
0x86: {  	_ =	shalt  }
0x87: {  	_ =	shalt  }
.Lfunc_end0:
.L_simem_size_0:
called_computation_lowered:
.L_overlay_start_0:
0x88: {  	s0 =	sld [smem:$0x3FD9]  }
0x89: {  	s1 =	sld [smem:$0x3FFE];
	_ =	sdelay $0x3  }
0x8a: {  	s0 =	sadd.s32 s1, s0  }
0x8b: {  	[smem:$0x3FBD] =	sst s0  }
0x8c: {  	_ = 	snop  }
0x8d: {  	s0 =	sld [smem:$0x3FD0];
	_ =	sdelay $0x2  }
0x8e: {  	s2 =	simm.s32 $0xC;
	s3 =	simm.s32 $0x10;
	s13 =	sld [smem:$0x3FC7]  }
0x8f: {  	[smem:s3], [sflag:s2] =	dma.local [hbm:s0], $0x1  }
0x90: {  	_ =	swait.eq [sflag:s2], $0x1  }
0x91: {  	[sflag:s2] =	ssyncset.done $0x0  }
0x92: {  	[sflag:s2] =	ssyncadd.s32 $0xFFFFFFFF  }
0x93: {  	s14 =	sld [smem:$0x12];
	(tm) =	ssettm $0x1  }
0x94: {  	s15 =	sld [smem:$0x3FFB];
	_ =	sdelay $0x3  }
0x95: {  	_ =	strace s15  }
0x96: {  	s2 =	sld [smem:$0x3FFC];
	_ =	sdelay $0x3  }
0x97: {  	_ =	strace s2  }
0x98: {  	s2 =	sld [smem:$0x3FFD];
	_ =	sdelay $0x3  }
0x99: {  	_ =	strace s2  }
0x9a: {  	_ =	strace $0x8FFFFFFF  }
0x9b: {  	s16 =	sld [smem:$0x3FDB];
	_ =	sdelay $0x1  }
0x9c: {  	s17 =	simm.s32 $_scs_section_size  }
0x9d: {  	s4 =	simm.s32 $_size__tile_overlayer_lowered;
	s5 =	simm.s32 $_tile_overlayer_lowered  }
0x9e: {  	s20 =	simm.s32 $0x1BFF;
	s19 =	sshll.u32 s5, $0x1;
	s2 =	sadd.s32 s17, s16  }
0x9f: {  	s6 =	simm.s32 $0x0;
	s18 =	sshll.u32 s4, $0x1;
	s4 =	sadd.s32 s19, s2  }
0xa0: {  	[timem:s6], [sflag:s20] =	dma.local [hbm:s4], s18  }
0xa1: {  	_ =	swait.ge [sflag:s20], s18  }
0xa2: {  	s3 =	ssub.s32 $0x0, s18;
	[sflag:s20] =	ssyncset.done $0x0  }
0xa3: {  	[sflag:s20] =	ssyncadd.s32 s3;
	_ =	sdelay $0x1  }
0xa4: {  	s21 =	simm.s32 $0x1B8B  }
0xa5: {  	_ =	swait.ge [sflag:s21], $0x1  }
0xa6: {  	[sflag:s21] =	ssyncset.done $0x0  }
0xa7: {  	s23 =	simm.s32 $0x1B8E;
	s22 =	sld [smem:$0x3FFE];
	[sflag:s21] =	ssyncadd.s32 $0xFFFFFFFF  }
0xa8: {  	s24 =	simm.s32 $execute0_lowered;
	[smem:$0x3FD2] =	sst s23  }
0xa9: {  	s4 =	sshll.u32 s24, $0x1;
	_ =	strace $0x80000046;
	[dreg:$0x1] =	wrdreg $0xFFFFFFFF  }
0xaa: {  	s25 =	simm.s32 $_size_execute0_lowered;
	s2 =	sadd.s32 s2, s4;
	[dreg:$0x0] =	wrdreg $0x0  }
0xab: {  	s4 =	sshll.u32 s25, $0x1;
	[dreg:$0x2] =	wrdreg s2  }
0xac: {  	[dreg:$0x3] =	wrdreg s4  }
0xad: {  	[dreg:$0x4] =	wrdreg $0xC0  }
0xae: {  	_ =	task [dreg:s6], $0x5FFFF  }
0xaf: {  	[dreg:$0x1] =	wrdreg $0xFFFFFFFF  }
0xb0: {  	[dreg:$0x0] =	wrdreg $0x60  }
0xb1: {  	[dreg:$0x2] =	wrdreg s13  }
0xb2: {  	[dreg:$0x3] =	wrdreg s14  }
0xb3: {  	[dreg:$0x4] =	wrdreg s22  }
0xb4: {  	[dreg:$0x5] =	wrdreg $0x9  }
0xb5: {  	_ =	task.clear_ibuf [dreg:s6], $0x6FFFF;
	_ =	strace $0x90000046  }
0xb6: {  	s26 =	simm.s32 $0x9;
	_ =	strace $0x80000048  }
0xb7: {  	_ =	swait.ge [sflag:s26], $0x1  }
0xb8: {  	[sflag:s26] =	ssyncadd.s32 $0xFFFFFFFF  }
0xb9: {  	_ =	strace $0x90000048  }
0xba: {  	_ =	sfence  }
0xbb: {  	s28 =	sld [smem:$0x0];
	_ =	sdelay $0x1  }
0xbc: {  	s29 =	srdreg.scid  }
0xbd: {  	s30 =	sshll.u32 s29, $0xD;
	s31 =	sshrl.u32 s29, $0x2  }
0xbe: {  	s1 =	sand.u32 $0x1, s29;
	s2 =	sand.u32 $0x4000, s30;
	s0 =	sadd.s32 s31, s28  }
0xbf: {  	s1 =	sor.u32 s2, s1;
	s0 =	sshll.u32 s0, $0x11  }
0xc0: {  	s0 =	sor.u32 s0, s1  }
0xc1: {  	s0 =	sadd.s32 $0x8F2B, s0  }
0xc2: {  	[sflag:s0] =	ssyncadd.remote.s32 $0x1  }
0xc3: {  	_ =	sfence.sel $0xFFFF  }
0xc4: {  	[dreg:$0x0] =	wrdreg $0xFFFFFFFF;
	(pc) =	sbr.abs _section_cstart, $3  }
0xc5: {  	[dreg:$0x1] =	wrdreg $0xFFFFFFFF  }
0xc6: {  	_ =	task.clear_ibuf [dreg:s6], $0x2FFFF;
	_ =	strace $0x9FFFFFFF  }
0xc7: {  	(tm) =	ssettm $0x7FFFFFFF  }
tec
execute0_lowered:
.L_overlay_start_1:
0x0: {  	(tag) =	ssettag $0x1  }
0x1: {  	s2 =	rddreg [dreg:$0x0]  }
0x2: {  	s3 =	rddreg [dreg:$0x1]  }
0x3: {  	s5 =	rddreg [dreg:$0x2]  }
0x4: {  	s0 =	rddreg [dreg:$0x3];
	s1 =	stileid.u32  }
0x5: {  	_ =	strace $0x80000047;
	s6 =	simm.s32 $0x1;
	s8 =	simm.s32 $0x2  }
0x6: {  	s30 =	simm.s32 $0x3;
	s12 =	simm.s32 $0x0;
	s4 =	sshll.u32 s1, $0x4  }
0x7: {  	s9 =	simm.s32 $0x0;
	s10 =	simm.s32 $0x0;
	s7 =	ssub.s32 $0x1380, s4  }
0x8: {  	s5 =	sadd.s32 $0x2AE00, s5;
	[sflag:s6] =	ssyncpa.u1 $0x0;
	s6 =	sshrl.u32 s7, $0x8  }
0x9: {  	[sflag:s8] =	ssyncpa.u1 $0x0;
	s11 =	smov.u32 s4;
	s31 =	sshll.u32 s6, $0x4  }
0xa: {  	[sflag:s30] =	ssyncpa.u1 $0x0;
	s7 =	sadd.s32 $0x2, s6;
	s8 =	sadd.s32 $0x30, s31  }
.LBB2_1:
0xb: {  	p0 =	sgt.u32 s10, s6  }
0xc: {  	s13 =	sxor.u32 @!p0 $0xFFFFFFFF, s9;
	s14 =	sshrl.u32 @!p0 s11, $0x3  }
0xd: {  	s15 =	sand.u32 @!p0 $0x7, s11;
	s13 =	sand.u32 @!p0 $0x10, s13;
	s14 =	sadd.s32 @!p0 s3, s14  }
0xe: {  	[tilespmem:s13], [sflag:$0x2] =	stream.linear.gather @!p0 [hbm4b:s14+s15], $0x10, $0x38;
	[tilespmem:$0x40] =	vst v63  }
0xf: {  	p0 =	seq.s32 s9, $0x0  }
0x10: {  	p1 =	sge.u32 @!p0 s10, s7  }
0x11: {  	p0 =	por p1, p0  }
0x12: {  	s13 =	simm.s32 @!p0 $0x2  }
0x13: {  	_ =	swait.ge @!p0 [sflag:s13], $0x10  }
0x14: {  	[sflag:s13] =	ssyncset.done @!p0 $0x0  }
0x15: {  	[sflag:s13] =	ssyncadd.s32 @!p0 $0xFFFFFFF0;
	s13 =	sand.u32 @!p0 $0x10, s9  }
0x16: {  	(ifvalue) =	ssetifvalue @!p0 $0x7FFFFFFF;
	v0 =	vld.msk @!p0 [tilespmem:s13+$0x0 ss:$0x1], $0xffff;
	_ =	sdelay $0x4  }
0x17: {  	vm0 =	vgt.s32 @!p0 v0, $0x0  }
0x18: {  	v0 =	vnsel @!p0 vm0, $0x0, v0  }
0x19: {  	v0 =	vmin.u32 @!p0 v0, $0x270F;
	_ =	sdelay $0x3  }
0x1a: {  	s14 =	simm.s32 @!p0 $0x0;
	s13 =	sor.u32 @!p0 $0x20, s13;
	(ifvalue) =	ssetifvalue @!p0 $0x7FFFFFFF;
	vm0 =	vmmov @!p0 $0xffff  }
0x1b: {  	[tilespmem:s13], [sflag:$0x1] =	stream.indirect_vreg.gather @!p0 [hbm4b:s2+s14], $0x1, v0, vm0, $0x4038;
	[tilespmem:$0x40] =	vst v63  }
0x1c: {  	s14 =	simm.s32 @!p0 $0x1  }
0x1d: {  	_ =	swait.ge @!p0 [sflag:s14], $0x10  }
0x1e: {  	s15 =	sshrl.u32 @!p0 s12, $0x3;
	[sflag:s14] =	ssyncset.done @!p0 $0x0  }
0x1f: {  	s12 =	sand.u32 @!p0 $0x7, s12;
	[sflag:s14] =	ssyncadd.s32 @!p0 $0xFFFFFFF0;
	s14 =	sadd.s32 @!p0 s5, s15  }
0x20: {  	[hbm4b:s14+s12] =	stream.linear.scatter @!p0 [tilespmem:s13], [sflag:$0x3], $0x10, $0x38;
	[tilespmem:$0x40] =	vst v63  }
0x21: {  	s14 =	sadd.s32 $0x100, s11  }
0x22: {  	s9 =	sadd.s32 $0x10, s9;
	p1 =	sgt.s32 s14, $0x1387  }
0x23: {  	s14 =	smov.u32 @p1 s4;
	p1 =	sne.s32 s8, s9  }
.Ltmp0:
0x24: {  	p0 =	slt.u32 s10, $0x2;
	(pc) =	sbr.rel @p1 .LBB2_1-.Ltmp0, $4  }
0x25: {  	s13 =	simm.s32 @!p0 $0x3  }
0x26: {  	_ =	swait.ge @!p0 [sflag:s13], $0x10  }
0x27: {  	s12 =	smov.u32 s11;
	[sflag:s13] =	ssyncset.done @!p0 $0x0  }
0x28: {  	s10 =	sadd.s32 $0x1, s10;
	s11 =	smov.u32 s14;
	[sflag:s13] =	ssyncadd.s32 @!p0 $0xFFFFFFF0  }
0x29: {  	_ =	sfence.sel $0x180000  }
0x2a: {  	s2 =	simm.s32 $0x2;
	[bflag:$0x0] =	sbarrier.arrive $0xFFFF  }
0x2b: {  	s30 =	simm.s32 $0x3;
	[sflag:s2] =	ssyncpa.u1 $0x1  }
0x2c: {  	s31 =	simm.s32 $0x1;
	[sflag:s30] =	ssyncpa.u1 $0x1  }
0x2d: {  	[sflag:s31] =	ssyncpa.u1 $0x1  }
0x2e: {  	p0 =	sne.s32 s1, $0x0;
	_ =	strace $0x90000047  }
0x2f: {  	s0 =	sadd.s32 @!p0 $0x100000, s0;
	[bflag:$0x2] =	sbarrier.arrive $0xFFFF  }
0x30: {  	[sflag:s0] =	ssyncadd.tile.s32 @!p0 $0x1;
	_ =	shalt  }
.Lfunc_end2:
_tile_overlayer_lowered:
.L_overlay_start_2:
0x31: {  	(tag) =	ssettag $0x2  }
0x32: {  	s0 =	rddreg [dreg:$0x0];
	s2 =	stileid.u32  }
0x33: {  	s1 =	rddreg [dreg:$0x1];
	p0 =	sne.s32 s2, $0x0  }
0x34: {  	s3 =	rddreg [dreg:$0x2];
	[bflag:$0x3] =	sbarrier.arrive $0xFFFF;
	s2 =	simm.s32 @!p0 $0x1C01  }
0x35: {  	[timem:s3], [sflag:s2] =	dma.local @!p0 [hbm:s0], s1  }
0x36: {  	s0 =	simm.s32 @!p0 $0x1  }
0x37: {  	_ =	swait.ge @!p0 [sflag:s0], s1  }
0x38: {  	s1 =	ssub.s32 @!p0 $0x0, s1;
	[sflag:s0] =	ssyncset.done @!p0 $0x0  }
0x39: {  	[sflag:s0] =	ssyncadd.s32 @!p0 s1  }
0x3a: {  	[bflag:$0x3] =	sbarrier.arrive $0xFFFF  }
0x3b: {  	_ =	shalt  }

// kernel: kernel.10.cloned.1.call-start
scs
__scs_entry_jumppad:
0x0: {  	(pc) =	sbr.rel $0x88, $3  }
0x1: {  	(tag) =	ssettag $0x0;
	lr =	simm.s32 $0x1  }
0x2: {  	[smem:$0x3F96] =	sst lr;
	_ =	strace $0xD0000000  }
0x3: {  	_ = 	snop  }
0x4: {  	_ = 	snop  }
0x5: {  	_ = 	snop  }
0x6: {  	_ = 	snop  }
0x7: {  	_ = 	snop  }
__scs_overlays_trampoline_lowered:
0x8: {  	[smem:$0x3FA5] =	sst s0  }
0x9: {  	[smem:$0x3FA6] =	sst s1  }
0xa: {  	[smem:$0x3FA7] =	sst s2  }
0xb: {  	[smem:$0x3FA8] =	sst s3  }
0xc: {  	[smem:$0x3FA9] =	sst s4  }
0xd: {  	[smem:$0x3FAA] =	sst s5  }
0xe: {  	[smem:$0x3FAB] =	sst s6  }
0xf: {  	[smem:$0x3FAC] =	sst s7  }
0x10: {  	[smem:$0x3FAD] =	sst s8  }
0x11: {  	[smem:$0x3FAE] =	sst s9;
	s0 =	simm.s32 @!p0 $0x0  }
0x12: {  	s1 =	sld [smem:$0x3F94];
	s0 =	simm.s32 @p0 $0x1  }
0x13: {  	[smem:$0x3FAF] =	sst s0;
	s0 =	simm.s32 @!p1 $0x0  }
0x14: {  	s2 =	sld [smem:$0x3F93];
	s0 =	simm.s32 @p1 $0x1  }
0x15: {  	[smem:$0x3FB0] =	sst s0;
	s0 =	simm.s32 @!p2 $0x0  }
0x16: {  	s3 =	sld [smem:$0x3FDB];
	s0 =	simm.s32 @p2 $0x1  }
0x17: {  	s4 =	simm.s32 $0x1BF5;
	[smem:$0x3FB2] =	sst s0  }
0x18: {  	s0 =	sld [smem:$0x3F95];
	_ =	swait.ge [sflag:s4], $0x0  }
0x19: {  	s7 =	sld [smem:$0x3F96]  }
0x1a: {  	s8 =	sadd.s32 $0xFFFFE003, lr  }
0x1b: {  	s9 =	sadd.s32 $0xFFFFFEF7, lr;
	s5 =	simm.s32 $0xFFFFFFFF;
	p2 =	slt.u32 s8, $0xFFFFF086  }
0x1c: {  	p1 =	slt.u32 s9, $0xF7A;
	s5 =	simm.s32 @!p2 $0x0  }
0x1d: {  	s5 =	simm.s32 @p1 $0x1;
	p0 =	seq.s32 s7, s2  }
0x1e: {  	s7 =	smul.u32 @!p0 $0xF7A, s2;
	p2 =	seq.s32 @!p0 s5, $0x0  }
0x1f: {  	s9 =	smul.u32 $0xF7A, s1;
	s8 =	simm.s32 @!p0 $0x1BF5;
	p2 =	por !p2, p0  }
0x20: {  	[sflag:s8] =	ssyncset.s32 @!p0 $0xFFFFF086;
	s6 =	sadd.s32 @!p0 s3, s7;
	s7 =	simm.s32 @!p0 $0x108  }
0x21: {  	s3 =	sadd.s32 s3, s9;
	s6 =	sadd.s32 @!p0 $0x88, s6;
	s7 =	simm.s32 @p2 $0x1082  }
0x22: {  	[simem:s7], [sflag:s8] =	dma.local @!p0 [hbm:s6], $0xF7A  }
0x23: {  	s9 =	sor.u32 $0xD0000000, s2;
	s6 =	simm.s32 $0x108;
	_ =	swait.ge @!p0 [sflag:s8], $0x0  }
0x24: {  	s3 =	sadd.s32 $0x88, s3;
	s6 =	simm.s32 @!p1 $0x1082;
	[sflag:s4] =	ssyncset.s32 $0xFFFFF086  }
0x25: {  	[simem:s6], [sflag:s4] =	dma.local [hbm:s3], $0xF7A  }
0x26: {  	[smem:$0x3F96] =	sst s1;
	(tag) =	ssettag s2;
	_ =	strace s9  }
0x27: {  	s1 =	sld [smem:$0x3FA6]  }
0x28: {  	s2 =	sld [smem:$0x3FA7]  }
0x29: {  	s4 =	sld [smem:$0x3FA9]  }
0x2a: {  	p0 =	seq.s32 s5, $0x0;
	s5 =	sld [smem:$0x3FAA]  }
0x2b: {  	s6 =	sld [smem:$0x3FAB]  }
0x2c: {  	s7 =	sld [smem:$0x3FAC]  }
0x2d: {  	s3 =	simm.s32 $0x108;
	s8 =	sld [smem:$0x3FAD]  }
0x2e: {  	s3 =	simm.s32 @!p0 $0x1082;
	s9 =	sld [smem:$0x3FAE]  }
0x2f: {  	lr =	sadd.s32 s0, s3;
	s0 =	sld [smem:$0x3FA5]  }
0x30: {  	s3 =	sld [smem:$0x3FA8]  }
0x31: {  	[smem:$0x3FB1] =	sst s10  }
0x32: {  	s10 =	sld [smem:$0x3FAF];
	_ =	sdelay $0x3  }
0x33: {  	p0 =	seq.s32 s10, $0x1;
	s10 =	sld [smem:$0x3FB1];
	_ =	sdelay $0x3  }
0x34: {  	[smem:$0x3FB1] =	sst s10  }
0x35: {  	s10 =	sld [smem:$0x3FB0];
	_ =	sdelay $0x3  }
0x36: {  	p1 =	seq.s32 s10, $0x1;
	s10 =	sld [smem:$0x3FB1];
	_ =	sdelay $0x3  }
0x37: {  	[smem:$0x3FB1] =	sst s10  }
0x38: {  	s10 =	sld [smem:$0x3FB2]  }
0x39: {  	_ = 	snop;
	(pc) =	sbr.ind lr, $3  }
0x3a: {  	_ = 	snop  }
0x3b: {  	_ = 	snop  }
0x3c: {  	p2 =	seq.s32 s10, $0x1;
	s10 =	sld [smem:$0x3FB1]  }
0x3d: {  	_ =	shalt  }
0x3e: {  	_ =	shalt  }
0x3f: {  	_ =	shalt  }
0x40: {  	_ =	shalt  }
0x41: {  	_ =	shalt  }
0x42: {  	_ =	shalt  }
0x43: {  	_ =	shalt  }
0x44: {  	_ =	shalt  }
0x45: {  	_ =	shalt  }
0x46: {  	_ =	shalt  }
0x47: {  	_ =	shalt  }
0x48: {  	_ =	shalt  }
0x49: {  	_ =	shalt  }
0x4a: {  	_ =	shalt  }
0x4b: {  	_ =	shalt  }
0x4c: {  	_ =	shalt  }
0x4d: {  	_ =	shalt  }
0x4e: {  	_ =	shalt  }
0x4f: {  	_ =	shalt  }
0x50: {  	_ =	shalt  }
0x51: {  	_ =	shalt  }
0x52: {  	_ =	shalt  }
0x53: {  	_ =	shalt  }
0x54: {  	_ =	shalt  }
0x55: {  	_ =	shalt  }
0x56: {  	_ =	shalt  }
0x57: {  	_ =	shalt  }
0x58: {  	_ =	shalt  }
0x59: {  	_ =	shalt  }
0x5a: {  	_ =	shalt  }
0x5b: {  	_ =	shalt  }
0x5c: {  	_ =	shalt  }
0x5d: {  	_ =	shalt  }
0x5e: {  	_ =	shalt  }
0x5f: {  	_ =	shalt  }
0x60: {  	_ =	shalt  }
0x61: {  	_ =	shalt  }
0x62: {  	_ =	shalt  }
0x63: {  	_ =	shalt  }
0x64: {  	_ =	shalt  }
0x65: {  	_ =	shalt  }
0x66: {  	_ =	shalt  }
0x67: {  	_ =	shalt  }
0x68: {  	_ =	shalt  }
0x69: {  	_ =	shalt  }
0x6a: {  	_ =	shalt  }
0x6b: {  	_ =	shalt  }
0x6c: {  	_ =	shalt  }
0x6d: {  	_ =	shalt  }
0x6e: {  	_ =	shalt  }
0x6f: {  	_ =	shalt  }
0x70: {  	_ =	shalt  }
0x71: {  	_ =	shalt  }
0x72: {  	_ =	shalt  }
0x73: {  	_ =	shalt  }
0x74: {  	_ =	shalt  }
0x75: {  	_ =	shalt  }
0x76: {  	_ =	shalt  }
0x77: {  	_ =	shalt  }
0x78: {  	_ =	shalt  }
0x79: {  	_ =	shalt  }
0x7a: {  	_ =	shalt  }
0x7b: {  	_ =	shalt  }
0x7c: {  	_ =	shalt  }
0x7d: {  	_ =	shalt  }
0x7e: {  	_ =	shalt  }
0x7f: {  	_ =	shalt  }
0x80: {  	_ =	shalt  }
0x81: {  	_ =	shalt  }
0x82: {  	_ =	shalt  }
0x83: {  	_ =	shalt  }
0x84: {  	_ =	shalt  }
0x85: {  	_ =	shalt  }
0x86: {  	_ =	shalt  }
0x87: {  	_ =	shalt  }
.Lfunc_end0:
.L_simem_size_0:
called_computation.1_lowered:
.L_overlay_start_0:
0x88: {  	s2 =	sld [smem:$0x3FD9]  }
0x89: {  	s3 =	sld [smem:$0x3FFE];
	_ =	sdelay $0x1  }
0x8a: {  	s1 =	srdreg.scid  }
0x8b: {  	s0 =	sand.u32 $0x1, s1  }
0x8c: {  	s17 =	sshll.u32 s0, $0xA;
	s2 =	sadd.s32 s3, s2  }
0x8d: {  	s2 =	sadd.s32 s2, s17  }
0x8e: {  	[smem:$0x3FBD] =	sst s2  }
0x8f: {  	_ = 	snop  }
0x90: {  	(tm) =	ssettm $0x1  }
0x91: {  	s18 =	sld [smem:$0x3FFB];
	_ =	sdelay $0x3  }
0x92: {  	_ =	strace s18  }
0x93: {  	s2 =	sld [smem:$0x3FFC];
	_ =	sdelay $0x3  }
0x94: {  	_ =	strace s2  }
0x95: {  	s2 =	sld [smem:$0x3FFD];
	_ =	sdelay $0x3  }
0x96: {  	_ =	strace s2  }
0x97: {  	_ =	strace $0x8FFFFFFF  }
0x98: {  	s19 =	sld [smem:$0x3FDB];
	_ =	sdelay $0x1  }
0x99: {  	s20 =	simm.s32 $_scs_section_size  }
0x9a: {  	s4 =	simm.s32 $_size__tile_overlayer_lowered;
	s5 =	simm.s32 $_tile_overlayer_lowered  }
0x9b: {  	s6 =	simm.s32 $0x1BFF;
	s21 =	sshll.u32 s5, $0x1;
	s3 =	sadd.s32 s20, s19  }
0x9c: {  	s22 =	simm.s32 $0x0;
	s4 =	sshll.u32 s4, $0x1;
	s5 =	sadd.s32 s21, s3  }
0x9d: {  	[timem:s22], [sflag:s6] =	dma.local [hbm:s5], s4  }
0x9e: {  	_ =	swait.ge [sflag:s6], s4  }
0x9f: {  	s4 =	ssub.s32 $0x0, s4;
	[sflag:s6] =	ssyncset.done $0x0  }
0xa0: {  	[sflag:s6] =	ssyncadd.s32 s4;
	_ =	sdelay $0x1  }
0xa1: {  	s23 =	simm.s32 $0x1B8B  }
0xa2: {  	_ =	swait.ge [sflag:s23], $0x1  }
0xa3: {  	[sflag:s23] =	ssyncset.done $0x0  }
0xa4: {  	[sflag:s23] =	ssyncadd.s32 $0xFFFFFFFF  }
0xa5: {  	s4 =	sld [smem:$0x0]  }
0xa6: {  	s5 =	sand.u32 $0xFFFFFFFE, s1  }
0xa7: {  	p0 =	sne.s32 s1, s5  }
0xa8: {  	s5 =	sshll.u32 @p0 s5, $0xE  }
0xa9: {  	s5 =	sadd.s32 @p0 $0x11B8D, s5;
	s6 =	sshll.u32 @p0 s4, $0x11  }
0xaa: {  	s5 =	sor.u32 @p0 s6, s5  }
0xab: {  	[sflag:s5] =	ssyncadd.remote.s32 @p0 $0x1;
	_ =	sdelay $0x1  }
0xac: {  	s5 =	simm.s32 @p0 $0x1B8D  }
0xad: {  	_ =	swait.eq @p0 [sflag:s5], $0x1  }
0xae: {  	[sflag:s5] =	ssyncadd.s32 @p0 $0xFFFFFFFF  }
0xaf: {  	s6 =	sshll.u32 @!p0 s1, $0xE  }
0xb0: {  	s6 =	sor.u32 @!p0 $0x4000, s6;
	s5 =	simm.s32 @!p0 $0x1B8D  }
0xb1: {  	s4 =	sshll.u32 @!p0 s4, $0x11;
	s6 =	sadd.s32 @!p0 $0x11B8D, s6;
	_ =	swait.eq @!p0 [sflag:s5], $0x1  }
0xb2: {  	s4 =	sor.u32 @!p0 s4, s6;
	[sflag:s5] =	ssyncadd.s32 @!p0 $0xFFFFFFFF  }
0xb3: {  	s25 =	simm.s32 $0x1B8E;
	s24 =	sld [smem:$0x3FFE];
	[sflag:s4] =	ssyncadd.remote.s32 @!p0 $0x1  }
0xb4: {  	s26 =	simm.s32 $execute0_lowered;
	[smem:$0x3FD2] =	sst s25  }
0xb5: {  	s5 =	sshll.u32 s26, $0x1;
	_ =	strace $0x80000049;
	[dreg:$0x1] =	wrdreg $0xFFFFFFFF  }
0xb6: {  	s28 =	simm.s32 $_size_execute0_lowered;
	s3 =	sadd.s32 s3, s5;
	[dreg:$0x0] =	wrdreg $0x0  }
0xb7: {  	s5 =	sshll.u32 s28, $0x1;
	[dreg:$0x2] =	wrdreg s3  }
0xb8: {  	[dreg:$0x3] =	wrdreg s5  }
0xb9: {  	[dreg:$0x4] =	wrdreg $0xC0  }
0xba: {  	_ =	task [dreg:s22], $0x5FFFF  }
0xbb: {  	[dreg:$0x1] =	wrdreg $0xFFFFFFFF  }
0xbc: {  	[dreg:$0x0] =	wrdreg $0x60  }
0xbd: {  	[dreg:$0x2] =	wrdreg s24  }
0xbe: {  	[dreg:$0x3] =	wrdreg $0xA  }
0xbf: {  	_ =	task.clear_ibuf [dreg:s22], $0x4FFFF;
	_ =	strace $0x90000049  }
0xc0: {  	s29 =	simm.s32 $0xA;
	_ =	strace $0x8000004B  }
0xc1: {  	_ =	swait.ge [sflag:s29], $0x1  }
0xc2: {  	[sflag:s29] =	ssyncadd.s32 $0xFFFFFFFF  }
0xc3: {  	_ =	strace $0x9000004B  }
0xc4: {  	_ =	sfence  }
0xc5: {  	s30 =	sld [smem:$0x0];
	_ =	sdelay $0x2  }
0xc6: {  	s31 =	sshll.u32 s1, $0xD;
	s1 =	sshrl.u32 s1, $0x2  }
0xc7: {  	s4 =	sand.u32 $0x4000, s31;
	s1 =	sadd.s32 s1, s30  }
0xc8: {  	s0 =	sor.u32 s4, s0;
	s1 =	sshll.u32 s1, $0x11  }
0xc9: {  	s0 =	sor.u32 s1, s0  }
0xca: {  	s0 =	sadd.s32 $0x8F2B, s0  }
0xcb: {  	[sflag:s0] =	ssyncadd.remote.s32 $0x1  }
0xcc: {  	_ =	sfence.sel $0xFFFF  }
0xcd: {  	[dreg:$0x0] =	wrdreg $0xFFFFFFFF;
	(pc) =	sbr.abs _section_cstart, $3  }
0xce: {  	[dreg:$0x1] =	wrdreg $0xFFFFFFFF  }
0xcf: {  	_ =	task.clear_ibuf [dreg:s22], $0x2FFFF;
	_ =	strace $0x9FFFFFFF  }
0xd0: {  	(tm) =	ssettm $0x7FFFFFFF  }
0xd1: {  	_ =	shalt  }
tec
execute0_lowered:
.L_overlay_start_1:
0x0: {  	(tag) =	ssettag $0x1  }
0x1: {  	s4 =	rddreg [dreg:$0x0]  }
0x2: {  	s0 =	rddreg [dreg:$0x1];
	s2 =	simm.s32 $0x0;
	s1 =	stileid.u32  }
0x3: {  	s3 =	srdreg.scid;
	s10 =	simm.s32 $0x0;
	s6 =	smul.u32 $0x1400, s1  }
0x4: {  	[smem:$0x7FF] =	sst s2;
	s5 =	sand.u32 $0x1, s3;
	s8 =	smul.u32 $0x14000, s1  }
0x5: {  	s3 =	sadd.s32 $0x2E00, s4;
	s7 =	smul.u32 $0xA00, s5;
	s9 =	ssub.s32 $0x2, s5  }
0x6: {  	_ =	strace $0x8000004A;
	s5 =	smul.u32 $0xA000, s5;
	s31 =	sshrl.u32 s9, $0x1  }
0x7: {  	s8 =	sadd.s32 s8, s4;
	s6 =	sadd.s32 s7, s6;
	s7 =	ssub.s32 s9, s31  }
0x8: {  	s5 =	sadd.s32 s5, s8;
	s8 =	simm.s32 $0x80;
	s6 =	sshrl.u32 s6, $0x3  }
0x9: {  	s9 =	simm.s32 $0x1;
	s5 =	sadd.s32 $0x1F8400, s5;
	s6 =	sadd.s32 s6, s4  }
0xa: {  	s4 =	smax.u32 s7, $0x1;
	s7 =	simm.s32 $0x2;
	s6 =	sadd.s32 $0x1F5C00, s6  }
.LBB2_1:
0xb: {  	s11 =	sadd.s32 $0x0, s6  }
0xc: {  	[tilespmem:s2], [sflag:$0x2] =	stream.linear.gather [hbm4b:s11+s2], $0x80, $0x38;
	[tilespmem:$0x4080] =	vst v63  }
0xd: {  	_ =	swait.ge [sflag:s7], $0x80  }
0xe: {  	[sflag:s7] =	ssyncset.done $0x0  }
0xf: {  	[sflag:s7] =	ssyncadd.s32 $0xFFFFFF80  }
0x10: {  	[tilespmem:s8], [sflag:$0x1] =	stream.indirect.gather [hbm4b:s3+s8], $0x80, s2, s8, $0xb8;
	[tilespmem:$0x4080] =	vst v63  }
0x11: {  	_ =	swait.ge [sflag:s9], $0x4000  }
0x12: {  	[sflag:s9] =	ssyncset.done $0x0  }
0x13: {  	[sflag:s9] =	ssyncadd.s32 $0xFFFFC000  }
0x14: {  	[hbm4b:s5+s2] =	stream.linear.scatter [tilespmem:s8], [sflag:$0x2], $0x4000, $0x38;
	[tilespmem:$0x4080] =	vst v63  }
0x15: {  	s12 =	simm.s32 $0x10;
	_ =	swait.ge [sflag:s7], $0x4000  }
0x16: {  	s13 =	simm.s32 $0x20;
	s11 =	sadd.s32 $0x800, s5;
	[sflag:s7] =	ssyncset.done $0x0  }
.LBB2_2:
0x17: {  	s14 =	sadd.s32 s12, s6  }
0x18: {  	[sflag:s7] =	ssyncadd.s32 $0xFFFFC000;
	s12 =	smov.u32 s13;
	s15 =	sadd.s32 $0x10, s13  }
0x19: {  	[tilespmem:s2], [sflag:$0x2] =	stream.linear.gather [hbm4b:s14+s2], $0x80, $0x38;
	[tilespmem:$0x4080] =	vst v63  }
0x1a: {  	p0 =	sne.s32 s13, $0x130;
	_ =	swait.ge [sflag:s7], $0x80  }
0x1b: {  	[sflag:s7] =	ssyncset.done $0x0  }
0x1c: {  	[sflag:s7] =	ssyncadd.s32 $0xFFFFFF80  }
0x1d: {  	[tilespmem:s8], [sflag:$0x1] =	stream.indirect.gather [hbm4b:s3+s8], $0x80, s2, s8, $0xb8;
	[tilespmem:$0x4080] =	vst v63  }
0x1e: {  	_ =	swait.ge [sflag:s9], $0x4000  }
.Ltmp0:
0x1f: {  	[sflag:s9] =	ssyncset.done $0x0;
	(pc) =	sbr.rel @p0 .LBB2_2-.Ltmp0, $4  }
0x20: {  	[sflag:s9] =	ssyncadd.s32 $0xFFFFC000  }
0x21: {  	[hbm4b:s11+s2] =	stream.linear.scatter [tilespmem:s8], [sflag:$0x2], $0x4000, $0x38;
	[tilespmem:$0x4080] =	vst v63  }
0x22: {  	_ =	swait.ge [sflag:s7], $0x4000  }
0x23: {  	s13 =	smov.u32 s15;
	s11 =	sadd.s32 $0x800, s11;
	[sflag:s7] =	ssyncset.done $0x0  }
0x24: {  	s12 =	sadd.s32 s12, s6;
	[sflag:s7] =	ssyncadd.s32 $0xFFFFC000  }
0x25: {  	[tilespmem:s2], [sflag:$0x2] =	stream.linear.gather [hbm4b:s12+s2], $0x80, $0x38;
	[tilespmem:$0x4080] =	vst v63  }
0x26: {  	_ =	swait.ge [sflag:s7], $0x80  }
0x27: {  	[sflag:s7] =	ssyncset.done $0x0  }
0x28: {  	[sflag:s7] =	ssyncadd.s32 $0xFFFFFF80  }
0x29: {  	[tilespmem:s8], [sflag:$0x1] =	stream.indirect.gather [hbm4b:s3+s8], $0x80, s2, s8, $0xb8;
	[tilespmem:$0x4080] =	vst v63  }
0x2a: {  	s10 =	sadd.s32 $0x1, s10;
	_ =	swait.ge [sflag:s9], $0x4000  }
0x2b: {  	p0 =	sne.s32 s10, s4;
	[sflag:s9] =	ssyncset.done $0x0  }
.Ltmp1:
0x2c: {  	[sflag:s9] =	ssyncadd.s32 $0xFFFFC000;
	(pc) =	sbr.rel @p0 .LBB2_1-.Ltmp1, $4  }
0x2d: {  	[hbm4b:s11+s2] =	stream.linear.scatter [tilespmem:s8], [sflag:$0x2], $0x4000, $0x38;
	[tilespmem:$0x4080] =	vst v63  }
0x2e: {  	_ =	swait.ge [sflag:s7], $0x4000  }
0x2f: {  	[sflag:s7] =	ssyncset.done $0x0  }
0x30: {  	[sflag:s7] =	ssyncadd.s32 $0xFFFFC000  }
0x31: {  	_ =	sfence.sel $0x180000  }
0x32: {  	[bflag:$0x0] =	sbarrier.arrive $0xFFFF  }
0x33: {  	p0 =	sne.s32 s1, $0x0;
	_ =	strace $0x9000004A  }
0x34: {  	s0 =	sadd.s32 @!p0 $0x100000, s0;
	[bflag:$0x2] =	sbarrier.arrive $0xFFFF  }
0x35: {  	[sflag:s0] =	ssyncadd.tile.s32 @!p0 $0x1;
	_ =	shalt  }
.Lfunc_end2:
_tile_overlayer_lowered:
.L_overlay_start_2:
0x36: {  	(tag) =	ssettag $0x2  }
0x37: {  	s0 =	rddreg [dreg:$0x0];
	s2 =	stileid.u32  }
0x38: {  	s1 =	rddreg [dreg:$0x1];
	p0 =	sne.s32 s2, $0x0  }
0x39: {  	s3 =	rddreg [dreg:$0x2];
	[bflag:$0x3] =	sbarrier.arrive $0xFFFF;
	s2 =	simm.s32 @!p0 $0x1C02  }
0x3a: {  	[timem:s3], [sflag:s2] =	dma.local @!p0 [hbm:s0], s1  }
0x3b: {  	s0 =	simm.s32 @!p0 $0x2  }
0x3c: {  	_ =	swait.ge @!p0 [sflag:s0], s1  }
0x3d: {  	s1 =	ssub.s32 @!p0 $0x0, s1;
	[sflag:s0] =	ssyncset.done @!p0 $0x0  }
0x3e: {  	[sflag:s0] =	ssyncadd.s32 @!p0 s1  }
0x3f: {  	[bflag:$0x3] =	sbarrier.arrive $0xFFFF  }
0x40: {  	_ =	shalt  }

// kernel: kernel.13.cloned.1.call-start
scs
__scs_entry_jumppad:
0x0: {  	(pc) =	sbr.rel $0x88, $3  }
0x1: {  	(tag) =	ssettag $0x0;
	lr =	simm.s32 $0x1  }
0x2: {  	[smem:$0x3F96] =	sst lr;
	_ =	strace $0xD0000000  }
0x3: {  	_ = 	snop  }
0x4: {  	_ = 	snop  }
0x5: {  	_ = 	snop  }
0x6: {  	_ = 	snop  }
0x7: {  	_ = 	snop  }
__scs_overlays_trampoline_lowered:
0x8: {  	[smem:$0x3FA5] =	sst s0  }
0x9: {  	[smem:$0x3FA6] =	sst s1  }
0xa: {  	[smem:$0x3FA7] =	sst s2  }
0xb: {  	[smem:$0x3FA8] =	sst s3  }
0xc: {  	[smem:$0x3FA9] =	sst s4  }
0xd: {  	[smem:$0x3FAA] =	sst s5  }
0xe: {  	[smem:$0x3FAB] =	sst s6  }
0xf: {  	[smem:$0x3FAC] =	sst s7  }
0x10: {  	[smem:$0x3FAD] =	sst s8  }
0x11: {  	[smem:$0x3FAE] =	sst s9;
	s0 =	simm.s32 @!p0 $0x0  }
0x12: {  	s1 =	sld [smem:$0x3F94];
	s0 =	simm.s32 @p0 $0x1  }
0x13: {  	[smem:$0x3FAF] =	sst s0;
	s0 =	simm.s32 @!p1 $0x0  }
0x14: {  	s2 =	sld [smem:$0x3F93];
	s0 =	simm.s32 @p1 $0x1  }
0x15: {  	[smem:$0x3FB0] =	sst s0;
	s0 =	simm.s32 @!p2 $0x0  }
0x16: {  	s3 =	sld [smem:$0x3FDB];
	s0 =	simm.s32 @p2 $0x1  }
0x17: {  	s4 =	simm.s32 $0x1BF5;
	[smem:$0x3FB2] =	sst s0  }
0x18: {  	s0 =	sld [smem:$0x3F95];
	_ =	swait.ge [sflag:s4], $0x0  }
0x19: {  	s7 =	sld [smem:$0x3F96]  }
0x1a: {  	s8 =	sadd.s32 $0xFFFFE003, lr  }
0x1b: {  	s9 =	sadd.s32 $0xFFFFFEF7, lr;
	s5 =	simm.s32 $0xFFFFFFFF;
	p2 =	slt.u32 s8, $0xFFFFF086  }
0x1c: {  	p1 =	slt.u32 s9, $0xF7A;
	s5 =	simm.s32 @!p2 $0x0  }
0x1d: {  	s5 =	simm.s32 @p1 $0x1;
	p0 =	seq.s32 s7, s2  }
0x1e: {  	s7 =	smul.u32 @!p0 $0xF7A, s2;
	p2 =	seq.s32 @!p0 s5, $0x0  }
0x1f: {  	s9 =	smul.u32 $0xF7A, s1;
	s8 =	simm.s32 @!p0 $0x1BF5;
	p2 =	por !p2, p0  }
0x20: {  	[sflag:s8] =	ssyncset.s32 @!p0 $0xFFFFF086;
	s6 =	sadd.s32 @!p0 s3, s7;
	s7 =	simm.s32 @!p0 $0x108  }
0x21: {  	s3 =	sadd.s32 s3, s9;
	s6 =	sadd.s32 @!p0 $0x88, s6;
	s7 =	simm.s32 @p2 $0x1082  }
0x22: {  	[simem:s7], [sflag:s8] =	dma.local @!p0 [hbm:s6], $0xF7A  }
0x23: {  	s9 =	sor.u32 $0xD0000000, s2;
	s6 =	simm.s32 $0x108;
	_ =	swait.ge @!p0 [sflag:s8], $0x0  }
0x24: {  	s3 =	sadd.s32 $0x88, s3;
	s6 =	simm.s32 @!p1 $0x1082;
	[sflag:s4] =	ssyncset.s32 $0xFFFFF086  }
0x25: {  	[simem:s6], [sflag:s4] =	dma.local [hbm:s3], $0xF7A  }
0x26: {  	[smem:$0x3F96] =	sst s1;
	(tag) =	ssettag s2;
	_ =	strace s9  }
0x27: {  	s1 =	sld [smem:$0x3FA6]  }
0x28: {  	s2 =	sld [smem:$0x3FA7]  }
0x29: {  	s4 =	sld [smem:$0x3FA9]  }
0x2a: {  	p0 =	seq.s32 s5, $0x0;
	s5 =	sld [smem:$0x3FAA]  }
0x2b: {  	s6 =	sld [smem:$0x3FAB]  }
0x2c: {  	s7 =	sld [smem:$0x3FAC]  }
0x2d: {  	s3 =	simm.s32 $0x108;
	s8 =	sld [smem:$0x3FAD]  }
0x2e: {  	s3 =	simm.s32 @!p0 $0x1082;
	s9 =	sld [smem:$0x3FAE]  }
0x2f: {  	lr =	sadd.s32 s0, s3;
	s0 =	sld [smem:$0x3FA5]  }
0x30: {  	s3 =	sld [smem:$0x3FA8]  }
0x31: {  	[smem:$0x3FB1] =	sst s10  }
0x32: {  	s10 =	sld [smem:$0x3FAF];
	_ =	sdelay $0x3  }
0x33: {  	p0 =	seq.s32 s10, $0x1;
	s10 =	sld [smem:$0x3FB1];
	_ =	sdelay $0x3  }
0x34: {  	[smem:$0x3FB1] =	sst s10  }
0x35: {  	s10 =	sld [smem:$0x3FB0];
	_ =	sdelay $0x3  }
0x36: {  	p1 =	seq.s32 s10, $0x1;
	s10 =	sld [smem:$0x3FB1];
	_ =	sdelay $0x3  }
0x37: {  	[smem:$0x3FB1] =	sst s10  }
0x38: {  	s10 =	sld [smem:$0x3FB2]  }
0x39: {  	_ = 	snop;
	(pc) =	sbr.ind lr, $3  }
0x3a: {  	_ = 	snop  }
0x3b: {  	_ = 	snop  }
0x3c: {  	p2 =	seq.s32 s10, $0x1;
	s10 =	sld [smem:$0x3FB1]  }
0x3d: {  	_ =	shalt  }
0x3e: {  	_ =	shalt  }
0x3f: {  	_ =	shalt  }
0x40: {  	_ =	shalt  }
0x41: {  	_ =	shalt  }
0x42: {  	_ =	shalt  }
0x43: {  	_ =	shalt  }
0x44: {  	_ =	shalt  }
0x45: {  	_ =	shalt  }
0x46: {  	_ =	shalt  }
0x47: {  	_ =	shalt  }
0x48: {  	_ =	shalt  }
0x49: {  	_ =	shalt  }
0x4a: {  	_ =	shalt  }
0x4b: {  	_ =	shalt  }
0x4c: {  	_ =	shalt  }
0x4d: {  	_ =	shalt  }
0x4e: {  	_ =	shalt  }
0x4f: {  	_ =	shalt  }
0x50: {  	_ =	shalt  }
0x51: {  	_ =	shalt  }
0x52: {  	_ =	shalt  }
0x53: {  	_ =	shalt  }
0x54: {  	_ =	shalt  }
0x55: {  	_ =	shalt  }
0x56: {  	_ =	shalt  }
0x57: {  	_ =	shalt  }
0x58: {  	_ =	shalt  }
0x59: {  	_ =	shalt  }
0x5a: {  	_ =	shalt  }
0x5b: {  	_ =	shalt  }
0x5c: {  	_ =	shalt  }
0x5d: {  	_ =	shalt  }
0x5e: {  	_ =	shalt  }
0x5f: {  	_ =	shalt  }
0x60: {  	_ =	shalt  }
0x61: {  	_ =	shalt  }
0x62: {  	_ =	shalt  }
0x63: {  	_ =	shalt  }
0x64: {  	_ =	shalt  }
0x65: {  	_ =	shalt  }
0x66: {  	_ =	shalt  }
0x67: {  	_ =	shalt  }
0x68: {  	_ =	shalt  }
0x69: {  	_ =	shalt  }
0x6a: {  	_ =	shalt  }
0x6b: {  	_ =	shalt  }
0x6c: {  	_ =	shalt  }
0x6d: {  	_ =	shalt  }
0x6e: {  	_ =	shalt  }
0x6f: {  	_ =	shalt  }
0x70: {  	_ =	shalt  }
0x71: {  	_ =	shalt  }
0x72: {  	_ =	shalt  }
0x73: {  	_ =	shalt  }
0x74: {  	_ =	shalt  }
0x75: {  	_ =	shalt  }
0x76: {  	_ =	shalt  }
0x77: {  	_ =	shalt  }
0x78: {  	_ =	shalt  }
0x79: {  	_ =	shalt  }
0x7a: {  	_ =	shalt  }
0x7b: {  	_ =	shalt  }
0x7c: {  	_ =	shalt  }
0x7d: {  	_ =	shalt  }
0x7e: {  	_ =	shalt  }
0x7f: {  	_ =	shalt  }
0x80: {  	_ =	shalt  }
0x81: {  	_ =	shalt  }
0x82: {  	_ =	shalt  }
0x83: {  	_ =	shalt  }
0x84: {  	_ =	shalt  }
0x85: {  	_ =	shalt  }
0x86: {  	_ =	shalt  }
0x87: {  	_ =	shalt  }
.Lfunc_end0:
.L_simem_size_0:
called_computation.2_lowered:
.L_overlay_start_0:
0x88: {  	s2 =	sld [smem:$0x3FD9]  }
0x89: {  	s3 =	sld [smem:$0x3FFE];
	_ =	sdelay $0x1  }
0x8a: {  	s1 =	srdreg.scid  }
0x8b: {  	s0 =	sand.u32 $0x1, s1  }
0x8c: {  	s17 =	sshll.u32 s0, $0xA;
	s2 =	sadd.s32 s3, s2  }
0x8d: {  	s2 =	sadd.s32 s2, s17  }
0x8e: {  	[smem:$0x3FBD] =	sst s2  }
0x8f: {  	_ = 	snop  }
0x90: {  	(tm) =	ssettm $0x1  }
0x91: {  	s18 =	sld [smem:$0x3FFB];
	_ =	sdelay $0x3  }
0x92: {  	_ =	strace s18  }
0x93: {  	s2 =	sld [smem:$0x3FFC];
	_ =	sdelay $0x3  }
0x94: {  	_ =	strace s2  }
0x95: {  	s2 =	sld [smem:$0x3FFD];
	_ =	sdelay $0x3  }
0x96: {  	_ =	strace s2  }
0x97: {  	_ =	strace $0x8FFFFFFF  }
0x98: {  	s19 =	sld [smem:$0x3FDB];
	_ =	sdelay $0x1  }
0x99: {  	s20 =	simm.s32 $_scs_section_size  }
0x9a: {  	s4 =	simm.s32 $_size__tile_overlayer_lowered;
	s5 =	simm.s32 $_tile_overlayer_lowered  }
0x9b: {  	s6 =	simm.s32 $0x1BFF;
	s21 =	sshll.u32 s5, $0x1;
	s3 =	sadd.s32 s20, s19  }
0x9c: {  	s22 =	simm.s32 $0x0;
	s4 =	sshll.u32 s4, $0x1;
	s5 =	sadd.s32 s21, s3  }
0x9d: {  	[timem:s22], [sflag:s6] =	dma.local [hbm:s5], s4  }
0x9e: {  	_ =	swait.ge [sflag:s6], s4  }
0x9f: {  	s4 =	ssub.s32 $0x0, s4;
	[sflag:s6] =	ssyncset.done $0x0  }
0xa0: {  	[sflag:s6] =	ssyncadd.s32 s4;
	_ =	sdelay $0x1  }
0xa1: {  	s23 =	simm.s32 $0x1B8B  }
0xa2: {  	_ =	swait.ge [sflag:s23], $0x1  }
0xa3: {  	[sflag:s23] =	ssyncset.done $0x0  }
0xa4: {  	[sflag:s23] =	ssyncadd.s32 $0xFFFFFFFF  }
0xa5: {  	s4 =	sld [smem:$0x0]  }
0xa6: {  	s5 =	sand.u32 $0xFFFFFFFE, s1  }
0xa7: {  	p0 =	sne.s32 s1, s5  }
0xa8: {  	s5 =	sshll.u32 @p0 s5, $0xE  }
0xa9: {  	s5 =	sadd.s32 @p0 $0x11B8D, s5;
	s6 =	sshll.u32 @p0 s4, $0x11  }
0xaa: {  	s5 =	sor.u32 @p0 s6, s5  }
0xab: {  	[sflag:s5] =	ssyncadd.remote.s32 @p0 $0x1;
	_ =	sdelay $0x1  }
0xac: {  	s5 =	simm.s32 @p0 $0x1B8D  }
0xad: {  	_ =	swait.eq @p0 [sflag:s5], $0x1  }
0xae: {  	[sflag:s5] =	ssyncadd.s32 @p0 $0xFFFFFFFF  }
0xaf: {  	s6 =	sshll.u32 @!p0 s1, $0xE  }
0xb0: {  	s6 =	sor.u32 @!p0 $0x4000, s6;
	s5 =	simm.s32 @!p0 $0x1B8D  }
0xb1: {  	s4 =	sshll.u32 @!p0 s4, $0x11;
	s6 =	sadd.s32 @!p0 $0x11B8D, s6;
	_ =	swait.eq @!p0 [sflag:s5], $0x1  }
0xb2: {  	s4 =	sor.u32 @!p0 s4, s6;
	[sflag:s5] =	ssyncadd.s32 @!p0 $0xFFFFFFFF  }
0xb3: {  	s25 =	simm.s32 $0x1B8E;
	s24 =	sld [smem:$0x3FFE];
	[sflag:s4] =	ssyncadd.remote.s32 @!p0 $0x1  }
0xb4: {  	s26 =	simm.s32 $execute0_lowered;
	[smem:$0x3FD2] =	sst s25  }
0xb5: {  	s5 =	sshll.u32 s26, $0x1;
	_ =	strace $0x8000004C;
	[dreg:$0x1] =	wrdreg $0xFFFFFFFF  }
0xb6: {  	s28 =	simm.s32 $_size_execute0_lowered;
	s3 =	sadd.s32 s3, s5;
	[dreg:$0x0] =	wrdreg $0x0  }
0xb7: {  	s5 =	sshll.u32 s28, $0x1;
	[dreg:$0x2] =	wrdreg s3  }
0xb8: {  	[dreg:$0x3] =	wrdreg s5  }
0xb9: {  	[dreg:$0x4] =	wrdreg $0xC0  }
0xba: {  	_ =	task [dreg:s22], $0x5FFFF  }
0xbb: {  	[dreg:$0x1] =	wrdreg $0xFFFFFFFF  }
0xbc: {  	[dreg:$0x0] =	wrdreg $0x60  }
0xbd: {  	[dreg:$0x2] =	wrdreg s24  }
0xbe: {  	[dreg:$0x3] =	wrdreg $0xB  }
0xbf: {  	_ =	task.clear_ibuf [dreg:s22], $0x4FFFF;
	_ =	strace $0x9000004C  }
0xc0: {  	s29 =	simm.s32 $0xB;
	_ =	strace $0x8000004E  }
0xc1: {  	_ =	swait.ge [sflag:s29], $0x1  }
0xc2: {  	[sflag:s29] =	ssyncadd.s32 $0xFFFFFFFF  }
0xc3: {  	_ =	strace $0x9000004E  }
0xc4: {  	_ =	sfence  }
0xc5: {  	s30 =	sld [smem:$0x0];
	_ =	sdelay $0x2  }
0xc6: {  	s31 =	sshll.u32 s1, $0xD;
	s1 =	sshrl.u32 s1, $0x2  }
0xc7: {  	s4 =	sand.u32 $0x4000, s31;
	s1 =	sadd.s32 s1, s30  }
0xc8: {  	s0 =	sor.u32 s4, s0;
	s1 =	sshll.u32 s1, $0x11  }
0xc9: {  	s0 =	sor.u32 s1, s0  }
0xca: {  	s0 =	sadd.s32 $0x8F2B, s0  }
0xcb: {  	[sflag:s0] =	ssyncadd.remote.s32 $0x1  }
0xcc: {  	_ =	sfence.sel $0xFFFF  }
0xcd: {  	[dreg:$0x0] =	wrdreg $0xFFFFFFFF;
	(pc) =	sbr.abs _section_cstart, $3  }
0xce: {  	[dreg:$0x1] =	wrdreg $0xFFFFFFFF  }
0xcf: {  	_ =	task.clear_ibuf [dreg:s22], $0x2FFFF;
	_ =	strace $0x9FFFFFFF  }
0xd0: {  	(tm) =	ssettm $0x7FFFFFFF  }
0xd1: {  	_ =	shalt  }
tec
execute0_lowered:
.L_overlay_start_1:
0x0: {  	(tag) =	ssettag $0x1  }
0x1: {  	s4 =	rddreg [dreg:$0x0]  }
0x2: {  	s0 =	rddreg [dreg:$0x1];
	s2 =	simm.s32 $0x0;
	s1 =	stileid.u32  }
0x3: {  	s3 =	srdreg.scid;
	s10 =	simm.s32 $0x0;
	s6 =	smul.u32 $0x2800, s1  }
0x4: {  	[smem:$0x7FF] =	sst s2;
	s5 =	sand.u32 $0x1, s3;
	s8 =	smul.u32 $0x28000, s1  }
0x5: {  	s3 =	sadd.s32 $0x2E00, s4;
	s7 =	smul.u32 $0x1400, s5;
	s9 =	ssub.s32 $0x2, s5  }
0x6: {  	_ =	strace $0x8000004D;
	s5 =	smul.u32 $0x14000, s5;
	s31 =	sshrl.u32 s9, $0x1  }
0x7: {  	s8 =	sadd.s32 s8, s4;
	s6 =	sadd.s32 s7, s6;
	s7 =	ssub.s32 s9, s31  }
0x8: {  	s5 =	sadd.s32 s5, s8;
	s8 =	simm.s32 $0x80;
	s6 =	sshrl.u32 s6, $0x3  }
0x9: {  	s9 =	simm.s32 $0x1;
	s5 =	sadd.s32 $0x5B8400, s5;
	s6 =	sadd.s32 s6, s4  }
0xa: {  	s4 =	smax.u32 s7, $0x1;
	s7 =	simm.s32 $0x2;
	s6 =	sadd.s32 $0x2B200, s6  }
.LBB2_1:
0xb: {  	s11 =	sadd.s32 $0x0, s6  }
0xc: {  	[tilespmem:s2], [sflag:$0x2] =	stream.linear.gather [hbm4b:s11+s2], $0x80, $0x38;
	[tilespmem:$0x4080] =	vst v63  }
0xd: {  	_ =	swait.ge [sflag:s7], $0x80  }
0xe: {  	[sflag:s7] =	ssyncset.done $0x0  }
0xf: {  	[sflag:s7] =	ssyncadd.s32 $0xFFFFFF80  }
0x10: {  	[tilespmem:s8], [sflag:$0x1] =	stream.indirect.gather [hbm4b:s3+s8], $0x80, s2, s8, $0xb8;
	[tilespmem:$0x4080] =	vst v63  }
0x11: {  	_ =	swait.ge [sflag:s9], $0x4000  }
0x12: {  	[sflag:s9] =	ssyncset.done $0x0  }
0x13: {  	[sflag:s9] =	ssyncadd.s32 $0xFFFFC000  }
0x14: {  	[hbm4b:s5+s2] =	stream.linear.scatter [tilespmem:s8], [sflag:$0x2], $0x4000, $0x38;
	[tilespmem:$0x4080] =	vst v63  }
0x15: {  	s12 =	simm.s32 $0x10;
	_ =	swait.ge [sflag:s7], $0x4000  }
0x16: {  	s13 =	simm.s32 $0x20;
	s11 =	sadd.s32 $0x800, s5;
	[sflag:s7] =	ssyncset.done $0x0  }
.LBB2_2:
0x17: {  	s14 =	sadd.s32 s12, s6  }
0x18: {  	[sflag:s7] =	ssyncadd.s32 $0xFFFFC000;
	s12 =	smov.u32 s13;
	s15 =	sadd.s32 $0x10, s13  }
0x19: {  	[tilespmem:s2], [sflag:$0x2] =	stream.linear.gather [hbm4b:s14+s2], $0x80, $0x38;
	[tilespmem:$0x4080] =	vst v63  }
0x1a: {  	p0 =	sne.s32 s13, $0x270;
	_ =	swait.ge [sflag:s7], $0x80  }
0x1b: {  	[sflag:s7] =	ssyncset.done $0x0  }
0x1c: {  	[sflag:s7] =	ssyncadd.s32 $0xFFFFFF80  }
0x1d: {  	[tilespmem:s8], [sflag:$0x1] =	stream.indirect.gather [hbm4b:s3+s8], $0x80, s2, s8, $0xb8;
	[tilespmem:$0x4080] =	vst v63  }
0x1e: {  	_ =	swait.ge [sflag:s9], $0x4000  }
.Ltmp0:
0x1f: {  	[sflag:s9] =	ssyncset.done $0x0;
	(pc) =	sbr.rel @p0 .LBB2_2-.Ltmp0, $4  }
0x20: {  	[sflag:s9] =	ssyncadd.s32 $0xFFFFC000  }
0x21: {  	[hbm4b:s11+s2] =	stream.linear.scatter [tilespmem:s8], [sflag:$0x2], $0x4000, $0x38;
	[tilespmem:$0x4080] =	vst v63  }
0x22: {  	_ =	swait.ge [sflag:s7], $0x4000  }
0x23: {  	s13 =	smov.u32 s15;
	s11 =	sadd.s32 $0x800, s11;
	[sflag:s7] =	ssyncset.done $0x0  }
0x24: {  	s12 =	sadd.s32 s12, s6;
	[sflag:s7] =	ssyncadd.s32 $0xFFFFC000  }
0x25: {  	[tilespmem:s2], [sflag:$0x2] =	stream.linear.gather [hbm4b:s12+s2], $0x80, $0x38;
	[tilespmem:$0x4080] =	vst v63  }
0x26: {  	_ =	swait.ge [sflag:s7], $0x80  }
0x27: {  	[sflag:s7] =	ssyncset.done $0x0  }
0x28: {  	[sflag:s7] =	ssyncadd.s32 $0xFFFFFF80  }
0x29: {  	[tilespmem:s8], [sflag:$0x1] =	stream.indirect.gather [hbm4b:s3+s8], $0x80, s2, s8, $0xb8;
	[tilespmem:$0x4080] =	vst v63  }
0x2a: {  	s10 =	sadd.s32 $0x1, s10;
	_ =	swait.ge [sflag:s9], $0x4000  }
0x2b: {  	p0 =	sne.s32 s10, s4;
	[sflag:s9] =	ssyncset.done $0x0  }
.Ltmp1:
0x2c: {  	[sflag:s9] =	ssyncadd.s32 $0xFFFFC000;
	(pc) =	sbr.rel @p0 .LBB2_1-.Ltmp1, $4  }
0x2d: {  	[hbm4b:s11+s2] =	stream.linear.scatter [tilespmem:s8], [sflag:$0x2], $0x4000, $0x38;
	[tilespmem:$0x4080] =	vst v63  }
0x2e: {  	_ =	swait.ge [sflag:s7], $0x4000  }
0x2f: {  	[sflag:s7] =	ssyncset.done $0x0  }
0x30: {  	[sflag:s7] =	ssyncadd.s32 $0xFFFFC000  }
0x31: {  	_ =	sfence.sel $0x180000  }
0x32: {  	[bflag:$0x0] =	sbarrier.arrive $0xFFFF  }
0x33: {  	p0 =	sne.s32 s1, $0x0;
	_ =	strace $0x9000004D  }
0x34: {  	s0 =	sadd.s32 @!p0 $0x100000, s0;
	[bflag:$0x2] =	sbarrier.arrive $0xFFFF  }
0x35: {  	[sflag:s0] =	ssyncadd.tile.s32 @!p0 $0x1;
	_ =	shalt  }
.Lfunc_end2:
_tile_overlayer_lowered:
.L_overlay_start_2:
0x36: {  	(tag) =	ssettag $0x2  }
0x37: {  	s0 =	rddreg [dreg:$0x0];
	s2 =	stileid.u32  }
0x38: {  	s1 =	rddreg [dreg:$0x1];
	p0 =	sne.s32 s2, $0x0  }
0x39: {  	s3 =	rddreg [dreg:$0x2];
	[bflag:$0x3] =	sbarrier.arrive $0xFFFF;
	s2 =	simm.s32 @!p0 $0x1C02  }
0x3a: {  	[timem:s3], [sflag:s2] =	dma.local @!p0 [hbm:s0], s1  }
0x3b: {  	s0 =	simm.s32 @!p0 $0x2  }
0x3c: {  	_ =	swait.ge @!p0 [sflag:s0], s1  }
0x3d: {  	s1 =	ssub.s32 @!p0 $0x0, s1;
	[sflag:s0] =	ssyncset.done @!p0 $0x0  }
0x3e: {  	[sflag:s0] =	ssyncadd.s32 @!p0 s1  }
0x3f: {  	[bflag:$0x3] =	sbarrier.arrive $0xFFFF  }
0x40: {  	_ =	shalt  }

</sc_bundles>
